<compile_context>
chip_gen: v7x
topology: tpu7x:2x2x1
jax: 0.10.2.dev20260603
libtpu: 0.0.44.dev20260713+nightly
codegen_flags: <defaults>
</compile_context>

<pallas_src>
import functools

import jax
import jax.numpy as jnp
from jax import lax
from jax.experimental import pallas as pl
from jax.experimental.pallas import tpu as pltpu
from jax.experimental.pallas import tpu_sc as plsc

N, D, E, B, O = 10000, 128, 320000, 16, 10

NC, NS = 2, 16
NW = NC * NS
EPW = E // NW
CHUNK = 64
NCHUNK = EPW // CHUNK
TAIL = EPW - NCHUNK * CHUNK
NP = 10240
RPT = NP // NS

R = 1000
NB = N // R


NR = 4
NG = NCHUNK // NR


def _sc_agg_body(src_hbm, dst_hbm, feat_hbm, zeros_hbm, out_hbm,
                 sidx_f, didx_r, didx_t, rows_v, rows_t, acc_sh,
                 gsem0, gsem1, gsem2, gsem3, dsem0, dsem1, dsem2, dsem3):
    gsems = (gsem0, gsem1, gsem2, gsem3)
    dsems = (dsem0, dsem1, dsem2, dsem3)
    c = lax.axis_index("c")
    s = lax.axis_index("s")
    wid = c * NS + s
    ebase = wid * EPW
    pltpu.sync_copy(src_hbm.at[pl.ds(ebase, EPW)], sidx_f)

    def gather(chunk, slot):
        return pltpu.make_async_copy(
            feat_hbm.at[sidx_f.at[pl.ds(chunk * CHUNK, CHUNK)]],
            rows_v.at[slot], gsems[slot])

    def dfetch(chunk, slot):
        return pltpu.make_async_copy(
            dst_hbm.at[pl.ds(ebase + chunk * CHUNK, CHUNK)],
            didx_r.at[slot], dsems[slot])

    for b in range(NR):
        dfetch(b, b).start()
        gather(b, b).start()

    @pl.when(c == 0)
    def _():
        @pl.when(s < NS - 1)
        def _():
            pltpu.sync_copy(feat_hbm.at[pl.ds(s * RPT, RPT)],
                            acc_sh.at[pl.ds(s * RPT, RPT)])

        @pl.when(s == NS - 1)
        def _():
            lo = (NS - 1) * RPT
            pltpu.sync_copy(feat_hbm.at[pl.ds(lo, N - lo)],
                            acc_sh.at[pl.ds(lo, N - lo)])

    @pl.when(c == 1)
    def _():
        pltpu.sync_copy(zeros_hbm.at[pl.ds(s * RPT, RPT)],
                        acc_sh.at[pl.ds(s * RPT, RPT)])
    plsc.subcore_barrier()

    def round_(g, carry):
        for b in range(NR):
            ck = g * NR + b
            gather(ck, b).wait()
            dfetch(ck, b).wait()
            pltpu.sync_copy(rows_v.at[b], acc_sh.at[didx_r.at[b]], add=True)

            @pl.when(g < NG - 1)
            def _():
                dfetch(ck + NR, b).start()
                gather(ck + NR, b).start()
        return carry

    lax.fori_loop(0, NG, round_, 0)
    pltpu.sync_copy(dst_hbm.at[pl.ds(ebase + NCHUNK * CHUNK, TAIL)], didx_t)
    pltpu.async_copy(
        feat_hbm.at[sidx_f.at[pl.ds(NCHUNK * CHUNK, TAIL)]], rows_t,
        gsem0).wait()
    pltpu.sync_copy(rows_t, acc_sh.at[didx_t], add=True)
    plsc.subcore_barrier()
    pltpu.sync_copy(acc_sh.at[pl.ds(s * RPT, RPT)],
                    out_hbm.at[c, pl.ds(s * RPT, RPT)])


_sc_agg = functools.partial(
    pl.kernel,
    out_type=jax.ShapeDtypeStruct((NC, NP, D), jnp.float32),
    mesh=plsc.VectorSubcoreMesh(core_axis_name="c", subcore_axis_name="s"),
    scratch_types=[
        pltpu.VMEM((EPW,), jnp.int32),
        pltpu.VMEM((NR, CHUNK), jnp.int32),
        pltpu.VMEM((TAIL,), jnp.int32),
        pltpu.VMEM((NR, CHUNK, D), jnp.float32),
        pltpu.VMEM((TAIL, D), jnp.float32),
        pltpu.VMEM_SHARED((NP, D), jnp.float32),
        pltpu.SemaphoreType.DMA,
        pltpu.SemaphoreType.DMA,
        pltpu.SemaphoreType.DMA,
        pltpu.SemaphoreType.DMA,
        pltpu.SemaphoreType.DMA,
        pltpu.SemaphoreType.DMA,
        pltpu.SemaphoreType.DMA,
        pltpu.SemaphoreType.DMA,
    ],
)(_sc_agg_body)


def _gin_mlp(p_ref, w1_ref, b1_ref, w2_ref, b2_ref):
    h = p_ref[0] + p_ref[1]
    a = jnp.maximum(
        jnp.dot(h, w1_ref[...], preferred_element_type=jnp.float32)
        + b1_ref[...], 0.0)
    return (jnp.dot(a, w2_ref[...], preferred_element_type=jnp.float32)
            + b2_ref[...])


def _bn_stats(stats, h2, i):
    s1 = jnp.sum(h2, axis=0, keepdims=True)
    s2 = jnp.sum(h2 * h2, axis=0, keepdims=True)

    @pl.when(i == 0)
    def _():
        stats[0:1] = s1
        stats[1:2] = s2

    @pl.when(i > 0)
    def _():
        stats[0:1] = stats[0:1] + s1
        stats[1:2] = stats[1:2] + s2


def _bn_norm(stats, h2, g_ref, be_ref):
    mu = stats[0:1] / N
    var = stats[1:2] / N - mu * mu
    rstd = lax.rsqrt(var + 1e-5)
    return jnp.maximum((h2 - mu) * rstd * g_ref[...] + be_ref[...], 0.0)


def _tc_layer1_body(p_ref, w1_ref, b1_ref, w2_ref, b2_ref, g_ref,
                    be_ref, out_ref, h_buf, stats):
    ph = pl.program_id(0)
    i = pl.program_id(1)

    @pl.when(ph == 0)
    def _():
        h2 = _gin_mlp(p_ref, w1_ref, b1_ref, w2_ref, b2_ref)
        h_buf[i] = h2
        _bn_stats(stats, h2, i)

    @pl.when(ph == 1)
    def _():
        out_ref[...] = _bn_norm(stats, h_buf[i], g_ref, be_ref)


def _tc_layer2_body(p_ref, w1_ref, b1_ref, w2_ref, b2_ref, g_ref,
                    be_ref, bat_ref, wp_ref, bp_ref, out_ref, h_buf, stats,
                    pool):
    ph = pl.program_id(0)
    i = pl.program_id(1)

    @pl.when(ph == 0)
    def _():
        h2 = _gin_mlp(p_ref, w1_ref, b1_ref, w2_ref, b2_ref)
        h_buf[i] = h2
        _bn_stats(stats, h2, i)

    @pl.when(ph == 1)
    def _():
        hn = _bn_norm(stats, h_buf[i], g_ref, be_ref)
        seg = lax.broadcasted_iota(jnp.int32, (B, R), 0)
        maskf = (bat_ref[0] == seg).astype(jnp.float32)
        part = lax.dot_general(maskf, hn, (((1,), (0,)), ((), ())),
                               preferred_element_type=jnp.float32)

        @pl.when(i == 0)
        def _():
            pool[...] = part

        @pl.when(i > 0)
        def _():
            pool[...] = pool[...] + part

        @pl.when(i == NB - 1)
        def _():
            out_ref[...] = (
                jnp.dot(pool[...], wp_ref[...],
                        preferred_element_type=jnp.float32) + bp_ref[...])


def _row_map(ph, i):
    return (i * (1 - ph), 0)


def _p_map(ph, i):
    return (0, i * (1 - ph), 0)


def _const2(ph, i):
    return (0, 0)


_W_SPEC = pl.BlockSpec((D, D), _const2)
_V_SPEC = pl.BlockSpec((1, D), _const2)

_tc_layer1 = pl.pallas_call(
    _tc_layer1_body,
    grid=(2, NB),
    in_specs=[
        pl.BlockSpec((NC, R, D), _p_map),
        _W_SPEC, _V_SPEC, _W_SPEC, _V_SPEC, _V_SPEC, _V_SPEC,
    ],
    out_specs=pl.BlockSpec((R, D), lambda ph, i: (i, 0)),
    out_shape=jax.ShapeDtypeStruct((N, D), jnp.float32),
    scratch_shapes=[
        pltpu.VMEM((NB, R, D), jnp.float32),
        pltpu.VMEM((8, D), jnp.float32),
    ],
)

_tc_layer2 = pl.pallas_call(
    _tc_layer2_body,
    grid=(2, NB),
    in_specs=[
        pl.BlockSpec((NC, R, D), _p_map),
        _W_SPEC, _V_SPEC, _W_SPEC, _V_SPEC, _V_SPEC, _V_SPEC,
        pl.BlockSpec((1, 1, R), lambda ph, i: (i * ph, 0, 0)),
        _W_SPEC, _V_SPEC,
    ],
    out_specs=pl.BlockSpec((B, D), _const2),
    out_shape=jax.ShapeDtypeStruct((B, D), jnp.float32),
    scratch_shapes=[
        pltpu.VMEM((NB, R, D), jnp.float32),
        pltpu.VMEM((8, D), jnp.float32),
        pltpu.VMEM((B, D), jnp.float32),
    ],
)


def kernel(x, edge_index, degrees, identifiers, batch,
           W1_0, b1_0, W2_0, b2_0, gamma_0, beta_0,
           W1_1, b1_1, W2_1, b2_1, gamma_1, beta_1, Wp, bp):
    src = edge_index[0].astype(jnp.int32)
    dst = edge_index[1].astype(jnp.int32)
    zeros = jnp.zeros((NP, D), jnp.float32)
    bat3 = batch.astype(jnp.int32).reshape(NB, 1, R)
    wp_pad = jnp.zeros((D, D), jnp.float32).at[:, :O].set(Wp)
    bp_pad = jnp.zeros((1, D), jnp.float32).at[0, :O].set(bp)

    p1 = _sc_agg(src, dst, x, zeros)
    h1 = _tc_layer1(p1, W1_0, b1_0.reshape(1, D), W2_0,
                    b2_0.reshape(1, D), gamma_0.reshape(1, D),
                    beta_0.reshape(1, D))
    p2 = _sc_agg(src, dst, h1, zeros)
    pred = _tc_layer2(p2, W1_1, b1_1.reshape(1, D), W2_1,
                      b2_1.reshape(1, D), gamma_1.reshape(1, D),
                      beta_1.reshape(1, D), bat3, wp_pad, bp_pad)
    return pred[:, :O]

# --- scband reference (transcript-rebuilt; emitter-appended) ---
"""Pipeline reference for scband-gnnsubstructures-21002390077869 (READ-ONLY COPY).

The authoritative reference and input builder live on the scoring server;
editing this copy changes nothing except your own understanding.
"""

import jax, jax.numpy as jnp
import numpy as np

N, D, E, B, O = 10000, 128, 320000, 16, 10

def setup_inputs(seed: int = 0) -> dict:
    key = jax.random.key(seed)
    ks = jax.random.split(key, 16)
    x = jax.random.normal(ks[0], (N, D), dtype=jnp.float32)
    edge_index = jax.random.randint(ks[1], (2, E), 0, N)
    degrees = jax.random.randint(ks[2], (N,), 0, 64)
    identifiers = jax.random.randint(ks[3], (N, 4), 0, 10)
    batch = jnp.sort(jax.random.randint(ks[4], (N,), 0, B))
    s = 0.05
    inp = {'x': x, 'edge_index': edge_index, 'degrees': degrees,
           'identifiers': identifiers, 'batch': batch}
    for i in range(2):
        inp['W1_%d' % i] = jax.random.normal(ks[5 + 4 * i], (D, D), dtype=jnp.float32) * s
        inp['b1_%d' % i] = jnp.zeros((D,), dtype=jnp.float32)
        inp['W2_%d' % i] = jax.random.normal(ks[6 + 4 * i], (D, D), dtype=jnp.float32) * s
        inp['b2_%d' % i] = jnp.zeros((D,), dtype=jnp.float32)
        inp['gamma_%d' % i] = jnp.ones((D,), dtype=jnp.float32)
        inp['beta_%d' % i] = jnp.zeros((D,), dtype=jnp.float32)
    inp['Wp'] = jax.random.normal(ks[14], (D, O), dtype=jnp.float32) * s
    inp['bp'] = jnp.zeros((O,), dtype=jnp.float32)
    return inp

def _gin_layer(x, edge_index, W1, b1, W2, b2, gamma, beta):
    # MPNN_sparse with msg_kind='gin', aggr='add', eps=0 (train_eps=False):
    #   message: x_j gathered along edges; scatter-add into destination nodes
    src = edge_index[0]
    dst = edge_index[1]
    agg = jnp.zeros_like(x).at[dst].add(jnp.take(x, src, axis=0))
    h = (1.0 + 0.0) * x + agg
    # update mlp: Linear -> relu -> Linear  (activation_mlp='relu', bn_mlp=False)
    h = jnp.maximum(h @ W1 + b1, 0.0) @ W2 + b2
    # BatchNorm1d (training-mode batch stats)
    mu = jnp.mean(h, axis=0)
    var = jnp.var(h, axis=0)
    h = (h - mu) / jnp.sqrt(var + 1e-5) * gamma + beta
    # outer activation ('relu')
    return jnp.maximum(h, 0.0)

def reference(x, edge_index, degrees, identifiers, batch,
              W1_0, b1_0, W2_0, b2_0, gamma_0, beta_0,
              W1_1, b1_1, W2_1, b2_1, gamma_1, beta_1, Wp, bp):
    # input_node_encoder='None' -> identity; degree/id encoders are 'None' (identity)
    # and their outputs are unused by MPNN_sparse (degree_as_tag=False, no ids).
    h = x
    h = _gin_layer(h, edge_index, W1_0, b1_0, W2_0, b2_0, gamma_0, beta_0)
    h = _gin_layer(h, edge_index, W1_1, b1_1, W2_1, b2_1, gamma_1, beta_1)
    # final_projection = [False, False, True]: only last representation projected
    pooled = jax.ops.segment_sum(h, batch, num_segments=B)  # readout='sum'
    prediction = pooled @ Wp + bp  # dropout p=0.0 -> no-op
    return prediction

if __name__ == "__main__":
    import jax
    _d = setup_inputs()
    print(jax.jit(kernel)(*tuple(_d.values())))

</pallas_src>

<mosaic_0001>
#map = affine_map<(d0, d1) -> (0)>
#map1 = affine_map<(d0, d1) -> (0, 0)>
#map2 = affine_map<(d0, d1) -> (0, 0, 0)>
module attributes {stable_mosaic.version = 14 : i64} {
  func.func @_sc_agg_body(%arg0: i32, %arg1: i32, %arg2: memref<320000xi32, #tpu.memory_space<hbm>>, %arg3: memref<320000xi32, #tpu.memory_space<hbm>>, %arg4: memref<10000x128xf32, #tpu.memory_space<hbm>>, %arg5: memref<10240x128xf32, #tpu.memory_space<hbm>>, %arg6: memref<2x10240x128xf32, #tpu.memory_space<hbm>>, %arg7: memref<10000xi32, #tpu.memory_space<vmem>>, %arg8: memref<4x64xi32, #tpu.memory_space<vmem>>, %arg9: memref<16xi32, #tpu.memory_space<vmem>>, %arg10: memref<4x64x128xf32, #tpu.memory_space<vmem>>, %arg11: memref<16x128xf32, #tpu.memory_space<vmem>>, %arg12: memref<10240x128xf32, #tpu.memory_space<vmem_shared>>, %arg13: memref<!tpu.dma_semaphore, #tpu.memory_space<semaphore_mem>>, %arg14: memref<!tpu.dma_semaphore, #tpu.memory_space<semaphore_mem>>, %arg15: memref<!tpu.dma_semaphore, #tpu.memory_space<semaphore_mem>>, %arg16: memref<!tpu.dma_semaphore, #tpu.memory_space<semaphore_mem>>, %arg17: memref<!tpu.dma_semaphore, #tpu.memory_space<semaphore_mem>>, %arg18: memref<!tpu.dma_semaphore, #tpu.memory_space<semaphore_mem>>, %arg19: memref<!tpu.dma_semaphore, #tpu.memory_space<semaphore_mem>>, %arg20: memref<!tpu.dma_semaphore, #tpu.memory_space<semaphore_mem>>) attributes {dimension_semantics = [#tpu.dimension_semantics<core_parallel>, #tpu.dimension_semantics<subcore_parallel>], iteration_bounds = array<i64: 2, 16>, scalar_prefetch = 0 : i64, scratch_operands = 14 : i64, tpu.core_type = #tpu.core_type<sc_vector_subcore>, window_params = [{transform_indices = #map}, {transform_indices = #map}, {transform_indices = #map1}, {transform_indices = #map1}, {transform_indices = #map2}]} {
    %mul3A = arith.constant 16 : i32
    %mul3A_0 = arith.muli %arg0, %mul3A : i32
    %add3A = arith.addi %mul3A_0, %arg1 : i32
    %mul3A_1 = arith.constant 10000 : i32
    %mul3A_2 = arith.muli %add3A, %mul3A_1 : i32
    "tpu.region"() ({
      %run_scoped3A = tpu.sem_alloc : memref<!tpu.dma_semaphore, #tpu.memory_space<semaphore_mem>>
      %dma_start3A_114 = tpu.memref_slice %arg2[%mul3A_2] : memref<320000xi32, #tpu.memory_space<hbm>> -> memref<10000xi32, #tpu.memory_space<hbm>>
      %dma_start3A_115 = tpu.memref_slice %arg2[%mul3A_2] : memref<320000xi32, #tpu.memory_space<hbm>> -> memref<10000xi32, #tpu.memory_space<hbm>>
      tpu.enqueue_dma source(%dma_start3A_115 : memref<10000xi32, #tpu.memory_space<hbm>>) target(%arg7 : memref<10000xi32, #tpu.memory_space<vmem>>) target_semaphore(%run_scoped3A : memref<!tpu.dma_semaphore, #tpu.memory_space<semaphore_mem>>)
      %dma_wait3A_116 = tpu.memref_slice %arg2[%mul3A_2] : memref<320000xi32, #tpu.memory_space<hbm>> -> memref<10000xi32, #tpu.memory_space<hbm>>
      %dma_wait3A_117 = tpu.memref_slice %arg2[%mul3A_2] : memref<320000xi32, #tpu.memory_space<hbm>> -> memref<10000xi32, #tpu.memory_space<hbm>>
      tpu.wait_dma2 semaphore(%run_scoped3A : memref<!tpu.dma_semaphore, #tpu.memory_space<semaphore_mem>>) src(%dma_wait3A_117 : memref<10000xi32, #tpu.memory_space<hbm>>) dst(%arg7 : memref<10000xi32, #tpu.memory_space<vmem>>)
      tpu.yield
    }) : () -> ()
    %add3A_3 = arith.constant 0 : i32
    %add3A_4 = arith.addi %mul3A_2, %add3A_3 : i32
    %dma_start3A = arith.constant 0 : i32
    %dma_start3A_5 = arith.constant 0 : i32
    %dma_start3A_6 = tpu.memref_slice %arg8[%dma_start3A, %dma_start3A_5] : memref<4x64xi32, #tpu.memory_space<vmem>> -> memref<1x64xi32, #tpu.memory_space<vmem>>
    %dma_start3A_7 = tpu.memref_squeeze %dma_start3A_6 : memref<1x64xi32, #tpu.memory_space<vmem>> -> memref<64xi32, #tpu.memory_space<vmem>>
    %dma_start3A_8 = tpu.memref_slice %arg3[%add3A_4] : memref<320000xi32, #tpu.memory_space<hbm>> -> memref<64xi32, #tpu.memory_space<hbm>>
    %dma_start3A_9 = arith.constant 0 : i32
    %dma_start3A_10 = tpu.memref_slice %arg8[%dma_start3A, %dma_start3A_9] : memref<4x64xi32, #tpu.memory_space<vmem>> -> memref<1x64xi32, #tpu.memory_space<vmem>>
    %dma_start3A_11 = tpu.memref_squeeze %dma_start3A_10 : memref<1x64xi32, #tpu.memory_space<vmem>> -> memref<64xi32, #tpu.memory_space<vmem>>
    %dma_start3A_12 = tpu.memref_slice %arg3[%add3A_4] : memref<320000xi32, #tpu.memory_space<hbm>> -> memref<64xi32, #tpu.memory_space<hbm>>
    tpu.enqueue_dma source(%dma_start3A_12 : memref<64xi32, #tpu.memory_space<hbm>>) target(%dma_start3A_11 : memref<64xi32, #tpu.memory_space<vmem>>) target_semaphore(%arg17 : memref<!tpu.dma_semaphore, #tpu.memory_space<semaphore_mem>>)
    %dma_start3A_13 = arith.constant 0 : i32
    %dma_start3A_14 = arith.constant 0 : i32
    %dma_start3A_15 = arith.constant 0 : i32
    %dma_start3A_16 = tpu.memref_slice %arg10[%dma_start3A_13, %dma_start3A_14, %dma_start3A_15] : memref<4x64x128xf32, #tpu.memory_space<vmem>> -> memref<1x64x128xf32, #tpu.memory_space<vmem>>
    %dma_start3A_17 = tpu.memref_squeeze %dma_start3A_16 : memref<1x64x128xf32, #tpu.memory_space<vmem>> -> memref<64x128xf32, #tpu.memory_space<vmem>>
    %dma_start3A_18 = arith.constant 0 : i32
    %dma_start3A_19 = tpu.memref_slice %arg7[%dma_start3A_18] : memref<10000xi32, #tpu.memory_space<vmem>> -> memref<64xi32, #tpu.memory_space<vmem>>
    %dma_start3A_20 = arith.constant 0 : i32
    %dma_start3A_21 = arith.constant 0 : i32
    %dma_start3A_22 = tpu.memref_slice %arg4[%dma_start3A_20, %dma_start3A_21] : memref<10000x128xf32, #tpu.memory_space<hbm>> -> memref<10000x128xf32, #tpu.memory_space<hbm>>
    tpu.enqueue_indirect_dma source(%dma_start3A_22 : memref<10000x128xf32, #tpu.memory_space<hbm>>) target(%dma_start3A_17 : memref<64x128xf32, #tpu.memory_space<vmem>>) offsets(%dma_start3A_19 : memref<64xi32, #tpu.memory_space<vmem>>) semaphore(%arg13 : memref<!tpu.dma_semaphore, #tpu.memory_space<semaphore_mem>>)
    %add3A_23 = arith.constant 64 : i32
    %add3A_24 = arith.addi %mul3A_2, %add3A_23 : i32
    %dma_start3A_25 = arith.constant 1 : i32
    %dma_start3A_26 = arith.constant 0 : i32
    %dma_start3A_27 = tpu.memref_slice %arg8[%dma_start3A_25, %dma_start3A_26] : memref<4x64xi32, #tpu.memory_space<vmem>> -> memref<1x64xi32, #tpu.memory_space<vmem>>
    %dma_start3A_28 = tpu.memref_squeeze %dma_start3A_27 : memref<1x64xi32, #tpu.memory_space<vmem>> -> memref<64xi32, #tpu.memory_space<vmem>>
    %dma_start3A_29 = tpu.memref_slice %arg3[%add3A_24] : memref<320000xi32, #tpu.memory_space<hbm>> -> memref<64xi32, #tpu.memory_space<hbm>>
    %dma_start3A_30 = arith.constant 0 : i32
    %dma_start3A_31 = tpu.memref_slice %arg8[%dma_start3A_25, %dma_start3A_30] : memref<4x64xi32, #tpu.memory_space<vmem>> -> memref<1x64xi32, #tpu.memory_space<vmem>>
    %dma_start3A_32 = tpu.memref_squeeze %dma_start3A_31 : memref<1x64xi32, #tpu.memory_space<vmem>> -> memref<64xi32, #tpu.memory_space<vmem>>
    %dma_start3A_33 = tpu.memref_slice %arg3[%add3A_24] : memref<320000xi32, #tpu.memory_space<hbm>> -> memref<64xi32, #tpu.memory_space<hbm>>
    tpu.enqueue_dma source(%dma_start3A_33 : memref<64xi32, #tpu.memory_space<hbm>>) target(%dma_start3A_32 : memref<64xi32, #tpu.memory_space<vmem>>) target_semaphore(%arg18 : memref<!tpu.dma_semaphore, #tpu.memory_space<semaphore_mem>>)
    %dma_start3A_34 = arith.constant 1 : i32
    %dma_start3A_35 = arith.constant 0 : i32
    %dma_start3A_36 = arith.constant 0 : i32
    %dma_start3A_37 = tpu.memref_slice %arg10[%dma_start3A_34, %dma_start3A_35, %dma_start3A_36] : memref<4x64x128xf32, #tpu.memory_space<vmem>> -> memref<1x64x128xf32, #tpu.memory_space<vmem>>
    %dma_start3A_38 = tpu.memref_squeeze %dma_start3A_37 : memref<1x64x128xf32, #tpu.memory_space<vmem>> -> memref<64x128xf32, #tpu.memory_space<vmem>>
    %dma_start3A_39 = arith.constant 64 : i32
    %dma_start3A_40 = tpu.memref_slice %arg7[%dma_start3A_39] : memref<10000xi32, #tpu.memory_space<vmem>> -> memref<64xi32, #tpu.memory_space<vmem>>
    %dma_start3A_41 = arith.constant 0 : i32
    %dma_start3A_42 = arith.constant 0 : i32
    %dma_start3A_43 = tpu.memref_slice %arg4[%dma_start3A_41, %dma_start3A_42] : memref<10000x128xf32, #tpu.memory_space<hbm>> -> memref<10000x128xf32, #tpu.memory_space<hbm>>
    tpu.enqueue_indirect_dma source(%dma_start3A_43 : memref<10000x128xf32, #tpu.memory_space<hbm>>) target(%dma_start3A_38 : memref<64x128xf32, #tpu.memory_space<vmem>>) offsets(%dma_start3A_40 : memref<64xi32, #tpu.memory_space<vmem>>) semaphore(%arg14 : memref<!tpu.dma_semaphore, #tpu.memory_space<semaphore_mem>>)
    %add3A_44 = arith.constant 128 : i32
    %add3A_45 = arith.addi %mul3A_2, %add3A_44 : i32
    %dma_start3A_46 = arith.constant 2 : i32
    %dma_start3A_47 = arith.constant 0 : i32
    %dma_start3A_48 = tpu.memref_slice %arg8[%dma_start3A_46, %dma_start3A_47] : memref<4x64xi32, #tpu.memory_space<vmem>> -> memref<1x64xi32, #tpu.memory_space<vmem>>
    %dma_start3A_49 = tpu.memref_squeeze %dma_start3A_48 : memref<1x64xi32, #tpu.memory_space<vmem>> -> memref<64xi32, #tpu.memory_space<vmem>>
    %dma_start3A_50 = tpu.memref_slice %arg3[%add3A_45] : memref<320000xi32, #tpu.memory_space<hbm>> -> memref<64xi32, #tpu.memory_space<hbm>>
    %dma_start3A_51 = arith.constant 0 : i32
    %dma_start3A_52 = tpu.memref_slice %arg8[%dma_start3A_46, %dma_start3A_51] : memref<4x64xi32, #tpu.memory_space<vmem>> -> memref<1x64xi32, #tpu.memory_space<vmem>>
    %dma_start3A_53 = tpu.memref_squeeze %dma_start3A_52 : memref<1x64xi32, #tpu.memory_space<vmem>> -> memref<64xi32, #tpu.memory_space<vmem>>
    %dma_start3A_54 = tpu.memref_slice %arg3[%add3A_45] : memref<320000xi32, #tpu.memory_space<hbm>> -> memref<64xi32, #tpu.memory_space<hbm>>
    tpu.enqueue_dma source(%dma_start3A_54 : memref<64xi32, #tpu.memory_space<hbm>>) target(%dma_start3A_53 : memref<64xi32, #tpu.memory_space<vmem>>) target_semaphore(%arg19 : memref<!tpu.dma_semaphore, #tpu.memory_space<semaphore_mem>>)
    %dma_start3A_55 = arith.constant 2 : i32
    %dma_start3A_56 = arith.constant 0 : i32
    %dma_start3A_57 = arith.constant 0 : i32
    %dma_start3A_58 = tpu.memref_slice %arg10[%dma_start3A_55, %dma_start3A_56, %dma_start3A_57] : memref<4x64x128xf32, #tpu.memory_space<vmem>> -> memref<1x64x128xf32, #tpu.memory_space<vmem>>
    %dma_start3A_59 = tpu.memref_squeeze %dma_start3A_58 : memref<1x64x128xf32, #tpu.memory_space<vmem>> -> memref<64x128xf32, #tpu.memory_space<vmem>>
    %dma_start3A_60 = arith.constant 128 : i32
    %dma_start3A_61 = tpu.memref_slice %arg7[%dma_start3A_60] : memref<10000xi32, #tpu.memory_space<vmem>> -> memref<64xi32, #tpu.memory_space<vmem>>
    %dma_start3A_62 = arith.constant 0 : i32
    %dma_start3A_63 = arith.constant 0 : i32
    %dma_start3A_64 = tpu.memref_slice %arg4[%dma_start3A_62, %dma_start3A_63] : memref<10000x128xf32, #tpu.memory_space<hbm>> -> memref<10000x128xf32, #tpu.memory_space<hbm>>
    tpu.enqueue_indirect_dma source(%dma_start3A_64 : memref<10000x128xf32, #tpu.memory_space<hbm>>) target(%dma_start3A_59 : memref<64x128xf32, #tpu.memory_space<vmem>>) offsets(%dma_start3A_61 : memref<64xi32, #tpu.memory_space<vmem>>) semaphore(%arg15 : memref<!tpu.dma_semaphore, #tpu.memory_space<semaphore_mem>>)
    %add3A_65 = arith.constant 192 : i32
    %add3A_66 = arith.addi %mul3A_2, %add3A_65 : i32
    %dma_start3A_67 = arith.constant 3 : i32
    %dma_start3A_68 = arith.constant 0 : i32
    %dma_start3A_69 = tpu.memref_slice %arg8[%dma_start3A_67, %dma_start3A_68] : memref<4x64xi32, #tpu.memory_space<vmem>> -> memref<1x64xi32, #tpu.memory_space<vmem>>
    %dma_start3A_70 = tpu.memref_squeeze %dma_start3A_69 : memref<1x64xi32, #tpu.memory_space<vmem>> -> memref<64xi32, #tpu.memory_space<vmem>>
    %dma_start3A_71 = tpu.memref_slice %arg3[%add3A_66] : memref<320000xi32, #tpu.memory_space<hbm>> -> memref<64xi32, #tpu.memory_space<hbm>>
    %dma_start3A_72 = arith.constant 0 : i32
    %dma_start3A_73 = tpu.memref_slice %arg8[%dma_start3A_67, %dma_start3A_72] : memref<4x64xi32, #tpu.memory_space<vmem>> -> memref<1x64xi32, #tpu.memory_space<vmem>>
    %dma_start3A_74 = tpu.memref_squeeze %dma_start3A_73 : memref<1x64xi32, #tpu.memory_space<vmem>> -> memref<64xi32, #tpu.memory_space<vmem>>
    %dma_start3A_75 = tpu.memref_slice %arg3[%add3A_66] : memref<320000xi32, #tpu.memory_space<hbm>> -> memref<64xi32, #tpu.memory_space<hbm>>
    tpu.enqueue_dma source(%dma_start3A_75 : memref<64xi32, #tpu.memory_space<hbm>>) target(%dma_start3A_74 : memref<64xi32, #tpu.memory_space<vmem>>) target_semaphore(%arg20 : memref<!tpu.dma_semaphore, #tpu.memory_space<semaphore_mem>>)
    %dma_start3A_76 = arith.constant 3 : i32
    %dma_start3A_77 = arith.constant 0 : i32
    %dma_start3A_78 = arith.constant 0 : i32
    %dma_start3A_79 = tpu.memref_slice %arg10[%dma_start3A_76, %dma_start3A_77, %dma_start3A_78] : memref<4x64x128xf32, #tpu.memory_space<vmem>> -> memref<1x64x128xf32, #tpu.memory_space<vmem>>
    %dma_start3A_80 = tpu.memref_squeeze %dma_start3A_79 : memref<1x64x128xf32, #tpu.memory_space<vmem>> -> memref<64x128xf32, #tpu.memory_space<vmem>>
    %dma_start3A_81 = arith.constant 192 : i32
    %dma_start3A_82 = tpu.memref_slice %arg7[%dma_start3A_81] : memref<10000xi32, #tpu.memory_space<vmem>> -> memref<64xi32, #tpu.memory_space<vmem>>
    %dma_start3A_83 = arith.constant 0 : i32
    %dma_start3A_84 = arith.constant 0 : i32
    %dma_start3A_85 = tpu.memref_slice %arg4[%dma_start3A_83, %dma_start3A_84] : memref<10000x128xf32, #tpu.memory_space<hbm>> -> memref<10000x128xf32, #tpu.memory_space<hbm>>
    tpu.enqueue_indirect_dma source(%dma_start3A_85 : memref<10000x128xf32, #tpu.memory_space<hbm>>) target(%dma_start3A_80 : memref<64x128xf32, #tpu.memory_space<vmem>>) offsets(%dma_start3A_82 : memref<64xi32, #tpu.memory_space<vmem>>) semaphore(%arg16 : memref<!tpu.dma_semaphore, #tpu.memory_space<semaphore_mem>>)
    %eq3A = arith.constant 0 : i32
    %eq3A_86 = arith.cmpi eq, %arg0, %eq3A : i32
    %convert_element_type3A = arith.extui %eq3A_86 : i1 to i32
    %cond3A = arith.constant 0 : i32
    %cond3A_87 = arith.cmpi ne, %convert_element_type3A, %cond3A : i32
    scf.if %cond3A_87 {
      %lt3A = arith.constant 15 : i32
      %lt3A_114 = arith.cmpi slt, %arg1, %lt3A : i32
      %convert_element_type3A_115 = arith.extui %lt3A_114 : i1 to i32
      %cond3A_116 = arith.constant 0 : i32
      %cond3A_117 = arith.cmpi ne, %convert_element_type3A_115, %cond3A_116 : i32
      scf.if %cond3A_117 {
        %mul3A_123 = arith.constant 640 : i32
        %mul3A_124 = arith.muli %arg1, %mul3A_123 : i32
        %mul3A_125 = arith.constant 640 : i32
        %mul3A_126 = arith.muli %arg1, %mul3A_125 : i32
        "tpu.region"() ({
          %run_scoped3A = tpu.sem_alloc : memref<!tpu.dma_semaphore, #tpu.memory_space<semaphore_mem>>
          %dma_start3A_127 = arith.constant 0 : i32
          %dma_start3A_128 = tpu.memref_slice %arg12[%mul3A_126, %dma_start3A_127] : memref<10240x128xf32, #tpu.memory_space<vmem_shared>> -> memref<640x128xf32, #tpu.memory_space<vmem_shared>>
          %dma_start3A_129 = arith.constant 0 : i32
          %dma_start3A_130 = tpu.memref_slice %arg4[%mul3A_124, %dma_start3A_129] : memref<10000x128xf32, #tpu.memory_space<hbm>> -> memref<640x128xf32, #tpu.memory_space<hbm>>
          tpu.enqueue_dma source(%dma_start3A_130 : memref<640x128xf32, #tpu.memory_space<hbm>>) target(%dma_start3A_128 : memref<640x128xf32, #tpu.memory_space<vmem_shared>>) target_semaphore(%run_scoped3A : memref<!tpu.dma_semaphore, #tpu.memory_space<semaphore_mem>>)
          %dma_wait3A_131 = arith.constant 0 : i32
          %dma_wait3A_132 = tpu.memref_slice %arg12[%mul3A_126, %dma_wait3A_131] : memref<10240x128xf32, #tpu.memory_space<vmem_shared>> -> memref<640x128xf32, #tpu.memory_space<vmem_shared>>
          %dma_wait3A_133 = arith.constant 0 : i32
          %dma_wait3A_134 = tpu.memref_slice %arg4[%mul3A_124, %dma_wait3A_133] : memref<10000x128xf32, #tpu.memory_space<hbm>> -> memref<640x128xf32, #tpu.memory_space<hbm>>
          tpu.wait_dma2 semaphore(%run_scoped3A : memref<!tpu.dma_semaphore, #tpu.memory_space<semaphore_mem>>) src(%dma_wait3A_134 : memref<640x128xf32, #tpu.memory_space<hbm>>) dst(%dma_wait3A_132 : memref<640x128xf32, #tpu.memory_space<vmem_shared>>)
          tpu.yield
        }) : () -> ()
      } else {
      }
      %eq3A_118 = arith.constant 15 : i32
      %eq3A_119 = arith.cmpi eq, %arg1, %eq3A_118 : i32
      %convert_element_type3A_120 = arith.extui %eq3A_119 : i1 to i32
      %cond3A_121 = arith.constant 0 : i32
      %cond3A_122 = arith.cmpi ne, %convert_element_type3A_120, %cond3A_121 : i32
      scf.if %cond3A_122 {
        "tpu.region"() ({
          %run_scoped3A = tpu.sem_alloc : memref<!tpu.dma_semaphore, #tpu.memory_space<semaphore_mem>>
          %dma_start3A_123 = arith.constant 9600 : i32
          %dma_start3A_124 = arith.constant 0 : i32
          %dma_start3A_125 = tpu.memref_slice %arg12[%dma_start3A_123, %dma_start3A_124] : memref<10240x128xf32, #tpu.memory_space<vmem_shared>> -> memref<400x128xf32, #tpu.memory_space<vmem_shared>>
          %dma_start3A_126 = arith.constant 9600 : i32
          %dma_start3A_127 = arith.constant 0 : i32
          %dma_start3A_128 = tpu.memref_slice %arg4[%dma_start3A_126, %dma_start3A_127] : memref<10000x128xf32, #tpu.memory_space<hbm>> -> memref<400x128xf32, #tpu.memory_space<hbm>>
          tpu.enqueue_dma source(%dma_start3A_128 : memref<400x128xf32, #tpu.memory_space<hbm>>) target(%dma_start3A_125 : memref<400x128xf32, #tpu.memory_space<vmem_shared>>) target_semaphore(%run_scoped3A : memref<!tpu.dma_semaphore, #tpu.memory_space<semaphore_mem>>)
          %dma_wait3A_129 = arith.constant 9600 : i32
          %dma_wait3A_130 = arith.constant 0 : i32
          %dma_wait3A_131 = tpu.memref_slice %arg12[%dma_wait3A_129, %dma_wait3A_130] : memref<10240x128xf32, #tpu.memory_space<vmem_shared>> -> memref<400x128xf32, #tpu.memory_space<vmem_shared>>
          %dma_wait3A_132 = arith.constant 9600 : i32
          %dma_wait3A_133 = arith.constant 0 : i32
          %dma_wait3A_134 = tpu.memref_slice %arg4[%dma_wait3A_132, %dma_wait3A_133] : memref<10000x128xf32, #tpu.memory_space<hbm>> -> memref<400x128xf32, #tpu.memory_space<hbm>>
          tpu.wait_dma2 semaphore(%run_scoped3A : memref<!tpu.dma_semaphore, #tpu.memory_space<semaphore_mem>>) src(%dma_wait3A_134 : memref<400x128xf32, #tpu.memory_space<hbm>>) dst(%dma_wait3A_131 : memref<400x128xf32, #tpu.memory_space<vmem_shared>>)
          tpu.yield
        }) : () -> ()
      } else {
      }
    } else {
    }
    %eq3A_88 = arith.constant 1 : i32
    %eq3A_89 = arith.cmpi eq, %arg0, %eq3A_88 : i32
    %convert_element_type3A_90 = arith.extui %eq3A_89 : i1 to i32
    %cond3A_91 = arith.constant 0 : i32
    %cond3A_92 = arith.cmpi ne, %convert_element_type3A_90, %cond3A_91 : i32
    scf.if %cond3A_92 {
      %mul3A_114 = arith.constant 640 : i32
      %mul3A_115 = arith.muli %arg1, %mul3A_114 : i32
      %mul3A_116 = arith.constant 640 : i32
      %mul3A_117 = arith.muli %arg1, %mul3A_116 : i32
      "tpu.region"() ({
        %run_scoped3A = tpu.sem_alloc : memref<!tpu.dma_semaphore, #tpu.memory_space<semaphore_mem>>
        %dma_start3A_118 = arith.constant 0 : i32
        %dma_start3A_119 = tpu.memref_slice %arg12[%mul3A_117, %dma_start3A_118] : memref<10240x128xf32, #tpu.memory_space<vmem_shared>> -> memref<640x128xf32, #tpu.memory_space<vmem_shared>>
        %dma_start3A_120 = arith.constant 0 : i32
        %dma_start3A_121 = tpu.memref_slice %arg5[%mul3A_115, %dma_start3A_120] : memref<10240x128xf32, #tpu.memory_space<hbm>> -> memref<640x128xf32, #tpu.memory_space<hbm>>
        tpu.enqueue_dma source(%dma_start3A_121 : memref<640x128xf32, #tpu.memory_space<hbm>>) target(%dma_start3A_119 : memref<640x128xf32, #tpu.memory_space<vmem_shared>>) target_semaphore(%run_scoped3A : memref<!tpu.dma_semaphore, #tpu.memory_space<semaphore_mem>>)
        %dma_wait3A_122 = arith.constant 0 : i32
        %dma_wait3A_123 = tpu.memref_slice %arg12[%mul3A_117, %dma_wait3A_122] : memref<10240x128xf32, #tpu.memory_space<vmem_shared>> -> memref<640x128xf32, #tpu.memory_space<vmem_shared>>
        %dma_wait3A_124 = arith.constant 0 : i32
        %dma_wait3A_125 = tpu.memref_slice %arg5[%mul3A_115, %dma_wait3A_124] : memref<10240x128xf32, #tpu.memory_space<hbm>> -> memref<640x128xf32, #tpu.memory_space<hbm>>
        tpu.wait_dma2 semaphore(%run_scoped3A : memref<!tpu.dma_semaphore, #tpu.memory_space<semaphore_mem>>) src(%dma_wait3A_125 : memref<640x128xf32, #tpu.memory_space<hbm>>) dst(%dma_wait3A_123 : memref<640x128xf32, #tpu.memory_space<vmem_shared>>)
        tpu.yield
      }) : () -> ()
    } else {
    }
    %barrier3A = arith.constant 0 : index
    tpu.barrier barrier_id(%barrier3A)
    %scan3A = arith.constant 0 : i32
    %scan3A_93 = arith.constant 0 : i32
    %scan3A_94 = arith.constant 39 : i32
    %scan3A_95 = arith.addi %scan3A_93, %scan3A_94 : i32
    %scan3A_96 = arith.constant 1 : i32
    scf.for %scan3A_114 = %scan3A_93 to %scan3A_95 step %scan3A_96  : i32 {
      %mul3A_115 = arith.constant 4 : i32
      %mul3A_116 = arith.muli %scan3A_114, %mul3A_115 : i32
      %add3A_117 = arith.constant 0 : i32
      %add3A_118 = arith.addi %mul3A_116, %add3A_117 : i32
      %mul3A_119 = arith.constant 64 : i32
      %mul3A_120 = arith.muli %add3A_118, %mul3A_119 : i32
      %dma_wait3A_121 = arith.constant 0 : i32
      %dma_wait3A_122 = arith.constant 0 : i32
      %dma_wait3A_123 = arith.constant 0 : i32
      %dma_wait3A_124 = tpu.memref_slice %arg10[%dma_wait3A_121, %dma_wait3A_122, %dma_wait3A_123] : memref<4x64x128xf32, #tpu.memory_space<vmem>> -> memref<1x64x128xf32, #tpu.memory_space<vmem>>
      %dma_wait3A_125 = tpu.memref_squeeze %dma_wait3A_124 : memref<1x64x128xf32, #tpu.memory_space<vmem>> -> memref<64x128xf32, #tpu.memory_space<vmem>>
      %dma_wait3A_126 = tpu.memref_slice %arg7[%mul3A_120] : memref<10000xi32, #tpu.memory_space<vmem>> -> memref<64xi32, #tpu.memory_space<vmem>>
      %dma_wait3A_127 = arith.constant 0 : i32
      %dma_wait3A_128 = arith.constant 0 : i32
      %dma_wait3A_129 = tpu.memref_slice %arg4[%dma_wait3A_127, %dma_wait3A_128] : memref<10000x128xf32, #tpu.memory_space<hbm>> -> memref<10000x128xf32, #tpu.memory_space<hbm>>
      tpu.wait_indirect_dma semaphore(%arg13 : memref<!tpu.dma_semaphore, #tpu.memory_space<semaphore_mem>>) src(%dma_wait3A_129 : memref<10000x128xf32, #tpu.memory_space<hbm>>) dst(%dma_wait3A_125 : memref<64x128xf32, #tpu.memory_space<vmem>>)
      %mul3A_130 = arith.constant 64 : i32
      %mul3A_131 = arith.muli %add3A_118, %mul3A_130 : i32
      %add3A_132 = arith.addi %mul3A_2, %mul3A_131 : i32
      %dma_wait3A_133 = arith.constant 0 : i32
      %dma_wait3A_134 = arith.constant 0 : i32
      %dma_wait3A_135 = tpu.memref_slice %arg8[%dma_wait3A_133, %dma_wait3A_134] : memref<4x64xi32, #tpu.memory_space<vmem>> -> memref<1x64xi32, #tpu.memory_space<vmem>>
      %dma_wait3A_136 = tpu.memref_squeeze %dma_wait3A_135 : memref<1x64xi32, #tpu.memory_space<vmem>> -> memref<64xi32, #tpu.memory_space<vmem>>
      %dma_wait3A_137 = tpu.memref_slice %arg3[%add3A_132] : memref<320000xi32, #tpu.memory_space<hbm>> -> memref<64xi32, #tpu.memory_space<hbm>>
      %dma_wait3A_138 = arith.constant 0 : i32
      %dma_wait3A_139 = tpu.memref_slice %arg8[%dma_wait3A_133, %dma_wait3A_138] : memref<4x64xi32, #tpu.memory_space<vmem>> -> memref<1x64xi32, #tpu.memory_space<vmem>>
      %dma_wait3A_140 = tpu.memref_squeeze %dma_wait3A_139 : memref<1x64xi32, #tpu.memory_space<vmem>> -> memref<64xi32, #tpu.memory_space<vmem>>
      %dma_wait3A_141 = tpu.memref_slice %arg3[%add3A_132] : memref<320000xi32, #tpu.memory_space<hbm>> -> memref<64xi32, #tpu.memory_space<hbm>>
      tpu.wait_dma2 semaphore(%arg17 : memref<!tpu.dma_semaphore, #tpu.memory_space<semaphore_mem>>) src(%dma_wait3A_141 : memref<64xi32, #tpu.memory_space<hbm>>) dst(%dma_wait3A_140 : memref<64xi32, #tpu.memory_space<vmem>>)
      %run_scoped3A = arith.constant 0 : i32
      %run_scoped3A_142 = arith.constant 0 : i32
      "tpu.region"() ({
        %run_scoped3A_249 = tpu.sem_alloc : memref<!tpu.dma_semaphore, #tpu.memory_space<semaphore_mem>>
        %dma_start3A_250 = arith.constant 0 : i32
        %dma_start3A_251 = arith.constant 0 : i32
        %dma_start3A_252 = tpu.memref_slice %arg10[%run_scoped3A, %dma_start3A_250, %dma_start3A_251] : memref<4x64x128xf32, #tpu.memory_space<vmem>> -> memref<1x64x128xf32, #tpu.memory_space<vmem>>
        %dma_start3A_253 = tpu.memref_squeeze %dma_start3A_252 : memref<1x64x128xf32, #tpu.memory_space<vmem>> -> memref<64x128xf32, #tpu.memory_space<vmem>>
        %dma_start3A_254 = arith.constant 0 : i32
        %dma_start3A_255 = tpu.memref_slice %arg8[%run_scoped3A_142, %dma_start3A_254] : memref<4x64xi32, #tpu.memory_space<vmem>> -> memref<1x64xi32, #tpu.memory_space<vmem>>
        %dma_start3A_256 = tpu.memref_squeeze %dma_start3A_255 : memref<1x64xi32, #tpu.memory_space<vmem>> -> memref<64xi32, #tpu.memory_space<vmem>>
        %dma_start3A_257 = arith.constant 0 : i32
        %dma_start3A_258 = arith.constant 0 : i32
        %dma_start3A_259 = tpu.memref_slice %arg12[%dma_start3A_257, %dma_start3A_258] : memref<10240x128xf32, #tpu.memory_space<vmem_shared>> -> memref<10240x128xf32, #tpu.memory_space<vmem_shared>>
        tpu.enqueue_indirect_dma source(%dma_start3A_253 : memref<64x128xf32, #tpu.memory_space<vmem>>) target(%dma_start3A_259 : memref<10240x128xf32, #tpu.memory_space<vmem_shared>>) offsets(%dma_start3A_256 : memref<64xi32, #tpu.memory_space<vmem>>) semaphore(%run_scoped3A_249 : memref<!tpu.dma_semaphore, #tpu.memory_space<semaphore_mem>>) {add = true}
        %dma_wait3A_260 = arith.constant 0 : i32
        %dma_wait3A_261 = arith.constant 0 : i32
        %dma_wait3A_262 = tpu.memref_slice %arg10[%run_scoped3A, %dma_wait3A_260, %dma_wait3A_261] : memref<4x64x128xf32, #tpu.memory_space<vmem>> -> memref<1x64x128xf32, #tpu.memory_space<vmem>>
        %dma_wait3A_263 = tpu.memref_squeeze %dma_wait3A_262 : memref<1x64x128xf32, #tpu.memory_space<vmem>> -> memref<64x128xf32, #tpu.memory_space<vmem>>
        %dma_wait3A_264 = arith.constant 0 : i32
        %dma_wait3A_265 = tpu.memref_slice %arg8[%run_scoped3A_142, %dma_wait3A_264] : memref<4x64xi32, #tpu.memory_space<vmem>> -> memref<1x64xi32, #tpu.memory_space<vmem>>
        %dma_wait3A_266 = tpu.memref_squeeze %dma_wait3A_265 : memref<1x64xi32, #tpu.memory_space<vmem>> -> memref<64xi32, #tpu.memory_space<vmem>>
        %dma_wait3A_267 = arith.constant 0 : i32
        %dma_wait3A_268 = arith.constant 0 : i32
        %dma_wait3A_269 = tpu.memref_slice %arg12[%dma_wait3A_267, %dma_wait3A_268] : memref<10240x128xf32, #tpu.memory_space<vmem_shared>> -> memref<10240x128xf32, #tpu.memory_space<vmem_shared>>
        tpu.wait_indirect_dma semaphore(%run_scoped3A_249 : memref<!tpu.dma_semaphore, #tpu.memory_space<semaphore_mem>>) src(%dma_wait3A_263 : memref<64x128xf32, #tpu.memory_space<vmem>>) dst(%dma_wait3A_269 : memref<10240x128xf32, #tpu.memory_space<vmem_shared>>)
        tpu.yield
      }) : () -> ()
      %lt3A = arith.constant 38 : i32
      %lt3A_143 = arith.cmpi slt, %scan3A_114, %lt3A : i32
      %convert_element_type3A_144 = arith.extui %lt3A_143 : i1 to i32
      %cond3A_145 = arith.constant 0 : i32
      %cond3A_146 = arith.cmpi ne, %convert_element_type3A_144, %cond3A_145 : i32
      scf.if %cond3A_146 {
        %add3A_249 = arith.constant 4 : i32
        %add3A_250 = arith.addi %add3A_118, %add3A_249 : i32
        %mul3A_251 = arith.constant 64 : i32
        %mul3A_252 = arith.muli %add3A_250, %mul3A_251 : i32
        %add3A_253 = arith.addi %mul3A_2, %mul3A_252 : i32
        %dma_start3A_254 = arith.constant 0 : i32
        %dma_start3A_255 = arith.constant 0 : i32
        %dma_start3A_256 = tpu.memref_slice %arg8[%dma_start3A_254, %dma_start3A_255] : memref<4x64xi32, #tpu.memory_space<vmem>> -> memref<1x64xi32, #tpu.memory_space<vmem>>
        %dma_start3A_257 = tpu.memref_squeeze %dma_start3A_256 : memref<1x64xi32, #tpu.memory_space<vmem>> -> memref<64xi32, #tpu.memory_space<vmem>>
        %dma_start3A_258 = tpu.memref_slice %arg3[%add3A_253] : memref<320000xi32, #tpu.memory_space<hbm>> -> memref<64xi32, #tpu.memory_space<hbm>>
        %dma_start3A_259 = arith.constant 0 : i32
        %dma_start3A_260 = tpu.memref_slice %arg8[%dma_start3A_254, %dma_start3A_259] : memref<4x64xi32, #tpu.memory_space<vmem>> -> memref<1x64xi32, #tpu.memory_space<vmem>>
        %dma_start3A_261 = tpu.memref_squeeze %dma_start3A_260 : memref<1x64xi32, #tpu.memory_space<vmem>> -> memref<64xi32, #tpu.memory_space<vmem>>
        %dma_start3A_262 = tpu.memref_slice %arg3[%add3A_253] : memref<320000xi32, #tpu.memory_space<hbm>> -> memref<64xi32, #tpu.memory_space<hbm>>
        tpu.enqueue_dma source(%dma_start3A_262 : memref<64xi32, #tpu.memory_space<hbm>>) target(%dma_start3A_261 : memref<64xi32, #tpu.memory_space<vmem>>) target_semaphore(%arg17 : memref<!tpu.dma_semaphore, #tpu.memory_space<semaphore_mem>>)
        %add3A_263 = arith.constant 4 : i32
        %add3A_264 = arith.addi %add3A_118, %add3A_263 : i32
        %mul3A_265 = arith.constant 64 : i32
        %mul3A_266 = arith.muli %add3A_264, %mul3A_265 : i32
        %dma_start3A_267 = arith.constant 0 : i32
        %dma_start3A_268 = arith.constant 0 : i32
        %dma_start3A_269 = arith.constant 0 : i32
        %dma_start3A_270 = tpu.memref_slice %arg10[%dma_start3A_267, %dma_start3A_268, %dma_start3A_269] : memref<4x64x128xf32, #tpu.memory_space<vmem>> -> memref<1x64x128xf32, #tpu.memory_space<vmem>>
        %dma_start3A_271 = tpu.memref_squeeze %dma_start3A_270 : memref<1x64x128xf32, #tpu.memory_space<vmem>> -> memref<64x128xf32, #tpu.memory_space<vmem>>
        %dma_start3A_272 = tpu.memref_slice %arg7[%mul3A_266] : memref<10000xi32, #tpu.memory_space<vmem>> -> memref<64xi32, #tpu.memory_space<vmem>>
        %dma_start3A_273 = arith.constant 0 : i32
        %dma_start3A_274 = arith.constant 0 : i32
        %dma_start3A_275 = tpu.memref_slice %arg4[%dma_start3A_273, %dma_start3A_274] : memref<10000x128xf32, #tpu.memory_space<hbm>> -> memref<10000x128xf32, #tpu.memory_space<hbm>>
        tpu.enqueue_indirect_dma source(%dma_start3A_275 : memref<10000x128xf32, #tpu.memory_space<hbm>>) target(%dma_start3A_271 : memref<64x128xf32, #tpu.memory_space<vmem>>) offsets(%dma_start3A_272 : memref<64xi32, #tpu.memory_space<vmem>>) semaphore(%arg13 : memref<!tpu.dma_semaphore, #tpu.memory_space<semaphore_mem>>)
      } else {
      }
      %mul3A_147 = arith.constant 4 : i32
      %mul3A_148 = arith.muli %scan3A_114, %mul3A_147 : i32
      %add3A_149 = arith.constant 1 : i32
      %add3A_150 = arith.addi %mul3A_148, %add3A_149 : i32
      %mul3A_151 = arith.constant 64 : i32
      %mul3A_152 = arith.muli %add3A_150, %mul3A_151 : i32
      %dma_wait3A_153 = arith.constant 1 : i32
      %dma_wait3A_154 = arith.constant 0 : i32
      %dma_wait3A_155 = arith.constant 0 : i32
      %dma_wait3A_156 = tpu.memref_slice %arg10[%dma_wait3A_153, %dma_wait3A_154, %dma_wait3A_155] : memref<4x64x128xf32, #tpu.memory_space<vmem>> -> memref<1x64x128xf32, #tpu.memory_space<vmem>>
      %dma_wait3A_157 = tpu.memref_squeeze %dma_wait3A_156 : memref<1x64x128xf32, #tpu.memory_space<vmem>> -> memref<64x128xf32, #tpu.memory_space<vmem>>
      %dma_wait3A_158 = tpu.memref_slice %arg7[%mul3A_152] : memref<10000xi32, #tpu.memory_space<vmem>> -> memref<64xi32, #tpu.memory_space<vmem>>
      %dma_wait3A_159 = arith.constant 0 : i32
      %dma_wait3A_160 = arith.constant 0 : i32
      %dma_wait3A_161 = tpu.memref_slice %arg4[%dma_wait3A_159, %dma_wait3A_160] : memref<10000x128xf32, #tpu.memory_space<hbm>> -> memref<10000x128xf32, #tpu.memory_space<hbm>>
      tpu.wait_indirect_dma semaphore(%arg14 : memref<!tpu.dma_semaphore, #tpu.memory_space<semaphore_mem>>) src(%dma_wait3A_161 : memref<10000x128xf32, #tpu.memory_space<hbm>>) dst(%dma_wait3A_157 : memref<64x128xf32, #tpu.memory_space<vmem>>)
      %mul3A_162 = arith.constant 64 : i32
      %mul3A_163 = arith.muli %add3A_150, %mul3A_162 : i32
      %add3A_164 = arith.addi %mul3A_2, %mul3A_163 : i32
      %dma_wait3A_165 = arith.constant 1 : i32
      %dma_wait3A_166 = arith.constant 0 : i32
      %dma_wait3A_167 = tpu.memref_slice %arg8[%dma_wait3A_165, %dma_wait3A_166] : memref<4x64xi32, #tpu.memory_space<vmem>> -> memref<1x64xi32, #tpu.memory_space<vmem>>
      %dma_wait3A_168 = tpu.memref_squeeze %dma_wait3A_167 : memref<1x64xi32, #tpu.memory_space<vmem>> -> memref<64xi32, #tpu.memory_space<vmem>>
      %dma_wait3A_169 = tpu.memref_slice %arg3[%add3A_164] : memref<320000xi32, #tpu.memory_space<hbm>> -> memref<64xi32, #tpu.memory_space<hbm>>
      %dma_wait3A_170 = arith.constant 0 : i32
      %dma_wait3A_171 = tpu.memref_slice %arg8[%dma_wait3A_165, %dma_wait3A_170] : memref<4x64xi32, #tpu.memory_space<vmem>> -> memref<1x64xi32, #tpu.memory_space<vmem>>
      %dma_wait3A_172 = tpu.memref_squeeze %dma_wait3A_171 : memref<1x64xi32, #tpu.memory_space<vmem>> -> memref<64xi32, #tpu.memory_space<vmem>>
      %dma_wait3A_173 = tpu.memref_slice %arg3[%add3A_164] : memref<320000xi32, #tpu.memory_space<hbm>> -> memref<64xi32, #tpu.memory_space<hbm>>
      tpu.wait_dma2 semaphore(%arg18 : memref<!tpu.dma_semaphore, #tpu.memory_space<semaphore_mem>>) src(%dma_wait3A_173 : memref<64xi32, #tpu.memory_space<hbm>>) dst(%dma_wait3A_172 : memref<64xi32, #tpu.memory_space<vmem>>)
      %run_scoped3A_174 = arith.constant 1 : i32
      %run_scoped3A_175 = arith.constant 1 : i32
      "tpu.region"() ({
        %run_scoped3A_249 = tpu.sem_alloc : memref<!tpu.dma_semaphore, #tpu.memory_space<semaphore_mem>>
        %dma_start3A_250 = arith.constant 0 : i32
        %dma_start3A_251 = arith.constant 0 : i32
        %dma_start3A_252 = tpu.memref_slice %arg10[%run_scoped3A_174, %dma_start3A_250, %dma_start3A_251] : memref<4x64x128xf32, #tpu.memory_space<vmem>> -> memref<1x64x128xf32, #tpu.memory_space<vmem>>
        %dma_start3A_253 = tpu.memref_squeeze %dma_start3A_252 : memref<1x64x128xf32, #tpu.memory_space<vmem>> -> memref<64x128xf32, #tpu.memory_space<vmem>>
        %dma_start3A_254 = arith.constant 0 : i32
        %dma_start3A_255 = tpu.memref_slice %arg8[%run_scoped3A_175, %dma_start3A_254] : memref<4x64xi32, #tpu.memory_space<vmem>> -> memref<1x64xi32, #tpu.memory_space<vmem>>
        %dma_start3A_256 = tpu.memref_squeeze %dma_start3A_255 : memref<1x64xi32, #tpu.memory_space<vmem>> -> memref<64xi32, #tpu.memory_space<vmem>>
        %dma_start3A_257 = arith.constant 0 : i32
        %dma_start3A_258 = arith.constant 0 : i32
        %dma_start3A_259 = tpu.memref_slice %arg12[%dma_start3A_257, %dma_start3A_258] : memref<10240x128xf32, #tpu.memory_space<vmem_shared>> -> memref<10240x128xf32, #tpu.memory_space<vmem_shared>>
        tpu.enqueue_indirect_dma source(%dma_start3A_253 : memref<64x128xf32, #tpu.memory_space<vmem>>) target(%dma_start3A_259 : memref<10240x128xf32, #tpu.memory_space<vmem_shared>>) offsets(%dma_start3A_256 : memref<64xi32, #tpu.memory_space<vmem>>) semaphore(%run_scoped3A_249 : memref<!tpu.dma_semaphore, #tpu.memory_space<semaphore_mem>>) {add = true}
        %dma_wait3A_260 = arith.constant 0 : i32
        %dma_wait3A_261 = arith.constant 0 : i32
        %dma_wait3A_262 = tpu.memref_slice %arg10[%run_scoped3A_174, %dma_wait3A_260, %dma_wait3A_261] : memref<4x64x128xf32, #tpu.memory_space<vmem>> -> memref<1x64x128xf32, #tpu.memory_space<vmem>>
        %dma_wait3A_263 = tpu.memref_squeeze %dma_wait3A_262 : memref<1x64x128xf32, #tpu.memory_space<vmem>> -> memref<64x128xf32, #tpu.memory_space<vmem>>
        %dma_wait3A_264 = arith.constant 0 : i32
        %dma_wait3A_265 = tpu.memref_slice %arg8[%run_scoped3A_175, %dma_wait3A_264] : memref<4x64xi32, #tpu.memory_space<vmem>> -> memref<1x64xi32, #tpu.memory_space<vmem>>
        %dma_wait3A_266 = tpu.memref_squeeze %dma_wait3A_265 : memref<1x64xi32, #tpu.memory_space<vmem>> -> memref<64xi32, #tpu.memory_space<vmem>>
        %dma_wait3A_267 = arith.constant 0 : i32
        %dma_wait3A_268 = arith.constant 0 : i32
        %dma_wait3A_269 = tpu.memref_slice %arg12[%dma_wait3A_267, %dma_wait3A_268] : memref<10240x128xf32, #tpu.memory_space<vmem_shared>> -> memref<10240x128xf32, #tpu.memory_space<vmem_shared>>
        tpu.wait_indirect_dma semaphore(%run_scoped3A_249 : memref<!tpu.dma_semaphore, #tpu.memory_space<semaphore_mem>>) src(%dma_wait3A_263 : memref<64x128xf32, #tpu.memory_space<vmem>>) dst(%dma_wait3A_269 : memref<10240x128xf32, #tpu.memory_space<vmem_shared>>)
        tpu.yield
      }) : () -> ()
      %lt3A_176 = arith.constant 38 : i32
      %lt3A_177 = arith.cmpi slt, %scan3A_114, %lt3A_176 : i32
      %convert_element_type3A_178 = arith.extui %lt3A_177 : i1 to i32
      %cond3A_179 = arith.constant 0 : i32
      %cond3A_180 = arith.cmpi ne, %convert_element_type3A_178, %cond3A_179 : i32
      scf.if %cond3A_180 {
        %add3A_249 = arith.constant 4 : i32
        %add3A_250 = arith.addi %add3A_150, %add3A_249 : i32
        %mul3A_251 = arith.constant 64 : i32
        %mul3A_252 = arith.muli %add3A_250, %mul3A_251 : i32
        %add3A_253 = arith.addi %mul3A_2, %mul3A_252 : i32
        %dma_start3A_254 = arith.constant 1 : i32
        %dma_start3A_255 = arith.constant 0 : i32
        %dma_start3A_256 = tpu.memref_slice %arg8[%dma_start3A_254, %dma_start3A_255] : memref<4x64xi32, #tpu.memory_space<vmem>> -> memref<1x64xi32, #tpu.memory_space<vmem>>
        %dma_start3A_257 = tpu.memref_squeeze %dma_start3A_256 : memref<1x64xi32, #tpu.memory_space<vmem>> -> memref<64xi32, #tpu.memory_space<vmem>>
        %dma_start3A_258 = tpu.memref_slice %arg3[%add3A_253] : memref<320000xi32, #tpu.memory_space<hbm>> -> memref<64xi32, #tpu.memory_space<hbm>>
        %dma_start3A_259 = arith.constant 0 : i32
        %dma_start3A_260 = tpu.memref_slice %arg8[%dma_start3A_254, %dma_start3A_259] : memref<4x64xi32, #tpu.memory_space<vmem>> -> memref<1x64xi32, #tpu.memory_space<vmem>>
        %dma_start3A_261 = tpu.memref_squeeze %dma_start3A_260 : memref<1x64xi32, #tpu.memory_space<vmem>> -> memref<64xi32, #tpu.memory_space<vmem>>
        %dma_start3A_262 = tpu.memref_slice %arg3[%add3A_253] : memref<320000xi32, #tpu.memory_space<hbm>> -> memref<64xi32, #tpu.memory_space<hbm>>
        tpu.enqueue_dma source(%dma_start3A_262 : memref<64xi32, #tpu.memory_space<hbm>>) target(%dma_start3A_261 : memref<64xi32, #tpu.memory_space<vmem>>) target_semaphore(%arg18 : memref<!tpu.dma_semaphore, #tpu.memory_space<semaphore_mem>>)
        %add3A_263 = arith.constant 4 : i32
        %add3A_264 = arith.addi %add3A_150, %add3A_263 : i32
        %mul3A_265 = arith.constant 64 : i32
        %mul3A_266 = arith.muli %add3A_264, %mul3A_265 : i32
        %dma_start3A_267 = arith.constant 1 : i32
        %dma_start3A_268 = arith.constant 0 : i32
        %dma_start3A_269 = arith.constant 0 : i32
        %dma_start3A_270 = tpu.memref_slice %arg10[%dma_start3A_267, %dma_start3A_268, %dma_start3A_269] : memref<4x64x128xf32, #tpu.memory_space<vmem>> -> memref<1x64x128xf32, #tpu.memory_space<vmem>>
        %dma_start3A_271 = tpu.memref_squeeze %dma_start3A_270 : memref<1x64x128xf32, #tpu.memory_space<vmem>> -> memref<64x128xf32, #tpu.memory_space<vmem>>
        %dma_start3A_272 = tpu.memref_slice %arg7[%mul3A_266] : memref<10000xi32, #tpu.memory_space<vmem>> -> memref<64xi32, #tpu.memory_space<vmem>>
        %dma_start3A_273 = arith.constant 0 : i32
        %dma_start3A_274 = arith.constant 0 : i32
        %dma_start3A_275 = tpu.memref_slice %arg4[%dma_start3A_273, %dma_start3A_274] : memref<10000x128xf32, #tpu.memory_space<hbm>> -> memref<10000x128xf32, #tpu.memory_space<hbm>>
        tpu.enqueue_indirect_dma source(%dma_start3A_275 : memref<10000x128xf32, #tpu.memory_space<hbm>>) target(%dma_start3A_271 : memref<64x128xf32, #tpu.memory_space<vmem>>) offsets(%dma_start3A_272 : memref<64xi32, #tpu.memory_space<vmem>>) semaphore(%arg14 : memref<!tpu.dma_semaphore, #tpu.memory_space<semaphore_mem>>)
      } else {
      }
      %mul3A_181 = arith.constant 4 : i32
      %mul3A_182 = arith.muli %scan3A_114, %mul3A_181 : i32
      %add3A_183 = arith.constant 2 : i32
      %add3A_184 = arith.addi %mul3A_182, %add3A_183 : i32
      %mul3A_185 = arith.constant 64 : i32
      %mul3A_186 = arith.muli %add3A_184, %mul3A_185 : i32
      %dma_wait3A_187 = arith.constant 2 : i32
      %dma_wait3A_188 = arith.constant 0 : i32
      %dma_wait3A_189 = arith.constant 0 : i32
      %dma_wait3A_190 = tpu.memref_slice %arg10[%dma_wait3A_187, %dma_wait3A_188, %dma_wait3A_189] : memref<4x64x128xf32, #tpu.memory_space<vmem>> -> memref<1x64x128xf32, #tpu.memory_space<vmem>>
      %dma_wait3A_191 = tpu.memref_squeeze %dma_wait3A_190 : memref<1x64x128xf32, #tpu.memory_space<vmem>> -> memref<64x128xf32, #tpu.memory_space<vmem>>
      %dma_wait3A_192 = tpu.memref_slice %arg7[%mul3A_186] : memref<10000xi32, #tpu.memory_space<vmem>> -> memref<64xi32, #tpu.memory_space<vmem>>
      %dma_wait3A_193 = arith.constant 0 : i32
      %dma_wait3A_194 = arith.constant 0 : i32
      %dma_wait3A_195 = tpu.memref_slice %arg4[%dma_wait3A_193, %dma_wait3A_194] : memref<10000x128xf32, #tpu.memory_space<hbm>> -> memref<10000x128xf32, #tpu.memory_space<hbm>>
      tpu.wait_indirect_dma semaphore(%arg15 : memref<!tpu.dma_semaphore, #tpu.memory_space<semaphore_mem>>) src(%dma_wait3A_195 : memref<10000x128xf32, #tpu.memory_space<hbm>>) dst(%dma_wait3A_191 : memref<64x128xf32, #tpu.memory_space<vmem>>)
      %mul3A_196 = arith.constant 64 : i32
      %mul3A_197 = arith.muli %add3A_184, %mul3A_196 : i32
      %add3A_198 = arith.addi %mul3A_2, %mul3A_197 : i32
      %dma_wait3A_199 = arith.constant 2 : i32
      %dma_wait3A_200 = arith.constant 0 : i32
      %dma_wait3A_201 = tpu.memref_slice %arg8[%dma_wait3A_199, %dma_wait3A_200] : memref<4x64xi32, #tpu.memory_space<vmem>> -> memref<1x64xi32, #tpu.memory_space<vmem>>
      %dma_wait3A_202 = tpu.memref_squeeze %dma_wait3A_201 : memref<1x64xi32, #tpu.memory_space<vmem>> -> memref<64xi32, #tpu.memory_space<vmem>>
      %dma_wait3A_203 = tpu.memref_slice %arg3[%add3A_198] : memref<320000xi32, #tpu.memory_space<hbm>> -> memref<64xi32, #tpu.memory_space<hbm>>
      %dma_wait3A_204 = arith.constant 0 : i32
      %dma_wait3A_205 = tpu.memref_slice %arg8[%dma_wait3A_199, %dma_wait3A_204] : memref<4x64xi32, #tpu.memory_space<vmem>> -> memref<1x64xi32, #tpu.memory_space<vmem>>
      %dma_wait3A_206 = tpu.memref_squeeze %dma_wait3A_205 : memref<1x64xi32, #tpu.memory_space<vmem>> -> memref<64xi32, #tpu.memory_space<vmem>>
      %dma_wait3A_207 = tpu.memref_slice %arg3[%add3A_198] : memref<320000xi32, #tpu.memory_space<hbm>> -> memref<64xi32, #tpu.memory_space<hbm>>
      tpu.wait_dma2 semaphore(%arg19 : memref<!tpu.dma_semaphore, #tpu.memory_space<semaphore_mem>>) src(%dma_wait3A_207 : memref<64xi32, #tpu.memory_space<hbm>>) dst(%dma_wait3A_206 : memref<64xi32, #tpu.memory_space<vmem>>)
      %run_scoped3A_208 = arith.constant 2 : i32
      %run_scoped3A_209 = arith.constant 2 : i32
      "tpu.region"() ({
        %run_scoped3A_249 = tpu.sem_alloc : memref<!tpu.dma_semaphore, #tpu.memory_space<semaphore_mem>>
        %dma_start3A_250 = arith.constant 0 : i32
        %dma_start3A_251 = arith.constant 0 : i32
        %dma_start3A_252 = tpu.memref_slice %arg10[%run_scoped3A_208, %dma_start3A_250, %dma_start3A_251] : memref<4x64x128xf32, #tpu.memory_space<vmem>> -> memref<1x64x128xf32, #tpu.memory_space<vmem>>
        %dma_start3A_253 = tpu.memref_squeeze %dma_start3A_252 : memref<1x64x128xf32, #tpu.memory_space<vmem>> -> memref<64x128xf32, #tpu.memory_space<vmem>>
        %dma_start3A_254 = arith.constant 0 : i32
        %dma_start3A_255 = tpu.memref_slice %arg8[%run_scoped3A_209, %dma_start3A_254] : memref<4x64xi32, #tpu.memory_space<vmem>> -> memref<1x64xi32, #tpu.memory_space<vmem>>
        %dma_start3A_256 = tpu.memref_squeeze %dma_start3A_255 : memref<1x64xi32, #tpu.memory_space<vmem>> -> memref<64xi32, #tpu.memory_space<vmem>>
        %dma_start3A_257 = arith.constant 0 : i32
        %dma_start3A_258 = arith.constant 0 : i32
        %dma_start3A_259 = tpu.memref_slice %arg12[%dma_start3A_257, %dma_start3A_258] : memref<10240x128xf32, #tpu.memory_space<vmem_shared>> -> memref<10240x128xf32, #tpu.memory_space<vmem_shared>>
        tpu.enqueue_indirect_dma source(%dma_start3A_253 : memref<64x128xf32, #tpu.memory_space<vmem>>) target(%dma_start3A_259 : memref<10240x128xf32, #tpu.memory_space<vmem_shared>>) offsets(%dma_start3A_256 : memref<64xi32, #tpu.memory_space<vmem>>) semaphore(%run_scoped3A_249 : memref<!tpu.dma_semaphore, #tpu.memory_space<semaphore_mem>>) {add = true}
        %dma_wait3A_260 = arith.constant 0 : i32
        %dma_wait3A_261 = arith.constant 0 : i32
        %dma_wait3A_262 = tpu.memref_slice %arg10[%run_scoped3A_208, %dma_wait3A_260, %dma_wait3A_261] : memref<4x64x128xf32, #tpu.memory_space<vmem>> -> memref<1x64x128xf32, #tpu.memory_space<vmem>>
        %dma_wait3A_263 = tpu.memref_squeeze %dma_wait3A_262 : memref<1x64x128xf32, #tpu.memory_space<vmem>> -> memref<64x128xf32, #tpu.memory_space<vmem>>
        %dma_wait3A_264 = arith.constant 0 : i32
        %dma_wait3A_265 = tpu.memref_slice %arg8[%run_scoped3A_209, %dma_wait3A_264] : memref<4x64xi32, #tpu.memory_space<vmem>> -> memref<1x64xi32, #tpu.memory_space<vmem>>
        %dma_wait3A_266 = tpu.memref_squeeze %dma_wait3A_265 : memref<1x64xi32, #tpu.memory_space<vmem>> -> memref<64xi32, #tpu.memory_space<vmem>>
        %dma_wait3A_267 = arith.constant 0 : i32
        %dma_wait3A_268 = arith.constant 0 : i32
        %dma_wait3A_269 = tpu.memref_slice %arg12[%dma_wait3A_267, %dma_wait3A_268] : memref<10240x128xf32, #tpu.memory_space<vmem_shared>> -> memref<10240x128xf32, #tpu.memory_space<vmem_shared>>
        tpu.wait_indirect_dma semaphore(%run_scoped3A_249 : memref<!tpu.dma_semaphore, #tpu.memory_space<semaphore_mem>>) src(%dma_wait3A_263 : memref<64x128xf32, #tpu.memory_space<vmem>>) dst(%dma_wait3A_269 : memref<10240x128xf32, #tpu.memory_space<vmem_shared>>)
        tpu.yield
      }) : () -> ()
      %lt3A_210 = arith.constant 38 : i32
      %lt3A_211 = arith.cmpi slt, %scan3A_114, %lt3A_210 : i32
      %convert_element_type3A_212 = arith.extui %lt3A_211 : i1 to i32
      %cond3A_213 = arith.constant 0 : i32
      %cond3A_214 = arith.cmpi ne, %convert_element_type3A_212, %cond3A_213 : i32
      scf.if %cond3A_214 {
        %add3A_249 = arith.constant 4 : i32
        %add3A_250 = arith.addi %add3A_184, %add3A_249 : i32
        %mul3A_251 = arith.constant 64 : i32
        %mul3A_252 = arith.muli %add3A_250, %mul3A_251 : i32
        %add3A_253 = arith.addi %mul3A_2, %mul3A_252 : i32
        %dma_start3A_254 = arith.constant 2 : i32
        %dma_start3A_255 = arith.constant 0 : i32
        %dma_start3A_256 = tpu.memref_slice %arg8[%dma_start3A_254, %dma_start3A_255] : memref<4x64xi32, #tpu.memory_space<vmem>> -> memref<1x64xi32, #tpu.memory_space<vmem>>
        %dma_start3A_257 = tpu.memref_squeeze %dma_start3A_256 : memref<1x64xi32, #tpu.memory_space<vmem>> -> memref<64xi32, #tpu.memory_space<vmem>>
        %dma_start3A_258 = tpu.memref_slice %arg3[%add3A_253] : memref<320000xi32, #tpu.memory_space<hbm>> -> memref<64xi32, #tpu.memory_space<hbm>>
        %dma_start3A_259 = arith.constant 0 : i32
        %dma_start3A_260 = tpu.memref_slice %arg8[%dma_start3A_254, %dma_start3A_259] : memref<4x64xi32, #tpu.memory_space<vmem>> -> memref<1x64xi32, #tpu.memory_space<vmem>>
        %dma_start3A_261 = tpu.memref_squeeze %dma_start3A_260 : memref<1x64xi32, #tpu.memory_space<vmem>> -> memref<64xi32, #tpu.memory_space<vmem>>
        %dma_start3A_262 = tpu.memref_slice %arg3[%add3A_253] : memref<320000xi32, #tpu.memory_space<hbm>> -> memref<64xi32, #tpu.memory_space<hbm>>
        tpu.enqueue_dma source(%dma_start3A_262 : memref<64xi32, #tpu.memory_space<hbm>>) target(%dma_start3A_261 : memref<64xi32, #tpu.memory_space<vmem>>) target_semaphore(%arg19 : memref<!tpu.dma_semaphore, #tpu.memory_space<semaphore_mem>>)
        %add3A_263 = arith.constant 4 : i32
        %add3A_264 = arith.addi %add3A_184, %add3A_263 : i32
        %mul3A_265 = arith.constant 64 : i32
        %mul3A_266 = arith.muli %add3A_264, %mul3A_265 : i32
        %dma_start3A_267 = arith.constant 2 : i32
        %dma_start3A_268 = arith.constant 0 : i32
        %dma_start3A_269 = arith.constant 0 : i32
        %dma_start3A_270 = tpu.memref_slice %arg10[%dma_start3A_267, %dma_start3A_268, %dma_start3A_269] : memref<4x64x128xf32, #tpu.memory_space<vmem>> -> memref<1x64x128xf32, #tpu.memory_space<vmem>>
        %dma_start3A_271 = tpu.memref_squeeze %dma_start3A_270 : memref<1x64x128xf32, #tpu.memory_space<vmem>> -> memref<64x128xf32, #tpu.memory_space<vmem>>
        %dma_start3A_272 = tpu.memref_slice %arg7[%mul3A_266] : memref<10000xi32, #tpu.memory_space<vmem>> -> memref<64xi32, #tpu.memory_space<vmem>>
        %dma_start3A_273 = arith.constant 0 : i32
        %dma_start3A_274 = arith.constant 0 : i32
        %dma_start3A_275 = tpu.memref_slice %arg4[%dma_start3A_273, %dma_start3A_274] : memref<10000x128xf32, #tpu.memory_space<hbm>> -> memref<10000x128xf32, #tpu.memory_space<hbm>>
        tpu.enqueue_indirect_dma source(%dma_start3A_275 : memref<10000x128xf32, #tpu.memory_space<hbm>>) target(%dma_start3A_271 : memref<64x128xf32, #tpu.memory_space<vmem>>) offsets(%dma_start3A_272 : memref<64xi32, #tpu.memory_space<vmem>>) semaphore(%arg15 : memref<!tpu.dma_semaphore, #tpu.memory_space<semaphore_mem>>)
      } else {
      }
      %mul3A_215 = arith.constant 4 : i32
      %mul3A_216 = arith.muli %scan3A_114, %mul3A_215 : i32
      %add3A_217 = arith.constant 3 : i32
      %add3A_218 = arith.addi %mul3A_216, %add3A_217 : i32
      %mul3A_219 = arith.constant 64 : i32
      %mul3A_220 = arith.muli %add3A_218, %mul3A_219 : i32
      %dma_wait3A_221 = arith.constant 3 : i32
      %dma_wait3A_222 = arith.constant 0 : i32
      %dma_wait3A_223 = arith.constant 0 : i32
      %dma_wait3A_224 = tpu.memref_slice %arg10[%dma_wait3A_221, %dma_wait3A_222, %dma_wait3A_223] : memref<4x64x128xf32, #tpu.memory_space<vmem>> -> memref<1x64x128xf32, #tpu.memory_space<vmem>>
      %dma_wait3A_225 = tpu.memref_squeeze %dma_wait3A_224 : memref<1x64x128xf32, #tpu.memory_space<vmem>> -> memref<64x128xf32, #tpu.memory_space<vmem>>
      %dma_wait3A_226 = tpu.memref_slice %arg7[%mul3A_220] : memref<10000xi32, #tpu.memory_space<vmem>> -> memref<64xi32, #tpu.memory_space<vmem>>
      %dma_wait3A_227 = arith.constant 0 : i32
      %dma_wait3A_228 = arith.constant 0 : i32
      %dma_wait3A_229 = tpu.memref_slice %arg4[%dma_wait3A_227, %dma_wait3A_228] : memref<10000x128xf32, #tpu.memory_space<hbm>> -> memref<10000x128xf32, #tpu.memory_space<hbm>>
      tpu.wait_indirect_dma semaphore(%arg16 : memref<!tpu.dma_semaphore, #tpu.memory_space<semaphore_mem>>) src(%dma_wait3A_229 : memref<10000x128xf32, #tpu.memory_space<hbm>>) dst(%dma_wait3A_225 : memref<64x128xf32, #tpu.memory_space<vmem>>)
      %mul3A_230 = arith.constant 64 : i32
      %mul3A_231 = arith.muli %add3A_218, %mul3A_230 : i32
      %add3A_232 = arith.addi %mul3A_2, %mul3A_231 : i32
      %dma_wait3A_233 = arith.constant 3 : i32
      %dma_wait3A_234 = arith.constant 0 : i32
      %dma_wait3A_235 = tpu.memref_slice %arg8[%dma_wait3A_233, %dma_wait3A_234] : memref<4x64xi32, #tpu.memory_space<vmem>> -> memref<1x64xi32, #tpu.memory_space<vmem>>
      %dma_wait3A_236 = tpu.memref_squeeze %dma_wait3A_235 : memref<1x64xi32, #tpu.memory_space<vmem>> -> memref<64xi32, #tpu.memory_space<vmem>>
      %dma_wait3A_237 = tpu.memref_slice %arg3[%add3A_232] : memref<320000xi32, #tpu.memory_space<hbm>> -> memref<64xi32, #tpu.memory_space<hbm>>
      %dma_wait3A_238 = arith.constant 0 : i32
      %dma_wait3A_239 = tpu.memref_slice %arg8[%dma_wait3A_233, %dma_wait3A_238] : memref<4x64xi32, #tpu.memory_space<vmem>> -> memref<1x64xi32, #tpu.memory_space<vmem>>
      %dma_wait3A_240 = tpu.memref_squeeze %dma_wait3A_239 : memref<1x64xi32, #tpu.memory_space<vmem>> -> memref<64xi32, #tpu.memory_space<vmem>>
      %dma_wait3A_241 = tpu.memref_slice %arg3[%add3A_232] : memref<320000xi32, #tpu.memory_space<hbm>> -> memref<64xi32, #tpu.memory_space<hbm>>
      tpu.wait_dma2 semaphore(%arg20 : memref<!tpu.dma_semaphore, #tpu.memory_space<semaphore_mem>>) src(%dma_wait3A_241 : memref<64xi32, #tpu.memory_space<hbm>>) dst(%dma_wait3A_240 : memref<64xi32, #tpu.memory_space<vmem>>)
      %run_scoped3A_242 = arith.constant 3 : i32
      %run_scoped3A_243 = arith.constant 3 : i32
      "tpu.region"() ({
        %run_scoped3A_249 = tpu.sem_alloc : memref<!tpu.dma_semaphore, #tpu.memory_space<semaphore_mem>>
        %dma_start3A_250 = arith.constant 0 : i32
        %dma_start3A_251 = arith.constant 0 : i32
        %dma_start3A_252 = tpu.memref_slice %arg10[%run_scoped3A_242, %dma_start3A_250, %dma_start3A_251] : memref<4x64x128xf32, #tpu.memory_space<vmem>> -> memref<1x64x128xf32, #tpu.memory_space<vmem>>
        %dma_start3A_253 = tpu.memref_squeeze %dma_start3A_252 : memref<1x64x128xf32, #tpu.memory_space<vmem>> -> memref<64x128xf32, #tpu.memory_space<vmem>>
        %dma_start3A_254 = arith.constant 0 : i32
        %dma_start3A_255 = tpu.memref_slice %arg8[%run_scoped3A_243, %dma_start3A_254] : memref<4x64xi32, #tpu.memory_space<vmem>> -> memref<1x64xi32, #tpu.memory_space<vmem>>
        %dma_start3A_256 = tpu.memref_squeeze %dma_start3A_255 : memref<1x64xi32, #tpu.memory_space<vmem>> -> memref<64xi32, #tpu.memory_space<vmem>>
        %dma_start3A_257 = arith.constant 0 : i32
        %dma_start3A_258 = arith.constant 0 : i32
        %dma_start3A_259 = tpu.memref_slice %arg12[%dma_start3A_257, %dma_start3A_258] : memref<10240x128xf32, #tpu.memory_space<vmem_shared>> -> memref<10240x128xf32, #tpu.memory_space<vmem_shared>>
        tpu.enqueue_indirect_dma source(%dma_start3A_253 : memref<64x128xf32, #tpu.memory_space<vmem>>) target(%dma_start3A_259 : memref<10240x128xf32, #tpu.memory_space<vmem_shared>>) offsets(%dma_start3A_256 : memref<64xi32, #tpu.memory_space<vmem>>) semaphore(%run_scoped3A_249 : memref<!tpu.dma_semaphore, #tpu.memory_space<semaphore_mem>>) {add = true}
        %dma_wait3A_260 = arith.constant 0 : i32
        %dma_wait3A_261 = arith.constant 0 : i32
        %dma_wait3A_262 = tpu.memref_slice %arg10[%run_scoped3A_242, %dma_wait3A_260, %dma_wait3A_261] : memref<4x64x128xf32, #tpu.memory_space<vmem>> -> memref<1x64x128xf32, #tpu.memory_space<vmem>>
        %dma_wait3A_263 = tpu.memref_squeeze %dma_wait3A_262 : memref<1x64x128xf32, #tpu.memory_space<vmem>> -> memref<64x128xf32, #tpu.memory_space<vmem>>
        %dma_wait3A_264 = arith.constant 0 : i32
        %dma_wait3A_265 = tpu.memref_slice %arg8[%run_scoped3A_243, %dma_wait3A_264] : memref<4x64xi32, #tpu.memory_space<vmem>> -> memref<1x64xi32, #tpu.memory_space<vmem>>
        %dma_wait3A_266 = tpu.memref_squeeze %dma_wait3A_265 : memref<1x64xi32, #tpu.memory_space<vmem>> -> memref<64xi32, #tpu.memory_space<vmem>>
        %dma_wait3A_267 = arith.constant 0 : i32
        %dma_wait3A_268 = arith.constant 0 : i32
        %dma_wait3A_269 = tpu.memref_slice %arg12[%dma_wait3A_267, %dma_wait3A_268] : memref<10240x128xf32, #tpu.memory_space<vmem_shared>> -> memref<10240x128xf32, #tpu.memory_space<vmem_shared>>
        tpu.wait_indirect_dma semaphore(%run_scoped3A_249 : memref<!tpu.dma_semaphore, #tpu.memory_space<semaphore_mem>>) src(%dma_wait3A_263 : memref<64x128xf32, #tpu.memory_space<vmem>>) dst(%dma_wait3A_269 : memref<10240x128xf32, #tpu.memory_space<vmem_shared>>)
        tpu.yield
      }) : () -> ()
      %lt3A_244 = arith.constant 38 : i32
      %lt3A_245 = arith.cmpi slt, %scan3A_114, %lt3A_244 : i32
      %convert_element_type3A_246 = arith.extui %lt3A_245 : i1 to i32
      %cond3A_247 = arith.constant 0 : i32
      %cond3A_248 = arith.cmpi ne, %convert_element_type3A_246, %cond3A_247 : i32
      scf.if %cond3A_248 {
        %add3A_249 = arith.constant 4 : i32
        %add3A_250 = arith.addi %add3A_218, %add3A_249 : i32
        %mul3A_251 = arith.constant 64 : i32
        %mul3A_252 = arith.muli %add3A_250, %mul3A_251 : i32
        %add3A_253 = arith.addi %mul3A_2, %mul3A_252 : i32
        %dma_start3A_254 = arith.constant 3 : i32
        %dma_start3A_255 = arith.constant 0 : i32
        %dma_start3A_256 = tpu.memref_slice %arg8[%dma_start3A_254, %dma_start3A_255] : memref<4x64xi32, #tpu.memory_space<vmem>> -> memref<1x64xi32, #tpu.memory_space<vmem>>
        %dma_start3A_257 = tpu.memref_squeeze %dma_start3A_256 : memref<1x64xi32, #tpu.memory_space<vmem>> -> memref<64xi32, #tpu.memory_space<vmem>>
        %dma_start3A_258 = tpu.memref_slice %arg3[%add3A_253] : memref<320000xi32, #tpu.memory_space<hbm>> -> memref<64xi32, #tpu.memory_space<hbm>>
        %dma_start3A_259 = arith.constant 0 : i32
        %dma_start3A_260 = tpu.memref_slice %arg8[%dma_start3A_254, %dma_start3A_259] : memref<4x64xi32, #tpu.memory_space<vmem>> -> memref<1x64xi32, #tpu.memory_space<vmem>>
        %dma_start3A_261 = tpu.memref_squeeze %dma_start3A_260 : memref<1x64xi32, #tpu.memory_space<vmem>> -> memref<64xi32, #tpu.memory_space<vmem>>
        %dma_start3A_262 = tpu.memref_slice %arg3[%add3A_253] : memref<320000xi32, #tpu.memory_space<hbm>> -> memref<64xi32, #tpu.memory_space<hbm>>
        tpu.enqueue_dma source(%dma_start3A_262 : memref<64xi32, #tpu.memory_space<hbm>>) target(%dma_start3A_261 : memref<64xi32, #tpu.memory_space<vmem>>) target_semaphore(%arg20 : memref<!tpu.dma_semaphore, #tpu.memory_space<semaphore_mem>>)
        %add3A_263 = arith.constant 4 : i32
        %add3A_264 = arith.addi %add3A_218, %add3A_263 : i32
        %mul3A_265 = arith.constant 64 : i32
        %mul3A_266 = arith.muli %add3A_264, %mul3A_265 : i32
        %dma_start3A_267 = arith.constant 3 : i32
        %dma_start3A_268 = arith.constant 0 : i32
        %dma_start3A_269 = arith.constant 0 : i32
        %dma_start3A_270 = tpu.memref_slice %arg10[%dma_start3A_267, %dma_start3A_268, %dma_start3A_269] : memref<4x64x128xf32, #tpu.memory_space<vmem>> -> memref<1x64x128xf32, #tpu.memory_space<vmem>>
        %dma_start3A_271 = tpu.memref_squeeze %dma_start3A_270 : memref<1x64x128xf32, #tpu.memory_space<vmem>> -> memref<64x128xf32, #tpu.memory_space<vmem>>
        %dma_start3A_272 = tpu.memref_slice %arg7[%mul3A_266] : memref<10000xi32, #tpu.memory_space<vmem>> -> memref<64xi32, #tpu.memory_space<vmem>>
        %dma_start3A_273 = arith.constant 0 : i32
        %dma_start3A_274 = arith.constant 0 : i32
        %dma_start3A_275 = tpu.memref_slice %arg4[%dma_start3A_273, %dma_start3A_274] : memref<10000x128xf32, #tpu.memory_space<hbm>> -> memref<10000x128xf32, #tpu.memory_space<hbm>>
        tpu.enqueue_indirect_dma source(%dma_start3A_275 : memref<10000x128xf32, #tpu.memory_space<hbm>>) target(%dma_start3A_271 : memref<64x128xf32, #tpu.memory_space<vmem>>) offsets(%dma_start3A_272 : memref<64xi32, #tpu.memory_space<vmem>>) semaphore(%arg16 : memref<!tpu.dma_semaphore, #tpu.memory_space<semaphore_mem>>)
      } else {
      }
    }
    %scan3A_97 = arith.constant 39 : i32
    %add3A_98 = arith.constant 9984 : i32
    %add3A_99 = arith.addi %mul3A_2, %add3A_98 : i32
    "tpu.region"() ({
      %run_scoped3A = tpu.sem_alloc : memref<!tpu.dma_semaphore, #tpu.memory_space<semaphore_mem>>
      %dma_start3A_114 = tpu.memref_slice %arg3[%add3A_99] : memref<320000xi32, #tpu.memory_space<hbm>> -> memref<16xi32, #tpu.memory_space<hbm>>
      %dma_start3A_115 = tpu.memref_slice %arg3[%add3A_99] : memref<320000xi32, #tpu.memory_space<hbm>> -> memref<16xi32, #tpu.memory_space<hbm>>
      tpu.enqueue_dma source(%dma_start3A_115 : memref<16xi32, #tpu.memory_space<hbm>>) target(%arg9 : memref<16xi32, #tpu.memory_space<vmem>>) target_semaphore(%run_scoped3A : memref<!tpu.dma_semaphore, #tpu.memory_space<semaphore_mem>>)
      %dma_wait3A_116 = tpu.memref_slice %arg3[%add3A_99] : memref<320000xi32, #tpu.memory_space<hbm>> -> memref<16xi32, #tpu.memory_space<hbm>>
      %dma_wait3A_117 = tpu.memref_slice %arg3[%add3A_99] : memref<320000xi32, #tpu.memory_space<hbm>> -> memref<16xi32, #tpu.memory_space<hbm>>
      tpu.wait_dma2 semaphore(%run_scoped3A : memref<!tpu.dma_semaphore, #tpu.memory_space<semaphore_mem>>) src(%dma_wait3A_117 : memref<16xi32, #tpu.memory_space<hbm>>) dst(%arg9 : memref<16xi32, #tpu.memory_space<vmem>>)
      tpu.yield
    }) : () -> ()
    %dma_start3A_100 = arith.constant 9984 : i32
    %dma_start3A_101 = tpu.memref_slice %arg7[%dma_start3A_100] : memref<10000xi32, #tpu.memory_space<vmem>> -> memref<16xi32, #tpu.memory_space<vmem>>
    %dma_start3A_102 = arith.constant 0 : i32
    %dma_start3A_103 = arith.constant 0 : i32
    %dma_start3A_104 = tpu.memref_slice %arg4[%dma_start3A_102, %dma_start3A_103] : memref<10000x128xf32, #tpu.memory_space<hbm>> -> memref<10000x128xf32, #tpu.memory_space<hbm>>
    tpu.enqueue_indirect_dma source(%dma_start3A_104 : memref<10000x128xf32, #tpu.memory_space<hbm>>) target(%arg11 : memref<16x128xf32, #tpu.memory_space<vmem>>) offsets(%dma_start3A_101 : memref<16xi32, #tpu.memory_space<vmem>>) semaphore(%arg13 : memref<!tpu.dma_semaphore, #tpu.memory_space<semaphore_mem>>)
    %dma_wait3A = arith.constant 9984 : i32
    %dma_wait3A_105 = tpu.memref_slice %arg7[%dma_wait3A] : memref<10000xi32, #tpu.memory_space<vmem>> -> memref<16xi32, #tpu.memory_space<vmem>>
    %dma_wait3A_106 = arith.constant 0 : i32
    %dma_wait3A_107 = arith.constant 0 : i32
    %dma_wait3A_108 = tpu.memref_slice %arg4[%dma_wait3A_106, %dma_wait3A_107] : memref<10000x128xf32, #tpu.memory_space<hbm>> -> memref<10000x128xf32, #tpu.memory_space<hbm>>
    tpu.wait_indirect_dma semaphore(%arg13 : memref<!tpu.dma_semaphore, #tpu.memory_space<semaphore_mem>>) src(%dma_wait3A_108 : memref<10000x128xf32, #tpu.memory_space<hbm>>) dst(%arg11 : memref<16x128xf32, #tpu.memory_space<vmem>>)
    "tpu.region"() ({
      %run_scoped3A = tpu.sem_alloc : memref<!tpu.dma_semaphore, #tpu.memory_space<semaphore_mem>>
      %dma_start3A_114 = arith.constant 0 : i32
      %dma_start3A_115 = arith.constant 0 : i32
      %dma_start3A_116 = tpu.memref_slice %arg12[%dma_start3A_114, %dma_start3A_115] : memref<10240x128xf32, #tpu.memory_space<vmem_shared>> -> memref<10240x128xf32, #tpu.memory_space<vmem_shared>>
      tpu.enqueue_indirect_dma source(%arg11 : memref<16x128xf32, #tpu.memory_space<vmem>>) target(%dma_start3A_116 : memref<10240x128xf32, #tpu.memory_space<vmem_shared>>) offsets(%arg9 : memref<16xi32, #tpu.memory_space<vmem>>) semaphore(%run_scoped3A : memref<!tpu.dma_semaphore, #tpu.memory_space<semaphore_mem>>) {add = true}
      %dma_wait3A_117 = arith.constant 0 : i32
      %dma_wait3A_118 = arith.constant 0 : i32
      %dma_wait3A_119 = tpu.memref_slice %arg12[%dma_wait3A_117, %dma_wait3A_118] : memref<10240x128xf32, #tpu.memory_space<vmem_shared>> -> memref<10240x128xf32, #tpu.memory_space<vmem_shared>>
      tpu.wait_indirect_dma semaphore(%run_scoped3A : memref<!tpu.dma_semaphore, #tpu.memory_space<semaphore_mem>>) src(%arg11 : memref<16x128xf32, #tpu.memory_space<vmem>>) dst(%dma_wait3A_119 : memref<10240x128xf32, #tpu.memory_space<vmem_shared>>)
      tpu.yield
    }) : () -> ()
    %barrier3A_109 = arith.constant 0 : index
    tpu.barrier barrier_id(%barrier3A_109)
    %mul3A_110 = arith.constant 640 : i32
    %mul3A_111 = arith.muli %arg1, %mul3A_110 : i32
    %mul3A_112 = arith.constant 640 : i32
    %mul3A_113 = arith.muli %arg1, %mul3A_112 : i32
    "tpu.region"() ({
      %run_scoped3A = tpu.sem_alloc : memref<!tpu.dma_semaphore, #tpu.memory_space<semaphore_mem>>
      %dma_start3A_114 = arith.constant 0 : i32
      %dma_start3A_115 = tpu.memref_slice %arg6[%arg0, %mul3A_113, %dma_start3A_114] : memref<2x10240x128xf32, #tpu.memory_space<hbm>> -> memref<1x640x128xf32, #tpu.memory_space<hbm>>
      %dma_start3A_116 = tpu.memref_squeeze %dma_start3A_115 : memref<1x640x128xf32, #tpu.memory_space<hbm>> -> memref<640x128xf32, #tpu.memory_space<hbm>>
      %dma_start3A_117 = arith.constant 0 : i32
      %dma_start3A_118 = tpu.memref_slice %arg12[%mul3A_111, %dma_start3A_117] : memref<10240x128xf32, #tpu.memory_space<vmem_shared>> -> memref<640x128xf32, #tpu.memory_space<vmem_shared>>
      tpu.enqueue_dma source(%dma_start3A_118 : memref<640x128xf32, #tpu.memory_space<vmem_shared>>) target(%dma_start3A_116 : memref<640x128xf32, #tpu.memory_space<hbm>>) target_semaphore(%run_scoped3A : memref<!tpu.dma_semaphore, #tpu.memory_space<semaphore_mem>>)
      %dma_wait3A_119 = arith.constant 0 : i32
      %dma_wait3A_120 = tpu.memref_slice %arg6[%arg0, %mul3A_113, %dma_wait3A_119] : memref<2x10240x128xf32, #tpu.memory_space<hbm>> -> memref<1x640x128xf32, #tpu.memory_space<hbm>>
      %dma_wait3A_121 = tpu.memref_squeeze %dma_wait3A_120 : memref<1x640x128xf32, #tpu.memory_space<hbm>> -> memref<640x128xf32, #tpu.memory_space<hbm>>
      %dma_wait3A_122 = arith.constant 0 : i32
      %dma_wait3A_123 = tpu.memref_slice %arg12[%mul3A_111, %dma_wait3A_122] : memref<10240x128xf32, #tpu.memory_space<vmem_shared>> -> memref<640x128xf32, #tpu.memory_space<vmem_shared>>
      tpu.wait_dma2 semaphore(%run_scoped3A : memref<!tpu.dma_semaphore, #tpu.memory_space<semaphore_mem>>) src(%dma_wait3A_123 : memref<640x128xf32, #tpu.memory_space<vmem_shared>>) dst(%dma_wait3A_121 : memref<640x128xf32, #tpu.memory_space<hbm>>)
      tpu.yield
    }) : () -> ()
    return
  }
}

#map = affine_map<(d0, d1) -> (0)>
#map1 = affine_map<(d0, d1) -> (0, 0)>
#map2 = affine_map<(d0, d1) -> (0, 0, 0)>
module attributes {stable_mosaic.version = 14 : i64} {
  func.func @_sc_agg_body(%arg0: i32, %arg1: i32, %arg2: memref<320000xi32, #tpu.memory_space<hbm>>, %arg3: memref<320000xi32, #tpu.memory_space<hbm>>, %arg4: memref<10000x128xf32, #tpu.memory_space<hbm>>, %arg5: memref<10240x128xf32, #tpu.memory_space<hbm>>, %arg6: memref<2x10240x128xf32, #tpu.memory_space<hbm>>, %arg7: memref<10000xi32, #tpu.memory_space<vmem>>, %arg8: memref<4x64xi32, #tpu.memory_space<vmem>>, %arg9: memref<16xi32, #tpu.memory_space<vmem>>, %arg10: memref<4x64x128xf32, #tpu.memory_space<vmem>>, %arg11: memref<16x128xf32, #tpu.memory_space<vmem>>, %arg12: memref<10240x128xf32, #tpu.memory_space<vmem_shared>>, %arg13: memref<!tpu.dma_semaphore, #tpu.memory_space<semaphore_mem>>, %arg14: memref<!tpu.dma_semaphore, #tpu.memory_space<semaphore_mem>>, %arg15: memref<!tpu.dma_semaphore, #tpu.memory_space<semaphore_mem>>, %arg16: memref<!tpu.dma_semaphore, #tpu.memory_space<semaphore_mem>>, %arg17: memref<!tpu.dma_semaphore, #tpu.memory_space<semaphore_mem>>, %arg18: memref<!tpu.dma_semaphore, #tpu.memory_space<semaphore_mem>>, %arg19: memref<!tpu.dma_semaphore, #tpu.memory_space<semaphore_mem>>, %arg20: memref<!tpu.dma_semaphore, #tpu.memory_space<semaphore_mem>>) attributes {dimension_semantics = [#tpu.dimension_semantics<core_parallel>, #tpu.dimension_semantics<subcore_parallel>], iteration_bounds = array<i64: 2, 16>, scalar_prefetch = 0 : i64, scratch_operands = 14 : i64, tpu.core_type = #tpu.core_type<sc_vector_subcore>, window_params = [{transform_indices = #map}, {transform_indices = #map}, {transform_indices = #map1}, {transform_indices = #map1}, {transform_indices = #map2}]} {
    %mul3A = arith.constant 16 : i32
    %mul3A_0 = arith.muli %arg0, %mul3A : i32
    %add3A = arith.addi %mul3A_0, %arg1 : i32
    %mul3A_1 = arith.constant 10000 : i32
    %mul3A_2 = arith.muli %add3A, %mul3A_1 : i32
    "tpu.region"() ({
      %run_scoped3A = tpu.sem_alloc : memref<!tpu.dma_semaphore, #tpu.memory_space<semaphore_mem>>
      %dma_start3A_114 = tpu.memref_slice %arg2[%mul3A_2] : memref<320000xi32, #tpu.memory_space<hbm>> -> memref<10000xi32, #tpu.memory_space<hbm>>
      %dma_start3A_115 = tpu.memref_slice %arg2[%mul3A_2] : memref<320000xi32, #tpu.memory_space<hbm>> -> memref<10000xi32, #tpu.memory_space<hbm>>
      tpu.enqueue_dma source(%dma_start3A_115 : memref<10000xi32, #tpu.memory_space<hbm>>) target(%arg7 : memref<10000xi32, #tpu.memory_space<vmem>>) target_semaphore(%run_scoped3A : memref<!tpu.dma_semaphore, #tpu.memory_space<semaphore_mem>>)
      %dma_wait3A_116 = tpu.memref_slice %arg2[%mul3A_2] : memref<320000xi32, #tpu.memory_space<hbm>> -> memref<10000xi32, #tpu.memory_space<hbm>>
      %dma_wait3A_117 = tpu.memref_slice %arg2[%mul3A_2] : memref<320000xi32, #tpu.memory_space<hbm>> -> memref<10000xi32, #tpu.memory_space<hbm>>
      tpu.wait_dma2 semaphore(%run_scoped3A : memref<!tpu.dma_semaphore, #tpu.memory_space<semaphore_mem>>) src(%dma_wait3A_117 : memref<10000xi32, #tpu.memory_space<hbm>>) dst(%arg7 : memref<10000xi32, #tpu.memory_space<vmem>>)
      tpu.yield
    }) : () -> ()
    %add3A_3 = arith.constant 0 : i32
    %add3A_4 = arith.addi %mul3A_2, %add3A_3 : i32
    %dma_start3A = arith.constant 0 : i32
    %dma_start3A_5 = arith.constant 0 : i32
    %dma_start3A_6 = tpu.memref_slice %arg8[%dma_start3A, %dma_start3A_5] : memref<4x64xi32, #tpu.memory_space<vmem>> -> memref<1x64xi32, #tpu.memory_space<vmem>>
    %dma_start3A_7 = tpu.memref_squeeze %dma_start3A_6 : memref<1x64xi32, #tpu.memory_space<vmem>> -> memref<64xi32, #tpu.memory_space<vmem>>
    %dma_start3A_8 = tpu.memref_slice %arg3[%add3A_4] : memref<320000xi32, #tpu.memory_space<hbm>> -> memref<64xi32, #tpu.memory_space<hbm>>
    %dma_start3A_9 = arith.constant 0 : i32
    %dma_start3A_10 = tpu.memref_slice %arg8[%dma_start3A, %dma_start3A_9] : memref<4x64xi32, #tpu.memory_space<vmem>> -> memref<1x64xi32, #tpu.memory_space<vmem>>
    %dma_start3A_11 = tpu.memref_squeeze %dma_start3A_10 : memref<1x64xi32, #tpu.memory_space<vmem>> -> memref<64xi32, #tpu.memory_space<vmem>>
    %dma_start3A_12 = tpu.memref_slice %arg3[%add3A_4] : memref<320000xi32, #tpu.memory_space<hbm>> -> memref<64xi32, #tpu.memory_space<hbm>>
    tpu.enqueue_dma source(%dma_start3A_12 : memref<64xi32, #tpu.memory_space<hbm>>) target(%dma_start3A_11 : memref<64xi32, #tpu.memory_space<vmem>>) target_semaphore(%arg17 : memref<!tpu.dma_semaphore, #tpu.memory_space<semaphore_mem>>)
    %dma_start3A_13 = arith.constant 0 : i32
    %dma_start3A_14 = arith.constant 0 : i32
    %dma_start3A_15 = arith.constant 0 : i32
    %dma_start3A_16 = tpu.memref_slice %arg10[%dma_start3A_13, %dma_start3A_14, %dma_start3A_15] : memref<4x64x128xf32, #tpu.memory_space<vmem>> -> memref<1x64x128xf32, #tpu.memory_space<vmem>>
    %dma_start3A_17 = tpu.memref_squeeze %dma_start3A_16 : memref<1x64x128xf32, #tpu.memory_space<vmem>> -> memref<64x128xf32, #tpu.memory_space<vmem>>
    %dma_start3A_18 = arith.constant 0 : i32
    %dma_start3A_19 = tpu.memref_slice %arg7[%dma_start3A_18] : memref<10000xi32, #tpu.memory_space<vmem>> -> memref<64xi32, #tpu.memory_space<vmem>>
    %dma_start3A_20 = arith.constant 0 : i32
    %dma_start3A_21 = arith.constant 0 : i32
    %dma_start3A_22 = tpu.memref_slice %arg4[%dma_start3A_20, %dma_start3A_21] : memref<10000x128xf32, #tpu.memory_space<hbm>> -> memref<10000x128xf32, #tpu.memory_space<hbm>>
    tpu.enqueue_indirect_dma source(%dma_start3A_22 : memref<10000x128xf32, #tpu.memory_space<hbm>>) target(%dma_start3A_17 : memref<64x128xf32, #tpu.memory_space<vmem>>) offsets(%dma_start3A_19 : memref<64xi32, #tpu.memory_space<vmem>>) semaphore(%arg13 : memref<!tpu.dma_semaphore, #tpu.memory_space<semaphore_mem>>)
    %add3A_23 = arith.constant 64 : i32
    %add3A_24 = arith.addi %mul3A_2, %add3A_23 : i32
    %dma_start3A_25 = arith.constant 1 : i32
    %dma_start3A_26 = arith.constant 0 : i32
    %dma_start3A_27 = tpu.memref_slice %arg8[%dma_start3A_25, %dma_start3A_26] : memref<4x64xi32, #tpu.memory_space<vmem>> -> memref<1x64xi32, #tpu.memory_space<vmem>>
    %dma_start3A_28 = tpu.memref_squeeze %dma_start3A_27 : memref<1x64xi32, #tpu.memory_space<vmem>> -> memref<64xi32, #tpu.memory_space<vmem>>
    %dma_start3A_29 = tpu.memref_slice %arg3[%add3A_24] : memref<320000xi32, #tpu.memory_space<hbm>> -> memref<64xi32, #tpu.memory_space<hbm>>
    %dma_start3A_30 = arith.constant 0 : i32
    %dma_start3A_31 = tpu.memref_slice %arg8[%dma_start3A_25, %dma_start3A_30] : memref<4x64xi32, #tpu.memory_space<vmem>> -> memref<1x64xi32, #tpu.memory_space<vmem>>
    %dma_start3A_32 = tpu.memref_squeeze %dma_start3A_31 : memref<1x64xi32, #tpu.memory_space<vmem>> -> memref<64xi32, #tpu.memory_space<vmem>>
    %dma_start3A_33 = tpu.memref_slice %arg3[%add3A_24] : memref<320000xi32, #tpu.memory_space<hbm>> -> memref<64xi32, #tpu.memory_space<hbm>>
    tpu.enqueue_dma source(%dma_start3A_33 : memref<64xi32, #tpu.memory_space<hbm>>) target(%dma_start3A_32 : memref<64xi32, #tpu.memory_space<vmem>>) target_semaphore(%arg18 : memref<!tpu.dma_semaphore, #tpu.memory_space<semaphore_mem>>)
    %dma_start3A_34 = arith.constant 1 : i32
    %dma_start3A_35 = arith.constant 0 : i32
    %dma_start3A_36 = arith.constant 0 : i32
    %dma_start3A_37 = tpu.memref_slice %arg10[%dma_start3A_34, %dma_start3A_35, %dma_start3A_36] : memref<4x64x128xf32, #tpu.memory_space<vmem>> -> memref<1x64x128xf32, #tpu.memory_space<vmem>>
    %dma_start3A_38 = tpu.memref_squeeze %dma_start3A_37 : memref<1x64x128xf32, #tpu.memory_space<vmem>> -> memref<64x128xf32, #tpu.memory_space<vmem>>
    %dma_start3A_39 = arith.constant 64 : i32
    %dma_start3A_40 = tpu.memref_slice %arg7[%dma_start3A_39] : memref<10000xi32, #tpu.memory_space<vmem>> -> memref<64xi32, #tpu.memory_space<vmem>>
    %dma_start3A_41 = arith.constant 0 : i32
    %dma_start3A_42 = arith.constant 0 : i32
    %dma_start3A_43 = tpu.memref_slice %arg4[%dma_start3A_41, %dma_start3A_42] : memref<10000x128xf32, #tpu.memory_space<hbm>> -> memref<10000x128xf32, #tpu.memory_space<hbm>>
    tpu.enqueue_indirect_dma source(%dma_start3A_43 : memref<10000x128xf32, #tpu.memory_space<hbm>>) target(%dma_start3A_38 : memref<64x128xf32, #tpu.memory_space<vmem>>) offsets(%dma_start3A_40 : memref<64xi32, #tpu.memory_space<vmem>>) semaphore(%arg14 : memref<!tpu.dma_semaphore, #tpu.memory_space<semaphore_mem>>)
    %add3A_44 = arith.constant 128 : i32
    %add3A_45 = arith.addi %mul3A_2, %add3A_44 : i32
    %dma_start3A_46 = arith.constant 2 : i32
    %dma_start3A_47 = arith.constant 0 : i32
    %dma_start3A_48 = tpu.memref_slice %arg8[%dma_start3A_46, %dma_start3A_47] : memref<4x64xi32, #tpu.memory_space<vmem>> -> memref<1x64xi32, #tpu.memory_space<vmem>>
    %dma_start3A_49 = tpu.memref_squeeze %dma_start3A_48 : memref<1x64xi32, #tpu.memory_space<vmem>> -> memref<64xi32, #tpu.memory_space<vmem>>
    %dma_start3A_50 = tpu.memref_slice %arg3[%add3A_45] : memref<320000xi32, #tpu.memory_space<hbm>> -> memref<64xi32, #tpu.memory_space<hbm>>
    %dma_start3A_51 = arith.constant 0 : i32
    %dma_start3A_52 = tpu.memref_slice %arg8[%dma_start3A_46, %dma_start3A_51] : memref<4x64xi32, #tpu.memory_space<vmem>> -> memref<1x64xi32, #tpu.memory_space<vmem>>
    %dma_start3A_53 = tpu.memref_squeeze %dma_start3A_52 : memref<1x64xi32, #tpu.memory_space<vmem>> -> memref<64xi32, #tpu.memory_space<vmem>>
    %dma_start3A_54 = tpu.memref_slice %arg3[%add3A_45] : memref<320000xi32, #tpu.memory_space<hbm>> -> memref<64xi32, #tpu.memory_space<hbm>>
    tpu.enqueue_dma source(%dma_start3A_54 : memref<64xi32, #tpu.memory_space<hbm>>) target(%dma_start3A_53 : memref<64xi32, #tpu.memory_space<vmem>>) target_semaphore(%arg19 : memref<!tpu.dma_semaphore, #tpu.memory_space<semaphore_mem>>)
    %dma_start3A_55 = arith.constant 2 : i32
    %dma_start3A_56 = arith.constant 0 : i32
    %dma_start3A_57 = arith.constant 0 : i32
    %dma_start3A_58 = tpu.memref_slice %arg10[%dma_start3A_55, %dma_start3A_56, %dma_start3A_57] : memref<4x64x128xf32, #tpu.memory_space<vmem>> -> memref<1x64x128xf32, #tpu.memory_space<vmem>>
    %dma_start3A_59 = tpu.memref_squeeze %dma_start3A_58 : memref<1x64x128xf32, #tpu.memory_space<vmem>> -> memref<64x128xf32, #tpu.memory_space<vmem>>
    %dma_start3A_60 = arith.constant 128 : i32
    %dma_start3A_61 = tpu.memref_slice %arg7[%dma_start3A_60] : memref<10000xi32, #tpu.memory_space<vmem>> -> memref<64xi32, #tpu.memory_space<vmem>>
    %dma_start3A_62 = arith.constant 0 : i32
    %dma_start3A_63 = arith.constant 0 : i32
    %dma_start3A_64 = tpu.memref_slice %arg4[%dma_start3A_62, %dma_start3A_63] : memref<10000x128xf32, #tpu.memory_space<hbm>> -> memref<10000x128xf32, #tpu.memory_space<hbm>>
    tpu.enqueue_indirect_dma source(%dma_start3A_64 : memref<10000x128xf32, #tpu.memory_space<hbm>>) target(%dma_start3A_59 : memref<64x128xf32, #tpu.memory_space<vmem>>) offsets(%dma_start3A_61 : memref<64xi32, #tpu.memory_space<vmem>>) semaphore(%arg15 : memref<!tpu.dma_semaphore, #tpu.memory_space<semaphore_mem>>)
    %add3A_65 = arith.constant 192 : i32
    %add3A_66 = arith.addi %mul3A_2, %add3A_65 : i32
    %dma_start3A_67 = arith.constant 3 : i32
    %dma_start3A_68 = arith.constant 0 : i32
    %dma_start3A_69 = tpu.memref_slice %arg8[%dma_start3A_67, %dma_start3A_68] : memref<4x64xi32, #tpu.memory_space<vmem>> -> memref<1x64xi32, #tpu.memory_space<vmem>>
    %dma_start3A_70 = tpu.memref_squeeze %dma_start3A_69 : memref<1x64xi32, #tpu.memory_space<vmem>> -> memref<64xi32, #tpu.memory_space<vmem>>
    %dma_start3A_71 = tpu.memref_slice %arg3[%add3A_66] : memref<320000xi32, #tpu.memory_space<hbm>> -> memref<64xi32, #tpu.memory_space<hbm>>
    %dma_start3A_72 = arith.constant 0 : i32
    %dma_start3A_73 = tpu.memref_slice %arg8[%dma_start3A_67, %dma_start3A_72] : memref<4x64xi32, #tpu.memory_space<vmem>> -> memref<1x64xi32, #tpu.memory_space<vmem>>
    %dma_start3A_74 = tpu.memref_squeeze %dma_start3A_73 : memref<1x64xi32, #tpu.memory_space<vmem>> -> memref<64xi32, #tpu.memory_space<vmem>>
    %dma_start3A_75 = tpu.memref_slice %arg3[%add3A_66] : memref<320000xi32, #tpu.memory_space<hbm>> -> memref<64xi32, #tpu.memory_space<hbm>>
    tpu.enqueue_dma source(%dma_start3A_75 : memref<64xi32, #tpu.memory_space<hbm>>) target(%dma_start3A_74 : memref<64xi32, #tpu.memory_space<vmem>>) target_semaphore(%arg20 : memref<!tpu.dma_semaphore, #tpu.memory_space<semaphore_mem>>)
    %dma_start3A_76 = arith.constant 3 : i32
    %dma_start3A_77 = arith.constant 0 : i32
    %dma_start3A_78 = arith.constant 0 : i32
    %dma_start3A_79 = tpu.memref_slice %arg10[%dma_start3A_76, %dma_start3A_77, %dma_start3A_78] : memref<4x64x128xf32, #tpu.memory_space<vmem>> -> memref<1x64x128xf32, #tpu.memory_space<vmem>>
    %dma_start3A_80 = tpu.memref_squeeze %dma_start3A_79 : memref<1x64x128xf32, #tpu.memory_space<vmem>> -> memref<64x128xf32, #tpu.memory_space<vmem>>
    %dma_start3A_81 = arith.constant 192 : i32
    %dma_start3A_82 = tpu.memref_slice %arg7[%dma_start3A_81] : memref<10000xi32, #tpu.memory_space<vmem>> -> memref<64xi32, #tpu.memory_space<vmem>>
    %dma_start3A_83 = arith.constant 0 : i32
    %dma_start3A_84 = arith.constant 0 : i32
    %dma_start3A_85 = tpu.memref_slice %arg4[%dma_start3A_83, %dma_start3A_84] : memref<10000x128xf32, #tpu.memory_space<hbm>> -> memref<10000x128xf32, #tpu.memory_space<hbm>>
    tpu.enqueue_indirect_dma source(%dma_start3A_85 : memref<10000x128xf32, #tpu.memory_space<hbm>>) target(%dma_start3A_80 : memref<64x128xf32, #tpu.memory_space<vmem>>) offsets(%dma_start3A_82 : memref<64xi32, #tpu.memory_space<vmem>>) semaphore(%arg16 : memref<!tpu.dma_semaphore, #tpu.memory_space<semaphore_mem>>)
    %eq3A = arith.constant 0 : i32
    %eq3A_86 = arith.cmpi eq, %arg0, %eq3A : i32
    %convert_element_type3A = arith.extui %eq3A_86 : i1 to i32
    %cond3A = arith.constant 0 : i32
    %cond3A_87 = arith.cmpi ne, %convert_element_type3A, %cond3A : i32
    scf.if %cond3A_87 {
      %lt3A = arith.constant 15 : i32
      %lt3A_114 = arith.cmpi slt, %arg1, %lt3A : i32
      %convert_element_type3A_115 = arith.extui %lt3A_114 : i1 to i32
      %cond3A_116 = arith.constant 0 : i32
      %cond3A_117 = arith.cmpi ne, %convert_element_type3A_115, %cond3A_116 : i32
      scf.if %cond3A_117 {
        %mul3A_123 = arith.constant 640 : i32
        %mul3A_124 = arith.muli %arg1, %mul3A_123 : i32
        %mul3A_125 = arith.constant 640 : i32
        %mul3A_126 = arith.muli %arg1, %mul3A_125 : i32
        "tpu.region"() ({
          %run_scoped3A = tpu.sem_alloc : memref<!tpu.dma_semaphore, #tpu.memory_space<semaphore_mem>>
          %dma_start3A_127 = arith.constant 0 : i32
          %dma_start3A_128 = tpu.memref_slice %arg12[%mul3A_126, %dma_start3A_127] : memref<10240x128xf32, #tpu.memory_space<vmem_shared>> -> memref<640x128xf32, #tpu.memory_space<vmem_shared>>
          %dma_start3A_129 = arith.constant 0 : i32
          %dma_start3A_130 = tpu.memref_slice %arg4[%mul3A_124, %dma_start3A_129] : memref<10000x128xf32, #tpu.memory_space<hbm>> -> memref<640x128xf32, #tpu.memory_space<hbm>>
          tpu.enqueue_dma source(%dma_start3A_130 : memref<640x128xf32, #tpu.memory_space<hbm>>) target(%dma_start3A_128 : memref<640x128xf32, #tpu.memory_space<vmem_shared>>) target_semaphore(%run_scoped3A : memref<!tpu.dma_semaphore, #tpu.memory_space<semaphore_mem>>)
          %dma_wait3A_131 = arith.constant 0 : i32
          %dma_wait3A_132 = tpu.memref_slice %arg12[%mul3A_126, %dma_wait3A_131] : memref<10240x128xf32, #tpu.memory_space<vmem_shared>> -> memref<640x128xf32, #tpu.memory_space<vmem_shared>>
          %dma_wait3A_133 = arith.constant 0 : i32
          %dma_wait3A_134 = tpu.memref_slice %arg4[%mul3A_124, %dma_wait3A_133] : memref<10000x128xf32, #tpu.memory_space<hbm>> -> memref<640x128xf32, #tpu.memory_space<hbm>>
          tpu.wait_dma2 semaphore(%run_scoped3A : memref<!tpu.dma_semaphore, #tpu.memory_space<semaphore_mem>>) src(%dma_wait3A_134 : memref<640x128xf32, #tpu.memory_space<hbm>>) dst(%dma_wait3A_132 : memref<640x128xf32, #tpu.memory_space<vmem_shared>>)
          tpu.yield
        }) : () -> ()
      } else {
      }
      %eq3A_118 = arith.constant 15 : i32
      %eq3A_119 = arith.cmpi eq, %arg1, %eq3A_118 : i32
      %convert_element_type3A_120 = arith.extui %eq3A_119 : i1 to i32
      %cond3A_121 = arith.constant 0 : i32
      %cond3A_122 = arith.cmpi ne, %convert_element_type3A_120, %cond3A_121 : i32
      scf.if %cond3A_122 {
        "tpu.region"() ({
          %run_scoped3A = tpu.sem_alloc : memref<!tpu.dma_semaphore, #tpu.memory_space<semaphore_mem>>
          %dma_start3A_123 = arith.constant 9600 : i32
          %dma_start3A_124 = arith.constant 0 : i32
          %dma_start3A_125 = tpu.memref_slice %arg12[%dma_start3A_123, %dma_start3A_124] : memref<10240x128xf32, #tpu.memory_space<vmem_shared>> -> memref<400x128xf32, #tpu.memory_space<vmem_shared>>
          %dma_start3A_126 = arith.constant 9600 : i32
          %dma_start3A_127 = arith.constant 0 : i32
          %dma_start3A_128 = tpu.memref_slice %arg4[%dma_start3A_126, %dma_start3A_127] : memref<10000x128xf32, #tpu.memory_space<hbm>> -> memref<400x128xf32, #tpu.memory_space<hbm>>
          tpu.enqueue_dma source(%dma_start3A_128 : memref<400x128xf32, #tpu.memory_space<hbm>>) target(%dma_start3A_125 : memref<400x128xf32, #tpu.memory_space<vmem_shared>>) target_semaphore(%run_scoped3A : memref<!tpu.dma_semaphore, #tpu.memory_space<semaphore_mem>>)
          %dma_wait3A_129 = arith.constant 9600 : i32
          %dma_wait3A_130 = arith.constant 0 : i32
          %dma_wait3A_131 = tpu.memref_slice %arg12[%dma_wait3A_129, %dma_wait3A_130] : memref<10240x128xf32, #tpu.memory_space<vmem_shared>> -> memref<400x128xf32, #tpu.memory_space<vmem_shared>>
          %dma_wait3A_132 = arith.constant 9600 : i32
          %dma_wait3A_133 = arith.constant 0 : i32
          %dma_wait3A_134 = tpu.memref_slice %arg4[%dma_wait3A_132, %dma_wait3A_133] : memref<10000x128xf32, #tpu.memory_space<hbm>> -> memref<400x128xf32, #tpu.memory_space<hbm>>
          tpu.wait_dma2 semaphore(%run_scoped3A : memref<!tpu.dma_semaphore, #tpu.memory_space<semaphore_mem>>) src(%dma_wait3A_134 : memref<400x128xf32, #tpu.memory_space<hbm>>) dst(%dma_wait3A_131 : memref<400x128xf32, #tpu.memory_space<vmem_shared>>)
          tpu.yield
        }) : () -> ()
      } else {
      }
    } else {
    }
    %eq3A_88 = arith.constant 1 : i32
    %eq3A_89 = arith.cmpi eq, %arg0, %eq3A_88 : i32
    %convert_element_type3A_90 = arith.extui %eq3A_89 : i1 to i32
    %cond3A_91 = arith.constant 0 : i32
    %cond3A_92 = arith.cmpi ne, %convert_element_type3A_90, %cond3A_91 : i32
    scf.if %cond3A_92 {
      %mul3A_114 = arith.constant 640 : i32
      %mul3A_115 = arith.muli %arg1, %mul3A_114 : i32
      %mul3A_116 = arith.constant 640 : i32
      %mul3A_117 = arith.muli %arg1, %mul3A_116 : i32
      "tpu.region"() ({
        %run_scoped3A = tpu.sem_alloc : memref<!tpu.dma_semaphore, #tpu.memory_space<semaphore_mem>>
        %dma_start3A_118 = arith.constant 0 : i32
        %dma_start3A_119 = tpu.memref_slice %arg12[%mul3A_117, %dma_start3A_118] : memref<10240x128xf32, #tpu.memory_space<vmem_shared>> -> memref<640x128xf32, #tpu.memory_space<vmem_shared>>
        %dma_start3A_120 = arith.constant 0 : i32
        %dma_start3A_121 = tpu.memref_slice %arg5[%mul3A_115, %dma_start3A_120] : memref<10240x128xf32, #tpu.memory_space<hbm>> -> memref<640x128xf32, #tpu.memory_space<hbm>>
        tpu.enqueue_dma source(%dma_start3A_121 : memref<640x128xf32, #tpu.memory_space<hbm>>) target(%dma_start3A_119 : memref<640x128xf32, #tpu.memory_space<vmem_shared>>) target_semaphore(%run_scoped3A : memref<!tpu.dma_semaphore, #tpu.memory_space<semaphore_mem>>)
        %dma_wait3A_122 = arith.constant 0 : i32
        %dma_wait3A_123 = tpu.memref_slice %arg12[%mul3A_117, %dma_wait3A_122] : memref<10240x128xf32, #tpu.memory_space<vmem_shared>> -> memref<640x128xf32, #tpu.memory_space<vmem_shared>>
        %dma_wait3A_124 = arith.constant 0 : i32
        %dma_wait3A_125 = tpu.memref_slice %arg5[%mul3A_115, %dma_wait3A_124] : memref<10240x128xf32, #tpu.memory_space<hbm>> -> memref<640x128xf32, #tpu.memory_space<hbm>>
        tpu.wait_dma2 semaphore(%run_scoped3A : memref<!tpu.dma_semaphore, #tpu.memory_space<semaphore_mem>>) src(%dma_wait3A_125 : memref<640x128xf32, #tpu.memory_space<hbm>>) dst(%dma_wait3A_123 : memref<640x128xf32, #tpu.memory_space<vmem_shared>>)
        tpu.yield
      }) : () -> ()
    } else {
    }
    %barrier3A = arith.constant 0 : index
    tpu.barrier barrier_id(%barrier3A)
    %scan3A = arith.constant 0 : i32
    %scan3A_93 = arith.constant 0 : i32
    %scan3A_94 = arith.constant 39 : i32
    %scan3A_95 = arith.addi %scan3A_93, %scan3A_94 : i32
    %scan3A_96 = arith.constant 1 : i32
    scf.for %scan3A_114 = %scan3A_93 to %scan3A_95 step %scan3A_96  : i32 {
      %mul3A_115 = arith.constant 4 : i32
      %mul3A_116 = arith.muli %scan3A_114, %mul3A_115 : i32
      %add3A_117 = arith.constant 0 : i32
      %add3A_118 = arith.addi %mul3A_116, %add3A_117 : i32
      %mul3A_119 = arith.constant 64 : i32
      %mul3A_120 = arith.muli %add3A_118, %mul3A_119 : i32
      %dma_wait3A_121 = arith.constant 0 : i32
      %dma_wait3A_122 = arith.constant 0 : i32
      %dma_wait3A_123 = arith.constant 0 : i32
      %dma_wait3A_124 = tpu.memref_slice %arg10[%dma_wait3A_121, %dma_wait3A_122, %dma_wait3A_123] : memref<4x64x128xf32, #tpu.memory_space<vmem>> -> memref<1x64x128xf32, #tpu.memory_space<vmem>>
      %dma_wait3A_125 = tpu.memref_squeeze %dma_wait3A_124 : memref<1x64x128xf32, #tpu.memory_space<vmem>> -> memref<64x128xf32, #tpu.memory_space<vmem>>
      %dma_wait3A_126 = tpu.memref_slice %arg7[%mul3A_120] : memref<10000xi32, #tpu.memory_space<vmem>> -> memref<64xi32, #tpu.memory_space<vmem>>
      %dma_wait3A_127 = arith.constant 0 : i32
      %dma_wait3A_128 = arith.constant 0 : i32
      %dma_wait3A_129 = tpu.memref_slice %arg4[%dma_wait3A_127, %dma_wait3A_128] : memref<10000x128xf32, #tpu.memory_space<hbm>> -> memref<10000x128xf32, #tpu.memory_space<hbm>>
      tpu.wait_indirect_dma semaphore(%arg13 : memref<!tpu.dma_semaphore, #tpu.memory_space<semaphore_mem>>) src(%dma_wait3A_129 : memref<10000x128xf32, #tpu.memory_space<hbm>>) dst(%dma_wait3A_125 : memref<64x128xf32, #tpu.memory_space<vmem>>)
      %mul3A_130 = arith.constant 64 : i32
      %mul3A_131 = arith.muli %add3A_118, %mul3A_130 : i32
      %add3A_132 = arith.addi %mul3A_2, %mul3A_131 : i32
      %dma_wait3A_133 = arith.constant 0 : i32
      %dma_wait3A_134 = arith.constant 0 : i32
      %dma_wait3A_135 = tpu.memref_slice %arg8[%dma_wait3A_133, %dma_wait3A_134] : memref<4x64xi32, #tpu.memory_space<vmem>> -> memref<1x64xi32, #tpu.memory_space<vmem>>
      %dma_wait3A_136 = tpu.memref_squeeze %dma_wait3A_135 : memref<1x64xi32, #tpu.memory_space<vmem>> -> memref<64xi32, #tpu.memory_space<vmem>>
      %dma_wait3A_137 = tpu.memref_slice %arg3[%add3A_132] : memref<320000xi32, #tpu.memory_space<hbm>> -> memref<64xi32, #tpu.memory_space<hbm>>
      %dma_wait3A_138 = arith.constant 0 : i32
      %dma_wait3A_139 = tpu.memref_slice %arg8[%dma_wait3A_133, %dma_wait3A_138] : memref<4x64xi32, #tpu.memory_space<vmem>> -> memref<1x64xi32, #tpu.memory_space<vmem>>
      %dma_wait3A_140 = tpu.memref_squeeze %dma_wait3A_139 : memref<1x64xi32, #tpu.memory_space<vmem>> -> memref<64xi32, #tpu.memory_space<vmem>>
      %dma_wait3A_141 = tpu.memref_slice %arg3[%add3A_132] : memref<320000xi32, #tpu.memory_space<hbm>> -> memref<64xi32, #tpu.memory_space<hbm>>
      tpu.wait_dma2 semaphore(%arg17 : memref<!tpu.dma_semaphore, #tpu.memory_space<semaphore_mem>>) src(%dma_wait3A_141 : memref<64xi32, #tpu.memory_space<hbm>>) dst(%dma_wait3A_140 : memref<64xi32, #tpu.memory_space<vmem>>)
      %run_scoped3A = arith.constant 0 : i32
      %run_scoped3A_142 = arith.constant 0 : i32
      "tpu.region"() ({
        %run_scoped3A_249 = tpu.sem_alloc : memref<!tpu.dma_semaphore, #tpu.memory_space<semaphore_mem>>
        %dma_start3A_250 = arith.constant 0 : i32
        %dma_start3A_251 = arith.constant 0 : i32
        %dma_start3A_252 = tpu.memref_slice %arg10[%run_scoped3A, %dma_start3A_250, %dma_start3A_251] : memref<4x64x128xf32, #tpu.memory_space<vmem>> -> memref<1x64x128xf32, #tpu.memory_space<vmem>>
        %dma_start3A_253 = tpu.memref_squeeze %dma_start3A_252 : memref<1x64x128xf32, #tpu.memory_space<vmem>> -> memref<64x128xf32, #tpu.memory_space<vmem>>
        %dma_start3A_254 = arith.constant 0 : i32
        %dma_start3A_255 = tpu.memref_slice %arg8[%run_scoped3A_142, %dma_start3A_254] : memref<4x64xi32, #tpu.memory_space<vmem>> -> memref<1x64xi32, #tpu.memory_space<vmem>>
        %dma_start3A_256 = tpu.memref_squeeze %dma_start3A_255 : memref<1x64xi32, #tpu.memory_space<vmem>> -> memref<64xi32, #tpu.memory_space<vmem>>
        %dma_start3A_257 = arith.constant 0 : i32
        %dma_start3A_258 = arith.constant 0 : i32
        %dma_start3A_259 = tpu.memref_slice %arg12[%dma_start3A_257, %dma_start3A_258] : memref<10240x128xf32, #tpu.memory_space<vmem_shared>> -> memref<10240x128xf32, #tpu.memory_space<vmem_shared>>
        tpu.enqueue_indirect_dma source(%dma_start3A_253 : memref<64x128xf32, #tpu.memory_space<vmem>>) target(%dma_start3A_259 : memref<10240x128xf32, #tpu.memory_space<vmem_shared>>) offsets(%dma_start3A_256 : memref<64xi32, #tpu.memory_space<vmem>>) semaphore(%run_scoped3A_249 : memref<!tpu.dma_semaphore, #tpu.memory_space<semaphore_mem>>) {add = true}
        %dma_wait3A_260 = arith.constant 0 : i32
        %dma_wait3A_261 = arith.constant 0 : i32
        %dma_wait3A_262 = tpu.memref_slice %arg10[%run_scoped3A, %dma_wait3A_260, %dma_wait3A_261] : memref<4x64x128xf32, #tpu.memory_space<vmem>> -> memref<1x64x128xf32, #tpu.memory_space<vmem>>
        %dma_wait3A_263 = tpu.memref_squeeze %dma_wait3A_262 : memref<1x64x128xf32, #tpu.memory_space<vmem>> -> memref<64x128xf32, #tpu.memory_space<vmem>>
        %dma_wait3A_264 = arith.constant 0 : i32
        %dma_wait3A_265 = tpu.memref_slice %arg8[%run_scoped3A_142, %dma_wait3A_264] : memref<4x64xi32, #tpu.memory_space<vmem>> -> memref<1x64xi32, #tpu.memory_space<vmem>>
        %dma_wait3A_266 = tpu.memref_squeeze %dma_wait3A_265 : memref<1x64xi32, #tpu.memory_space<vmem>> -> memref<64xi32, #tpu.memory_space<vmem>>
        %dma_wait3A_267 = arith.constant 0 : i32
        %dma_wait3A_268 = arith.constant 0 : i32
        %dma_wait3A_269 = tpu.memref_slice %arg12[%dma_wait3A_267, %dma_wait3A_268] : memref<10240x128xf32, #tpu.memory_space<vmem_shared>> -> memref<10240x128xf32, #tpu.memory_space<vmem_shared>>
        tpu.wait_indirect_dma semaphore(%run_scoped3A_249 : memref<!tpu.dma_semaphore, #tpu.memory_space<semaphore_mem>>) src(%dma_wait3A_263 : memref<64x128xf32, #tpu.memory_space<vmem>>) dst(%dma_wait3A_269 : memref<10240x128xf32, #tpu.memory_space<vmem_shared>>)
        tpu.yield
      }) : () -> ()
      %lt3A = arith.constant 38 : i32
      %lt3A_143 = arith.cmpi slt, %scan3A_114, %lt3A : i32
      %convert_element_type3A_144 = arith.extui %lt3A_143 : i1 to i32
      %cond3A_145 = arith.constant 0 : i32
      %cond3A_146 = arith.cmpi ne, %convert_element_type3A_144, %cond3A_145 : i32
      scf.if %cond3A_146 {
        %add3A_249 = arith.constant 4 : i32
        %add3A_250 = arith.addi %add3A_118, %add3A_249 : i32
        %mul3A_251 = arith.constant 64 : i32
        %mul3A_252 = arith.muli %add3A_250, %mul3A_251 : i32
        %add3A_253 = arith.addi %mul3A_2, %mul3A_252 : i32
        %dma_start3A_254 = arith.constant 0 : i32
        %dma_start3A_255 = arith.constant 0 : i32
        %dma_start3A_256 = tpu.memref_slice %arg8[%dma_start3A_254, %dma_start3A_255] : memref<4x64xi32, #tpu.memory_space<vmem>> -> memref<1x64xi32, #tpu.memory_space<vmem>>
        %dma_start3A_257 = tpu.memref_squeeze %dma_start3A_256 : memref<1x64xi32, #tpu.memory_space<vmem>> -> memref<64xi32, #tpu.memory_space<vmem>>
        %dma_start3A_258 = tpu.memref_slice %arg3[%add3A_253] : memref<320000xi32, #tpu.memory_space<hbm>> -> memref<64xi32, #tpu.memory_space<hbm>>
        %dma_start3A_259 = arith.constant 0 : i32
        %dma_start3A_260 = tpu.memref_slice %arg8[%dma_start3A_254, %dma_start3A_259] : memref<4x64xi32, #tpu.memory_space<vmem>> -> memref<1x64xi32, #tpu.memory_space<vmem>>
        %dma_start3A_261 = tpu.memref_squeeze %dma_start3A_260 : memref<1x64xi32, #tpu.memory_space<vmem>> -> memref<64xi32, #tpu.memory_space<vmem>>
        %dma_start3A_262 = tpu.memref_slice %arg3[%add3A_253] : memref<320000xi32, #tpu.memory_space<hbm>> -> memref<64xi32, #tpu.memory_space<hbm>>
        tpu.enqueue_dma source(%dma_start3A_262 : memref<64xi32, #tpu.memory_space<hbm>>) target(%dma_start3A_261 : memref<64xi32, #tpu.memory_space<vmem>>) target_semaphore(%arg17 : memref<!tpu.dma_semaphore, #tpu.memory_space<semaphore_mem>>)
        %add3A_263 = arith.constant 4 : i32
        %add3A_264 = arith.addi %add3A_118, %add3A_263 : i32
        %mul3A_265 = arith.constant 64 : i32
        %mul3A_266 = arith.muli %add3A_264, %mul3A_265 : i32
        %dma_start3A_267 = arith.constant 0 : i32
        %dma_start3A_268 = arith.constant 0 : i32
        %dma_start3A_269 = arith.constant 0 : i32
        %dma_start3A_270 = tpu.memref_slice %arg10[%dma_start3A_267, %dma_start3A_268, %dma_start3A_269] : memref<4x64x128xf32, #tpu.memory_space<vmem>> -> memref<1x64x128xf32, #tpu.memory_space<vmem>>
        %dma_start3A_271 = tpu.memref_squeeze %dma_start3A_270 : memref<1x64x128xf32, #tpu.memory_space<vmem>> -> memref<64x128xf32, #tpu.memory_space<vmem>>
        %dma_start3A_272 = tpu.memref_slice %arg7[%mul3A_266] : memref<10000xi32, #tpu.memory_space<vmem>> -> memref<64xi32, #tpu.memory_space<vmem>>
        %dma_start3A_273 = arith.constant 0 : i32
        %dma_start3A_274 = arith.constant 0 : i32
        %dma_start3A_275 = tpu.memref_slice %arg4[%dma_start3A_273, %dma_start3A_274] : memref<10000x128xf32, #tpu.memory_space<hbm>> -> memref<10000x128xf32, #tpu.memory_space<hbm>>
        tpu.enqueue_indirect_dma source(%dma_start3A_275 : memref<10000x128xf32, #tpu.memory_space<hbm>>) target(%dma_start3A_271 : memref<64x128xf32, #tpu.memory_space<vmem>>) offsets(%dma_start3A_272 : memref<64xi32, #tpu.memory_space<vmem>>) semaphore(%arg13 : memref<!tpu.dma_semaphore, #tpu.memory_space<semaphore_mem>>)
      } else {
      }
      %mul3A_147 = arith.constant 4 : i32
      %mul3A_148 = arith.muli %scan3A_114, %mul3A_147 : i32
      %add3A_149 = arith.constant 1 : i32
      %add3A_150 = arith.addi %mul3A_148, %add3A_149 : i32
      %mul3A_151 = arith.constant 64 : i32
      %mul3A_152 = arith.muli %add3A_150, %mul3A_151 : i32
      %dma_wait3A_153 = arith.constant 1 : i32
      %dma_wait3A_154 = arith.constant 0 : i32
      %dma_wait3A_155 = arith.constant 0 : i32
      %dma_wait3A_156 = tpu.memref_slice %arg10[%dma_wait3A_153, %dma_wait3A_154, %dma_wait3A_155] : memref<4x64x128xf32, #tpu.memory_space<vmem>> -> memref<1x64x128xf32, #tpu.memory_space<vmem>>
      %dma_wait3A_157 = tpu.memref_squeeze %dma_wait3A_156 : memref<1x64x128xf32, #tpu.memory_space<vmem>> -> memref<64x128xf32, #tpu.memory_space<vmem>>
      %dma_wait3A_158 = tpu.memref_slice %arg7[%mul3A_152] : memref<10000xi32, #tpu.memory_space<vmem>> -> memref<64xi32, #tpu.memory_space<vmem>>
      %dma_wait3A_159 = arith.constant 0 : i32
      %dma_wait3A_160 = arith.constant 0 : i32
      %dma_wait3A_161 = tpu.memref_slice %arg4[%dma_wait3A_159, %dma_wait3A_160] : memref<10000x128xf32, #tpu.memory_space<hbm>> -> memref<10000x128xf32, #tpu.memory_space<hbm>>
      tpu.wait_indirect_dma semaphore(%arg14 : memref<!tpu.dma_semaphore, #tpu.memory_space<semaphore_mem>>) src(%dma_wait3A_161 : memref<10000x128xf32, #tpu.memory_space<hbm>>) dst(%dma_wait3A_157 : memref<64x128xf32, #tpu.memory_space<vmem>>)
      %mul3A_162 = arith.constant 64 : i32
      %mul3A_163 = arith.muli %add3A_150, %mul3A_162 : i32
      %add3A_164 = arith.addi %mul3A_2, %mul3A_163 : i32
      %dma_wait3A_165 = arith.constant 1 : i32
      %dma_wait3A_166 = arith.constant 0 : i32
      %dma_wait3A_167 = tpu.memref_slice %arg8[%dma_wait3A_165, %dma_wait3A_166] : memref<4x64xi32, #tpu.memory_space<vmem>> -> memref<1x64xi32, #tpu.memory_space<vmem>>
      %dma_wait3A_168 = tpu.memref_squeeze %dma_wait3A_167 : memref<1x64xi32, #tpu.memory_space<vmem>> -> memref<64xi32, #tpu.memory_space<vmem>>
      %dma_wait3A_169 = tpu.memref_slice %arg3[%add3A_164] : memref<320000xi32, #tpu.memory_space<hbm>> -> memref<64xi32, #tpu.memory_space<hbm>>
      %dma_wait3A_170 = arith.constant 0 : i32
      %dma_wait3A_171 = tpu.memref_slice %arg8[%dma_wait3A_165, %dma_wait3A_170] : memref<4x64xi32, #tpu.memory_space<vmem>> -> memref<1x64xi32, #tpu.memory_space<vmem>>
      %dma_wait3A_172 = tpu.memref_squeeze %dma_wait3A_171 : memref<1x64xi32, #tpu.memory_space<vmem>> -> memref<64xi32, #tpu.memory_space<vmem>>
      %dma_wait3A_173 = tpu.memref_slice %arg3[%add3A_164] : memref<320000xi32, #tpu.memory_space<hbm>> -> memref<64xi32, #tpu.memory_space<hbm>>
      tpu.wait_dma2 semaphore(%arg18 : memref<!tpu.dma_semaphore, #tpu.memory_space<semaphore_mem>>) src(%dma_wait3A_173 : memref<64xi32, #tpu.memory_space<hbm>>) dst(%dma_wait3A_172 : memref<64xi32, #tpu.memory_space<vmem>>)
      %run_scoped3A_174 = arith.constant 1 : i32
      %run_scoped3A_175 = arith.constant 1 : i32
      "tpu.region"() ({
        %run_scoped3A_249 = tpu.sem_alloc : memref<!tpu.dma_semaphore, #tpu.memory_space<semaphore_mem>>
        %dma_start3A_250 = arith.constant 0 : i32
        %dma_start3A_251 = arith.constant 0 : i32
        %dma_start3A_252 = tpu.memref_slice %arg10[%run_scoped3A_174, %dma_start3A_250, %dma_start3A_251] : memref<4x64x128xf32, #tpu.memory_space<vmem>> -> memref<1x64x128xf32, #tpu.memory_space<vmem>>
        %dma_start3A_253 = tpu.memref_squeeze %dma_start3A_252 : memref<1x64x128xf32, #tpu.memory_space<vmem>> -> memref<64x128xf32, #tpu.memory_space<vmem>>
        %dma_start3A_254 = arith.constant 0 : i32
        %dma_start3A_255 = tpu.memref_slice %arg8[%run_scoped3A_175, %dma_start3A_254] : memref<4x64xi32, #tpu.memory_space<vmem>> -> memref<1x64xi32, #tpu.memory_space<vmem>>
        %dma_start3A_256 = tpu.memref_squeeze %dma_start3A_255 : memref<1x64xi32, #tpu.memory_space<vmem>> -> memref<64xi32, #tpu.memory_space<vmem>>
        %dma_start3A_257 = arith.constant 0 : i32
        %dma_start3A_258 = arith.constant 0 : i32
        %dma_start3A_259 = tpu.memref_slice %arg12[%dma_start3A_257, %dma_start3A_258] : memref<10240x128xf32, #tpu.memory_space<vmem_shared>> -> memref<10240x128xf32, #tpu.memory_space<vmem_shared>>
        tpu.enqueue_indirect_dma source(%dma_start3A_253 : memref<64x128xf32, #tpu.memory_space<vmem>>) target(%dma_start3A_259 : memref<10240x128xf32, #tpu.memory_space<vmem_shared>>) offsets(%dma_start3A_256 : memref<64xi32, #tpu.memory_space<vmem>>) semaphore(%run_scoped3A_249 : memref<!tpu.dma_semaphore, #tpu.memory_space<semaphore_mem>>) {add = true}
        %dma_wait3A_260 = arith.constant 0 : i32
        %dma_wait3A_261 = arith.constant 0 : i32
        %dma_wait3A_262 = tpu.memref_slice %arg10[%run_scoped3A_174, %dma_wait3A_260, %dma_wait3A_261] : memref<4x64x128xf32, #tpu.memory_space<vmem>> -> memref<1x64x128xf32, #tpu.memory_space<vmem>>
        %dma_wait3A_263 = tpu.memref_squeeze %dma_wait3A_262 : memref<1x64x128xf32, #tpu.memory_space<vmem>> -> memref<64x128xf32, #tpu.memory_space<vmem>>
        %dma_wait3A_264 = arith.constant 0 : i32
        %dma_wait3A_265 = tpu.memref_slice %arg8[%run_scoped3A_175, %dma_wait3A_264] : memref<4x64xi32, #tpu.memory_space<vmem>> -> memref<1x64xi32, #tpu.memory_space<vmem>>
        %dma_wait3A_266 = tpu.memref_squeeze %dma_wait3A_265 : memref<1x64xi32, #tpu.memory_space<vmem>> -> memref<64xi32, #tpu.memory_space<vmem>>
        %dma_wait3A_267 = arith.constant 0 : i32
        %dma_wait3A_268 = arith.constant 0 : i32
        %dma_wait3A_269 = tpu.memref_slice %arg12[%dma_wait3A_267, %dma_wait3A_268] : memref<10240x128xf32, #tpu.memory_space<vmem_shared>> -> memref<10240x128xf32, #tpu.memory_space<vmem_shared>>
        tpu.wait_indirect_dma semaphore(%run_scoped3A_249 : memref<!tpu.dma_semaphore, #tpu.memory_space<semaphore_mem>>) src(%dma_wait3A_263 : memref<64x128xf32, #tpu.memory_space<vmem>>) dst(%dma_wait3A_269 : memref<10240x128xf32, #tpu.memory_space<vmem_shared>>)
        tpu.yield
      }) : () -> ()
      %lt3A_176 = arith.constant 38 : i32
      %lt3A_177 = arith.cmpi slt, %scan3A_114, %lt3A_176 : i32
      %convert_element_type3A_178 = arith.extui %lt3A_177 : i1 to i32
      %cond3A_179 = arith.constant 0 : i32
      %cond3A_180 = arith.cmpi ne, %convert_element_type3A_178, %cond3A_179 : i32
      scf.if %cond3A_180 {
        %add3A_249 = arith.constant 4 : i32
        %add3A_250 = arith.addi %add3A_150, %add3A_249 : i32
        %mul3A_251 = arith.constant 64 : i32
        %mul3A_252 = arith.muli %add3A_250, %mul3A_251 : i32
        %add3A_253 = arith.addi %mul3A_2, %mul3A_252 : i32
        %dma_start3A_254 = arith.constant 1 : i32
        %dma_start3A_255 = arith.constant 0 : i32
        %dma_start3A_256 = tpu.memref_slice %arg8[%dma_start3A_254, %dma_start3A_255] : memref<4x64xi32, #tpu.memory_space<vmem>> -> memref<1x64xi32, #tpu.memory_space<vmem>>
        %dma_start3A_257 = tpu.memref_squeeze %dma_start3A_256 : memref<1x64xi32, #tpu.memory_space<vmem>> -> memref<64xi32, #tpu.memory_space<vmem>>
        %dma_start3A_258 = tpu.memref_slice %arg3[%add3A_253] : memref<320000xi32, #tpu.memory_space<hbm>> -> memref<64xi32, #tpu.memory_space<hbm>>
        %dma_start3A_259 = arith.constant 0 : i32
        %dma_start3A_260 = tpu.memref_slice %arg8[%dma_start3A_254, %dma_start3A_259] : memref<4x64xi32, #tpu.memory_space<vmem>> -> memref<1x64xi32, #tpu.memory_space<vmem>>
        %dma_start3A_261 = tpu.memref_squeeze %dma_start3A_260 : memref<1x64xi32, #tpu.memory_space<vmem>> -> memref<64xi32, #tpu.memory_space<vmem>>
        %dma_start3A_262 = tpu.memref_slice %arg3[%add3A_253] : memref<320000xi32, #tpu.memory_space<hbm>> -> memref<64xi32, #tpu.memory_space<hbm>>
        tpu.enqueue_dma source(%dma_start3A_262 : memref<64xi32, #tpu.memory_space<hbm>>) target(%dma_start3A_261 : memref<64xi32, #tpu.memory_space<vmem>>) target_semaphore(%arg18 : memref<!tpu.dma_semaphore, #tpu.memory_space<semaphore_mem>>)
        %add3A_263 = arith.constant 4 : i32
        %add3A_264 = arith.addi %add3A_150, %add3A_263 : i32
        %mul3A_265 = arith.constant 64 : i32
        %mul3A_266 = arith.muli %add3A_264, %mul3A_265 : i32
        %dma_start3A_267 = arith.constant 1 : i32
        %dma_start3A_268 = arith.constant 0 : i32
        %dma_start3A_269 = arith.constant 0 : i32
        %dma_start3A_270 = tpu.memref_slice %arg10[%dma_start3A_267, %dma_start3A_268, %dma_start3A_269] : memref<4x64x128xf32, #tpu.memory_space<vmem>> -> memref<1x64x128xf32, #tpu.memory_space<vmem>>
        %dma_start3A_271 = tpu.memref_squeeze %dma_start3A_270 : memref<1x64x128xf32, #tpu.memory_space<vmem>> -> memref<64x128xf32, #tpu.memory_space<vmem>>
        %dma_start3A_272 = tpu.memref_slice %arg7[%mul3A_266] : memref<10000xi32, #tpu.memory_space<vmem>> -> memref<64xi32, #tpu.memory_space<vmem>>
        %dma_start3A_273 = arith.constant 0 : i32
        %dma_start3A_274 = arith.constant 0 : i32
        %dma_start3A_275 = tpu.memref_slice %arg4[%dma_start3A_273, %dma_start3A_274] : memref<10000x128xf32, #tpu.memory_space<hbm>> -> memref<10000x128xf32, #tpu.memory_space<hbm>>
        tpu.enqueue_indirect_dma source(%dma_start3A_275 : memref<10000x128xf32, #tpu.memory_space<hbm>>) target(%dma_start3A_271 : memref<64x128xf32, #tpu.memory_space<vmem>>) offsets(%dma_start3A_272 : memref<64xi32, #tpu.memory_space<vmem>>) semaphore(%arg14 : memref<!tpu.dma_semaphore, #tpu.memory_space<semaphore_mem>>)
      } else {
      }
      %mul3A_181 = arith.constant 4 : i32
      %mul3A_182 = arith.muli %scan3A_114, %mul3A_181 : i32
      %add3A_183 = arith.constant 2 : i32
      %add3A_184 = arith.addi %mul3A_182, %add3A_183 : i32
      %mul3A_185 = arith.constant 64 : i32
      %mul3A_186 = arith.muli %add3A_184, %mul3A_185 : i32
      %dma_wait3A_187 = arith.constant 2 : i32
      %dma_wait3A_188 = arith.constant 0 : i32
      %dma_wait3A_189 = arith.constant 0 : i32
      %dma_wait3A_190 = tpu.memref_slice %arg10[%dma_wait3A_187, %dma_wait3A_188, %dma_wait3A_189] : memref<4x64x128xf32, #tpu.memory_space<vmem>> -> memref<1x64x128xf32, #tpu.memory_space<vmem>>
      %dma_wait3A_191 = tpu.memref_squeeze %dma_wait3A_190 : memref<1x64x128xf32, #tpu.memory_space<vmem>> -> memref<64x128xf32, #tpu.memory_space<vmem>>
      %dma_wait3A_192 = tpu.memref_slice %arg7[%mul3A_186] : memref<10000xi32, #tpu.memory_space<vmem>> -> memref<64xi32, #tpu.memory_space<vmem>>
      %dma_wait3A_193 = arith.constant 0 : i32
      %dma_wait3A_194 = arith.constant 0 : i32
      %dma_wait3A_195 = tpu.memref_slice %arg4[%dma_wait3A_193, %dma_wait3A_194] : memref<10000x128xf32, #tpu.memory_space<hbm>> -> memref<10000x128xf32, #tpu.memory_space<hbm>>
      tpu.wait_indirect_dma semaphore(%arg15 : memref<!tpu.dma_semaphore, #tpu.memory_space<semaphore_mem>>) src(%dma_wait3A_195 : memref<10000x128xf32, #tpu.memory_space<hbm>>) dst(%dma_wait3A_191 : memref<64x128xf32, #tpu.memory_space<vmem>>)
      %mul3A_196 = arith.constant 64 : i32
      %mul3A_197 = arith.muli %add3A_184, %mul3A_196 : i32
      %add3A_198 = arith.addi %mul3A_2, %mul3A_197 : i32
      %dma_wait3A_199 = arith.constant 2 : i32
      %dma_wait3A_200 = arith.constant 0 : i32
      %dma_wait3A_201 = tpu.memref_slice %arg8[%dma_wait3A_199, %dma_wait3A_200] : memref<4x64xi32, #tpu.memory_space<vmem>> -> memref<1x64xi32, #tpu.memory_space<vmem>>
      %dma_wait3A_202 = tpu.memref_squeeze %dma_wait3A_201 : memref<1x64xi32, #tpu.memory_space<vmem>> -> memref<64xi32, #tpu.memory_space<vmem>>
      %dma_wait3A_203 = tpu.memref_slice %arg3[%add3A_198] : memref<320000xi32, #tpu.memory_space<hbm>> -> memref<64xi32, #tpu.memory_space<hbm>>
      %dma_wait3A_204 = arith.constant 0 : i32
      %dma_wait3A_205 = tpu.memref_slice %arg8[%dma_wait3A_199, %dma_wait3A_204] : memref<4x64xi32, #tpu.memory_space<vmem>> -> memref<1x64xi32, #tpu.memory_space<vmem>>
      %dma_wait3A_206 = tpu.memref_squeeze %dma_wait3A_205 : memref<1x64xi32, #tpu.memory_space<vmem>> -> memref<64xi32, #tpu.memory_space<vmem>>
      %dma_wait3A_207 = tpu.memref_slice %arg3[%add3A_198] : memref<320000xi32, #tpu.memory_space<hbm>> -> memref<64xi32, #tpu.memory_space<hbm>>
      tpu.wait_dma2 semaphore(%arg19 : memref<!tpu.dma_semaphore, #tpu.memory_space<semaphore_mem>>) src(%dma_wait3A_207 : memref<64xi32, #tpu.memory_space<hbm>>) dst(%dma_wait3A_206 : memref<64xi32, #tpu.memory_space<vmem>>)
      %run_scoped3A_208 = arith.constant 2 : i32
      %run_scoped3A_209 = arith.constant 2 : i32
      "tpu.region"() ({
        %run_scoped3A_249 = tpu.sem_alloc : memref<!tpu.dma_semaphore, #tpu.memory_space<semaphore_mem>>
        %dma_start3A_250 = arith.constant 0 : i32
        %dma_start3A_251 = arith.constant 0 : i32
        %dma_start3A_252 = tpu.memref_slice %arg10[%run_scoped3A_208, %dma_start3A_250, %dma_start3A_251] : memref<4x64x128xf32, #tpu.memory_space<vmem>> -> memref<1x64x128xf32, #tpu.memory_space<vmem>>
        %dma_start3A_253 = tpu.memref_squeeze %dma_start3A_252 : memref<1x64x128xf32, #tpu.memory_space<vmem>> -> memref<64x128xf32, #tpu.memory_space<vmem>>
        %dma_start3A_254 = arith.constant 0 : i32
        %dma_start3A_255 = tpu.memref_slice %arg8[%run_scoped3A_209, %dma_start3A_254] : memref<4x64xi32, #tpu.memory_space<vmem>> -> memref<1x64xi32, #tpu.memory_space<vmem>>
        %dma_start3A_256 = tpu.memref_squeeze %dma_start3A_255 : memref<1x64xi32, #tpu.memory_space<vmem>> -> memref<64xi32, #tpu.memory_space<vmem>>
        %dma_start3A_257 = arith.constant 0 : i32
        %dma_start3A_258 = arith.constant 0 : i32
        %dma_start3A_259 = tpu.memref_slice %arg12[%dma_start3A_257, %dma_start3A_258] : memref<10240x128xf32, #tpu.memory_space<vmem_shared>> -> memref<10240x128xf32, #tpu.memory_space<vmem_shared>>
        tpu.enqueue_indirect_dma source(%dma_start3A_253 : memref<64x128xf32, #tpu.memory_space<vmem>>) target(%dma_start3A_259 : memref<10240x128xf32, #tpu.memory_space<vmem_shared>>) offsets(%dma_start3A_256 : memref<64xi32, #tpu.memory_space<vmem>>) semaphore(%run_scoped3A_249 : memref<!tpu.dma_semaphore, #tpu.memory_space<semaphore_mem>>) {add = true}
        %dma_wait3A_260 = arith.constant 0 : i32
        %dma_wait3A_261 = arith.constant 0 : i32
        %dma_wait3A_262 = tpu.memref_slice %arg10[%run_scoped3A_208, %dma_wait3A_260, %dma_wait3A_261] : memref<4x64x128xf32, #tpu.memory_space<vmem>> -> memref<1x64x128xf32, #tpu.memory_space<vmem>>
        %dma_wait3A_263 = tpu.memref_squeeze %dma_wait3A_262 : memref<1x64x128xf32, #tpu.memory_space<vmem>> -> memref<64x128xf32, #tpu.memory_space<vmem>>
        %dma_wait3A_264 = arith.constant 0 : i32
        %dma_wait3A_265 = tpu.memref_slice %arg8[%run_scoped3A_209, %dma_wait3A_264] : memref<4x64xi32, #tpu.memory_space<vmem>> -> memref<1x64xi32, #tpu.memory_space<vmem>>
        %dma_wait3A_266 = tpu.memref_squeeze %dma_wait3A_265 : memref<1x64xi32, #tpu.memory_space<vmem>> -> memref<64xi32, #tpu.memory_space<vmem>>
        %dma_wait3A_267 = arith.constant 0 : i32
        %dma_wait3A_268 = arith.constant 0 : i32
        %dma_wait3A_269 = tpu.memref_slice %arg12[%dma_wait3A_267, %dma_wait3A_268] : memref<10240x128xf32, #tpu.memory_space<vmem_shared>> -> memref<10240x128xf32, #tpu.memory_space<vmem_shared>>
        tpu.wait_indirect_dma semaphore(%run_scoped3A_249 : memref<!tpu.dma_semaphore, #tpu.memory_space<semaphore_mem>>) src(%dma_wait3A_263 : memref<64x128xf32, #tpu.memory_space<vmem>>) dst(%dma_wait3A_269 : memref<10240x128xf32, #tpu.memory_space<vmem_shared>>)
        tpu.yield
      }) : () -> ()
      %lt3A_210 = arith.constant 38 : i32
      %lt3A_211 = arith.cmpi slt, %scan3A_114, %lt3A_210 : i32
      %convert_element_type3A_212 = arith.extui %lt3A_211 : i1 to i32
      %cond3A_213 = arith.constant 0 : i32
      %cond3A_214 = arith.cmpi ne, %convert_element_type3A_212, %cond3A_213 : i32
      scf.if %cond3A_214 {
        %add3A_249 = arith.constant 4 : i32
        %add3A_250 = arith.addi %add3A_184, %add3A_249 : i32
        %mul3A_251 = arith.constant 64 : i32
        %mul3A_252 = arith.muli %add3A_250, %mul3A_251 : i32
        %add3A_253 = arith.addi %mul3A_2, %mul3A_252 : i32
        %dma_start3A_254 = arith.constant 2 : i32
        %dma_start3A_255 = arith.constant 0 : i32
        %dma_start3A_256 = tpu.memref_slice %arg8[%dma_start3A_254, %dma_start3A_255] : memref<4x64xi32, #tpu.memory_space<vmem>> -> memref<1x64xi32, #tpu.memory_space<vmem>>
        %dma_start3A_257 = tpu.memref_squeeze %dma_start3A_256 : memref<1x64xi32, #tpu.memory_space<vmem>> -> memref<64xi32, #tpu.memory_space<vmem>>
        %dma_start3A_258 = tpu.memref_slice %arg3[%add3A_253] : memref<320000xi32, #tpu.memory_space<hbm>> -> memref<64xi32, #tpu.memory_space<hbm>>
        %dma_start3A_259 = arith.constant 0 : i32
        %dma_start3A_260 = tpu.memref_slice %arg8[%dma_start3A_254, %dma_start3A_259] : memref<4x64xi32, #tpu.memory_space<vmem>> -> memref<1x64xi32, #tpu.memory_space<vmem>>
        %dma_start3A_261 = tpu.memref_squeeze %dma_start3A_260 : memref<1x64xi32, #tpu.memory_space<vmem>> -> memref<64xi32, #tpu.memory_space<vmem>>
        %dma_start3A_262 = tpu.memref_slice %arg3[%add3A_253] : memref<320000xi32, #tpu.memory_space<hbm>> -> memref<64xi32, #tpu.memory_space<hbm>>
        tpu.enqueue_dma source(%dma_start3A_262 : memref<64xi32, #tpu.memory_space<hbm>>) target(%dma_start3A_261 : memref<64xi32, #tpu.memory_space<vmem>>) target_semaphore(%arg19 : memref<!tpu.dma_semaphore, #tpu.memory_space<semaphore_mem>>)
        %add3A_263 = arith.constant 4 : i32
        %add3A_264 = arith.addi %add3A_184, %add3A_263 : i32
        %mul3A_265 = arith.constant 64 : i32
        %mul3A_266 = arith.muli %add3A_264, %mul3A_265 : i32
        %dma_start3A_267 = arith.constant 2 : i32
        %dma_start3A_268 = arith.constant 0 : i32
        %dma_start3A_269 = arith.constant 0 : i32
        %dma_start3A_270 = tpu.memref_slice %arg10[%dma_start3A_267, %dma_start3A_268, %dma_start3A_269] : memref<4x64x128xf32, #tpu.memory_space<vmem>> -> memref<1x64x128xf32, #tpu.memory_space<vmem>>
        %dma_start3A_271 = tpu.memref_squeeze %dma_start3A_270 : memref<1x64x128xf32, #tpu.memory_space<vmem>> -> memref<64x128xf32, #tpu.memory_space<vmem>>
        %dma_start3A_272 = tpu.memref_slice %arg7[%mul3A_266] : memref<10000xi32, #tpu.memory_space<vmem>> -> memref<64xi32, #tpu.memory_space<vmem>>
        %dma_start3A_273 = arith.constant 0 : i32
        %dma_start3A_274 = arith.constant 0 : i32
        %dma_start3A_275 = tpu.memref_slice %arg4[%dma_start3A_273, %dma_start3A_274] : memref<10000x128xf32, #tpu.memory_space<hbm>> -> memref<10000x128xf32, #tpu.memory_space<hbm>>
        tpu.enqueue_indirect_dma source(%dma_start3A_275 : memref<10000x128xf32, #tpu.memory_space<hbm>>) target(%dma_start3A_271 : memref<64x128xf32, #tpu.memory_space<vmem>>) offsets(%dma_start3A_272 : memref<64xi32, #tpu.memory_space<vmem>>) semaphore(%arg15 : memref<!tpu.dma_semaphore, #tpu.memory_space<semaphore_mem>>)
      } else {
      }
      %mul3A_215 = arith.constant 4 : i32
      %mul3A_216 = arith.muli %scan3A_114, %mul3A_215 : i32
      %add3A_217 = arith.constant 3 : i32
      %add3A_218 = arith.addi %mul3A_216, %add3A_217 : i32
      %mul3A_219 = arith.constant 64 : i32
      %mul3A_220 = arith.muli %add3A_218, %mul3A_219 : i32
      %dma_wait3A_221 = arith.constant 3 : i32
      %dma_wait3A_222 = arith.constant 0 : i32
      %dma_wait3A_223 = arith.constant 0 : i32
      %dma_wait3A_224 = tpu.memref_slice %arg10[%dma_wait3A_221, %dma_wait3A_222, %dma_wait3A_223] : memref<4x64x128xf32, #tpu.memory_space<vmem>> -> memref<1x64x128xf32, #tpu.memory_space<vmem>>
      %dma_wait3A_225 = tpu.memref_squeeze %dma_wait3A_224 : memref<1x64x128xf32, #tpu.memory_space<vmem>> -> memref<64x128xf32, #tpu.memory_space<vmem>>
      %dma_wait3A_226 = tpu.memref_slice %arg7[%mul3A_220] : memref<10000xi32, #tpu.memory_space<vmem>> -> memref<64xi32, #tpu.memory_space<vmem>>
      %dma_wait3A_227 = arith.constant 0 : i32
      %dma_wait3A_228 = arith.constant 0 : i32
      %dma_wait3A_229 = tpu.memref_slice %arg4[%dma_wait3A_227, %dma_wait3A_228] : memref<10000x128xf32, #tpu.memory_space<hbm>> -> memref<10000x128xf32, #tpu.memory_space<hbm>>
      tpu.wait_indirect_dma semaphore(%arg16 : memref<!tpu.dma_semaphore, #tpu.memory_space<semaphore_mem>>) src(%dma_wait3A_229 : memref<10000x128xf32, #tpu.memory_space<hbm>>) dst(%dma_wait3A_225 : memref<64x128xf32, #tpu.memory_space<vmem>>)
      %mul3A_230 = arith.constant 64 : i32
      %mul3A_231 = arith.muli %add3A_218, %mul3A_230 : i32
      %add3A_232 = arith.addi %mul3A_2, %mul3A_231 : i32
      %dma_wait3A_233 = arith.constant 3 : i32
      %dma_wait3A_234 = arith.constant 0 : i32
      %dma_wait3A_235 = tpu.memref_slice %arg8[%dma_wait3A_233, %dma_wait3A_234] : memref<4x64xi32, #tpu.memory_space<vmem>> -> memref<1x64xi32, #tpu.memory_space<vmem>>
      %dma_wait3A_236 = tpu.memref_squeeze %dma_wait3A_235 : memref<1x64xi32, #tpu.memory_space<vmem>> -> memref<64xi32, #tpu.memory_space<vmem>>
      %dma_wait3A_237 = tpu.memref_slice %arg3[%add3A_232] : memref<320000xi32, #tpu.memory_space<hbm>> -> memref<64xi32, #tpu.memory_space<hbm>>
      %dma_wait3A_238 = arith.constant 0 : i32
      %dma_wait3A_239 = tpu.memref_slice %arg8[%dma_wait3A_233, %dma_wait3A_238] : memref<4x64xi32, #tpu.memory_space<vmem>> -> memref<1x64xi32, #tpu.memory_space<vmem>>
      %dma_wait3A_240 = tpu.memref_squeeze %dma_wait3A_239 : memref<1x64xi32, #tpu.memory_space<vmem>> -> memref<64xi32, #tpu.memory_space<vmem>>
      %dma_wait3A_241 = tpu.memref_slice %arg3[%add3A_232] : memref<320000xi32, #tpu.memory_space<hbm>> -> memref<64xi32, #tpu.memory_space<hbm>>
      tpu.wait_dma2 semaphore(%arg20 : memref<!tpu.dma_semaphore, #tpu.memory_space<semaphore_mem>>) src(%dma_wait3A_241 : memref<64xi32, #tpu.memory_space<hbm>>) dst(%dma_wait3A_240 : memref<64xi32, #tpu.memory_space<vmem>>)
      %run_scoped3A_242 = arith.constant 3 : i32
      %run_scoped3A_243 = arith.constant 3 : i32
      "tpu.region"() ({
        %run_scoped3A_249 = tpu.sem_alloc : memref<!tpu.dma_semaphore, #tpu.memory_space<semaphore_mem>>
        %dma_start3A_250 = arith.constant 0 : i32
        %dma_start3A_251 = arith.constant 0 : i32
        %dma_start3A_252 = tpu.memref_slice %arg10[%run_scoped3A_242, %dma_start3A_250, %dma_start3A_251] : memref<4x64x128xf32, #tpu.memory_space<vmem>> -> memref<1x64x128xf32, #tpu.memory_space<vmem>>
        %dma_start3A_253 = tpu.memref_squeeze %dma_start3A_252 : memref<1x64x128xf32, #tpu.memory_space<vmem>> -> memref<64x128xf32, #tpu.memory_space<vmem>>
        %dma_start3A_254 = arith.constant 0 : i32
        %dma_start3A_255 = tpu.memref_slice %arg8[%run_scoped3A_243, %dma_start3A_254] : memref<4x64xi32, #tpu.memory_space<vmem>> -> memref<1x64xi32, #tpu.memory_space<vmem>>
        %dma_start3A_256 = tpu.memref_squeeze %dma_start3A_255 : memref<1x64xi32, #tpu.memory_space<vmem>> -> memref<64xi32, #tpu.memory_space<vmem>>
        %dma_start3A_257 = arith.constant 0 : i32
        %dma_start3A_258 = arith.constant 0 : i32
        %dma_start3A_259 = tpu.memref_slice %arg12[%dma_start3A_257, %dma_start3A_258] : memref<10240x128xf32, #tpu.memory_space<vmem_shared>> -> memref<10240x128xf32, #tpu.memory_space<vmem_shared>>
        tpu.enqueue_indirect_dma source(%dma_start3A_253 : memref<64x128xf32, #tpu.memory_space<vmem>>) target(%dma_start3A_259 : memref<10240x128xf32, #tpu.memory_space<vmem_shared>>) offsets(%dma_start3A_256 : memref<64xi32, #tpu.memory_space<vmem>>) semaphore(%run_scoped3A_249 : memref<!tpu.dma_semaphore, #tpu.memory_space<semaphore_mem>>) {add = true}
        %dma_wait3A_260 = arith.constant 0 : i32
        %dma_wait3A_261 = arith.constant 0 : i32
        %dma_wait3A_262 = tpu.memref_slice %arg10[%run_scoped3A_242, %dma_wait3A_260, %dma_wait3A_261] : memref<4x64x128xf32, #tpu.memory_space<vmem>> -> memref<1x64x128xf32, #tpu.memory_space<vmem>>
        %dma_wait3A_263 = tpu.memref_squeeze %dma_wait3A_262 : memref<1x64x128xf32, #tpu.memory_space<vmem>> -> memref<64x128xf32, #tpu.memory_space<vmem>>
        %dma_wait3A_264 = arith.constant 0 : i32
        %dma_wait3A_265 = tpu.memref_slice %arg8[%run_scoped3A_243, %dma_wait3A_264] : memref<4x64xi32, #tpu.memory_space<vmem>> -> memref<1x64xi32, #tpu.memory_space<vmem>>
        %dma_wait3A_266 = tpu.memref_squeeze %dma_wait3A_265 : memref<1x64xi32, #tpu.memory_space<vmem>> -> memref<64xi32, #tpu.memory_space<vmem>>
        %dma_wait3A_267 = arith.constant 0 : i32
        %dma_wait3A_268 = arith.constant 0 : i32
        %dma_wait3A_269 = tpu.memref_slice %arg12[%dma_wait3A_267, %dma_wait3A_268] : memref<10240x128xf32, #tpu.memory_space<vmem_shared>> -> memref<10240x128xf32, #tpu.memory_space<vmem_shared>>
        tpu.wait_indirect_dma semaphore(%run_scoped3A_249 : memref<!tpu.dma_semaphore, #tpu.memory_space<semaphore_mem>>) src(%dma_wait3A_263 : memref<64x128xf32, #tpu.memory_space<vmem>>) dst(%dma_wait3A_269 : memref<10240x128xf32, #tpu.memory_space<vmem_shared>>)
        tpu.yield
      }) : () -> ()
      %lt3A_244 = arith.constant 38 : i32
      %lt3A_245 = arith.cmpi slt, %scan3A_114, %lt3A_244 : i32
      %convert_element_type3A_246 = arith.extui %lt3A_245 : i1 to i32
      %cond3A_247 = arith.constant 0 : i32
      %cond3A_248 = arith.cmpi ne, %convert_element_type3A_246, %cond3A_247 : i32
      scf.if %cond3A_248 {
        %add3A_249 = arith.constant 4 : i32
        %add3A_250 = arith.addi %add3A_218, %add3A_249 : i32
        %mul3A_251 = arith.constant 64 : i32
        %mul3A_252 = arith.muli %add3A_250, %mul3A_251 : i32
        %add3A_253 = arith.addi %mul3A_2, %mul3A_252 : i32
        %dma_start3A_254 = arith.constant 3 : i32
        %dma_start3A_255 = arith.constant 0 : i32
        %dma_start3A_256 = tpu.memref_slice %arg8[%dma_start3A_254, %dma_start3A_255] : memref<4x64xi32, #tpu.memory_space<vmem>> -> memref<1x64xi32, #tpu.memory_space<vmem>>
        %dma_start3A_257 = tpu.memref_squeeze %dma_start3A_256 : memref<1x64xi32, #tpu.memory_space<vmem>> -> memref<64xi32, #tpu.memory_space<vmem>>
        %dma_start3A_258 = tpu.memref_slice %arg3[%add3A_253] : memref<320000xi32, #tpu.memory_space<hbm>> -> memref<64xi32, #tpu.memory_space<hbm>>
        %dma_start3A_259 = arith.constant 0 : i32
        %dma_start3A_260 = tpu.memref_slice %arg8[%dma_start3A_254, %dma_start3A_259] : memref<4x64xi32, #tpu.memory_space<vmem>> -> memref<1x64xi32, #tpu.memory_space<vmem>>
        %dma_start3A_261 = tpu.memref_squeeze %dma_start3A_260 : memref<1x64xi32, #tpu.memory_space<vmem>> -> memref<64xi32, #tpu.memory_space<vmem>>
        %dma_start3A_262 = tpu.memref_slice %arg3[%add3A_253] : memref<320000xi32, #tpu.memory_space<hbm>> -> memref<64xi32, #tpu.memory_space<hbm>>
        tpu.enqueue_dma source(%dma_start3A_262 : memref<64xi32, #tpu.memory_space<hbm>>) target(%dma_start3A_261 : memref<64xi32, #tpu.memory_space<vmem>>) target_semaphore(%arg20 : memref<!tpu.dma_semaphore, #tpu.memory_space<semaphore_mem>>)
        %add3A_263 = arith.constant 4 : i32
        %add3A_264 = arith.addi %add3A_218, %add3A_263 : i32
        %mul3A_265 = arith.constant 64 : i32
        %mul3A_266 = arith.muli %add3A_264, %mul3A_265 : i32
        %dma_start3A_267 = arith.constant 3 : i32
        %dma_start3A_268 = arith.constant 0 : i32
        %dma_start3A_269 = arith.constant 0 : i32
        %dma_start3A_270 = tpu.memref_slice %arg10[%dma_start3A_267, %dma_start3A_268, %dma_start3A_269] : memref<4x64x128xf32, #tpu.memory_space<vmem>> -> memref<1x64x128xf32, #tpu.memory_space<vmem>>
        %dma_start3A_271 = tpu.memref_squeeze %dma_start3A_270 : memref<1x64x128xf32, #tpu.memory_space<vmem>> -> memref<64x128xf32, #tpu.memory_space<vmem>>
        %dma_start3A_272 = tpu.memref_slice %arg7[%mul3A_266] : memref<10000xi32, #tpu.memory_space<vmem>> -> memref<64xi32, #tpu.memory_space<vmem>>
        %dma_start3A_273 = arith.constant 0 : i32
        %dma_start3A_274 = arith.constant 0 : i32
        %dma_start3A_275 = tpu.memref_slice %arg4[%dma_start3A_273, %dma_start3A_274] : memref<10000x128xf32, #tpu.memory_space<hbm>> -> memref<10000x128xf32, #tpu.memory_space<hbm>>
        tpu.enqueue_indirect_dma source(%dma_start3A_275 : memref<10000x128xf32, #tpu.memory_space<hbm>>) target(%dma_start3A_271 : memref<64x128xf32, #tpu.memory_space<vmem>>) offsets(%dma_start3A_272 : memref<64xi32, #tpu.memory_space<vmem>>) semaphore(%arg16 : memref<!tpu.dma_semaphore, #tpu.memory_space<semaphore_mem>>)
      } else {
      }
    }
    %scan3A_97 = arith.constant 39 : i32
    %add3A_98 = arith.constant 9984 : i32
    %add3A_99 = arith.addi %mul3A_2, %add3A_98 : i32
    "tpu.region"() ({
      %run_scoped3A = tpu.sem_alloc : memref<!tpu.dma_semaphore, #tpu.memory_space<semaphore_mem>>
      %dma_start3A_114 = tpu.memref_slice %arg3[%add3A_99] : memref<320000xi32, #tpu.memory_space<hbm>> -> memref<16xi32, #tpu.memory_space<hbm>>
      %dma_start3A_115 = tpu.memref_slice %arg3[%add3A_99] : memref<320000xi32, #tpu.memory_space<hbm>> -> memref<16xi32, #tpu.memory_space<hbm>>
      tpu.enqueue_dma source(%dma_start3A_115 : memref<16xi32, #tpu.memory_space<hbm>>) target(%arg9 : memref<16xi32, #tpu.memory_space<vmem>>) target_semaphore(%run_scoped3A : memref<!tpu.dma_semaphore, #tpu.memory_space<semaphore_mem>>)
      %dma_wait3A_116 = tpu.memref_slice %arg3[%add3A_99] : memref<320000xi32, #tpu.memory_space<hbm>> -> memref<16xi32, #tpu.memory_space<hbm>>
      %dma_wait3A_117 = tpu.memref_slice %arg3[%add3A_99] : memref<320000xi32, #tpu.memory_space<hbm>> -> memref<16xi32, #tpu.memory_space<hbm>>
      tpu.wait_dma2 semaphore(%run_scoped3A : memref<!tpu.dma_semaphore, #tpu.memory_space<semaphore_mem>>) src(%dma_wait3A_117 : memref<16xi32, #tpu.memory_space<hbm>>) dst(%arg9 : memref<16xi32, #tpu.memory_space<vmem>>)
      tpu.yield
    }) : () -> ()
    %dma_start3A_100 = arith.constant 9984 : i32
    %dma_start3A_101 = tpu.memref_slice %arg7[%dma_start3A_100] : memref<10000xi32, #tpu.memory_space<vmem>> -> memref<16xi32, #tpu.memory_space<vmem>>
    %dma_start3A_102 = arith.constant 0 : i32
    %dma_start3A_103 = arith.constant 0 : i32
    %dma_start3A_104 = tpu.memref_slice %arg4[%dma_start3A_102, %dma_start3A_103] : memref<10000x128xf32, #tpu.memory_space<hbm>> -> memref<10000x128xf32, #tpu.memory_space<hbm>>
    tpu.enqueue_indirect_dma source(%dma_start3A_104 : memref<10000x128xf32, #tpu.memory_space<hbm>>) target(%arg11 : memref<16x128xf32, #tpu.memory_space<vmem>>) offsets(%dma_start3A_101 : memref<16xi32, #tpu.memory_space<vmem>>) semaphore(%arg13 : memref<!tpu.dma_semaphore, #tpu.memory_space<semaphore_mem>>)
    %dma_wait3A = arith.constant 9984 : i32
    %dma_wait3A_105 = tpu.memref_slice %arg7[%dma_wait3A] : memref<10000xi32, #tpu.memory_space<vmem>> -> memref<16xi32, #tpu.memory_space<vmem>>
    %dma_wait3A_106 = arith.constant 0 : i32
    %dma_wait3A_107 = arith.constant 0 : i32
    %dma_wait3A_108 = tpu.memref_slice %arg4[%dma_wait3A_106, %dma_wait3A_107] : memref<10000x128xf32, #tpu.memory_space<hbm>> -> memref<10000x128xf32, #tpu.memory_space<hbm>>
    tpu.wait_indirect_dma semaphore(%arg13 : memref<!tpu.dma_semaphore, #tpu.memory_space<semaphore_mem>>) src(%dma_wait3A_108 : memref<10000x128xf32, #tpu.memory_space<hbm>>) dst(%arg11 : memref<16x128xf32, #tpu.memory_space<vmem>>)
    "tpu.region"() ({
      %run_scoped3A = tpu.sem_alloc : memref<!tpu.dma_semaphore, #tpu.memory_space<semaphore_mem>>
      %dma_start3A_114 = arith.constant 0 : i32
      %dma_start3A_115 = arith.constant 0 : i32
      %dma_start3A_116 = tpu.memref_slice %arg12[%dma_start3A_114, %dma_start3A_115] : memref<10240x128xf32, #tpu.memory_space<vmem_shared>> -> memref<10240x128xf32, #tpu.memory_space<vmem_shared>>
      tpu.enqueue_indirect_dma source(%arg11 : memref<16x128xf32, #tpu.memory_space<vmem>>) target(%dma_start3A_116 : memref<10240x128xf32, #tpu.memory_space<vmem_shared>>) offsets(%arg9 : memref<16xi32, #tpu.memory_space<vmem>>) semaphore(%run_scoped3A : memref<!tpu.dma_semaphore, #tpu.memory_space<semaphore_mem>>) {add = true}
      %dma_wait3A_117 = arith.constant 0 : i32
      %dma_wait3A_118 = arith.constant 0 : i32
      %dma_wait3A_119 = tpu.memref_slice %arg12[%dma_wait3A_117, %dma_wait3A_118] : memref<10240x128xf32, #tpu.memory_space<vmem_shared>> -> memref<10240x128xf32, #tpu.memory_space<vmem_shared>>
      tpu.wait_indirect_dma semaphore(%run_scoped3A : memref<!tpu.dma_semaphore, #tpu.memory_space<semaphore_mem>>) src(%arg11 : memref<16x128xf32, #tpu.memory_space<vmem>>) dst(%dma_wait3A_119 : memref<10240x128xf32, #tpu.memory_space<vmem_shared>>)
      tpu.yield
    }) : () -> ()
    %barrier3A_109 = arith.constant 0 : index
    tpu.barrier barrier_id(%barrier3A_109)
    %mul3A_110 = arith.constant 640 : i32
    %mul3A_111 = arith.muli %arg1, %mul3A_110 : i32
    %mul3A_112 = arith.constant 640 : i32
    %mul3A_113 = arith.muli %arg1, %mul3A_112 : i32
    "tpu.region"() ({
      %run_scoped3A = tpu.sem_alloc : memref<!tpu.dma_semaphore, #tpu.memory_space<semaphore_mem>>
      %dma_start3A_114 = arith.constant 0 : i32
      %dma_start3A_115 = tpu.memref_slice %arg6[%arg0, %mul3A_113, %dma_start3A_114] : memref<2x10240x128xf32, #tpu.memory_space<hbm>> -> memref<1x640x128xf32, #tpu.memory_space<hbm>>
      %dma_start3A_116 = tpu.memref_squeeze %dma_start3A_115 : memref<1x640x128xf32, #tpu.memory_space<hbm>> -> memref<640x128xf32, #tpu.memory_space<hbm>>
      %dma_start3A_117 = arith.constant 0 : i32
      %dma_start3A_118 = tpu.memref_slice %arg12[%mul3A_111, %dma_start3A_117] : memref<10240x128xf32, #tpu.memory_space<vmem_shared>> -> memref<640x128xf32, #tpu.memory_space<vmem_shared>>
      tpu.enqueue_dma source(%dma_start3A_118 : memref<640x128xf32, #tpu.memory_space<vmem_shared>>) target(%dma_start3A_116 : memref<640x128xf32, #tpu.memory_space<hbm>>) target_semaphore(%run_scoped3A : memref<!tpu.dma_semaphore, #tpu.memory_space<semaphore_mem>>)
      %dma_wait3A_119 = arith.constant 0 : i32
      %dma_wait3A_120 = tpu.memref_slice %arg6[%arg0, %mul3A_113, %dma_wait3A_119] : memref<2x10240x128xf32, #tpu.memory_space<hbm>> -> memref<1x640x128xf32, #tpu.memory_space<hbm>>
      %dma_wait3A_121 = tpu.memref_squeeze %dma_wait3A_120 : memref<1x640x128xf32, #tpu.memory_space<hbm>> -> memref<640x128xf32, #tpu.memory_space<hbm>>
      %dma_wait3A_122 = arith.constant 0 : i32
      %dma_wait3A_123 = tpu.memref_slice %arg12[%mul3A_111, %dma_wait3A_122] : memref<10240x128xf32, #tpu.memory_space<vmem_shared>> -> memref<640x128xf32, #tpu.memory_space<vmem_shared>>
      tpu.wait_dma2 semaphore(%run_scoped3A : memref<!tpu.dma_semaphore, #tpu.memory_space<semaphore_mem>>) src(%dma_wait3A_123 : memref<640x128xf32, #tpu.memory_space<vmem_shared>>) dst(%dma_wait3A_121 : memref<640x128xf32, #tpu.memory_space<hbm>>)
      tpu.yield
    }) : () -> ()
    return
  }
}

module attributes {stable_mosaic.version = 14 : i64} {
  func.func @_tc_layer1_body(%arg0: i32, %arg1: i32, %arg2: memref<2x1000x128xf32, #tpu.memory_space<vmem>>, %arg3: memref<128x128xf32, #tpu.memory_space<vmem>>, %arg4: memref<1x128xf32, #tpu.memory_space<vmem>>, %arg5: memref<128x128xf32, #tpu.memory_space<vmem>>, %arg6: memref<1x128xf32, #tpu.memory_space<vmem>>, %arg7: memref<1x128xf32, #tpu.memory_space<vmem>>, %arg8: memref<1x128xf32, #tpu.memory_space<vmem>>, %arg9: memref<1000x128xf32, #tpu.memory_space<vmem>>, %arg10: memref<10x1000x128xf32, #tpu.memory_space<vmem>>, %arg11: memref<8x128xf32, #tpu.memory_space<vmem>>) attributes {dimension_semantics = [#tpu.dimension_semantics<arbitrary>, #tpu.dimension_semantics<arbitrary>], iteration_bounds = array<i64: 2, 10>, scalar_prefetch = 0 : i64, scratch_operands = 2 : i64, tpu.core_type = #tpu.core_type<tc>, window_params = [{transform_indices = @transform_0, window_bounds = array<i64: 2, 1000, 128>}, {pipeline_mode = #tpu.pipeline_mode<synchronous>, transform_indices = @transform_1, window_bounds = array<i64: 128, 128>}, {pipeline_mode = #tpu.pipeline_mode<synchronous>, transform_indices = @transform_2, window_bounds = array<i64: 1, 128>}, {pipeline_mode = #tpu.pipeline_mode<synchronous>, transform_indices = @transform_3, window_bounds = array<i64: 128, 128>}, {pipeline_mode = #tpu.pipeline_mode<synchronous>, transform_indices = @transform_4, window_bounds = array<i64: 1, 128>}, {pipeline_mode = #tpu.pipeline_mode<synchronous>, transform_indices = @transform_5, window_bounds = array<i64: 1, 128>}, {pipeline_mode = #tpu.pipeline_mode<synchronous>, transform_indices = @transform_6, window_bounds = array<i64: 1, 128>}, {transform_indices = @transform_7, window_bounds = array<i64: 1000, 128>}]} {
    %eq3A = arith.constant 0 : i32
    %eq3A_0 = arith.cmpi eq, %arg0, %eq3A : i32
    %convert_element_type3A = arith.extui %eq3A_0 : i1 to i32
    %cond3A = arith.constant 0 : i32
    %cond3A_1 = arith.cmpi ne, %convert_element_type3A, %cond3A : i32
    scf.if %cond3A_1 {
      %get3A = arith.constant 0 : index
      %get3A_7 = arith.constant 0 : index
      %get3A_8 = arith.constant 0 : index
      %get3A_9 = vector.load %arg2[%get3A, %get3A_7, %get3A_8] : memref<2x1000x128xf32, #tpu.memory_space<vmem>>, vector<1x1000x128xf32>
      %get3A_10 = vector.shape_cast %get3A_9 : vector<1x1000x128xf32> to vector<1000x128xf32>
      %get3A_11 = arith.constant 1 : index
      %get3A_12 = arith.constant 0 : index
      %get3A_13 = arith.constant 0 : index
      %get3A_14 = vector.load %arg2[%get3A_11, %get3A_12, %get3A_13] : memref<2x1000x128xf32, #tpu.memory_space<vmem>>, vector<1x1000x128xf32>
      %get3A_15 = vector.shape_cast %get3A_14 : vector<1x1000x128xf32> to vector<1000x128xf32>
      %add3A = arith.addf %get3A_10, %get3A_15 : vector<1000x128xf32>
      %get3A_16 = arith.constant 0 : index
      %get3A_17 = arith.constant 0 : index
      %get3A_18 = vector.load %arg3[%get3A_16, %get3A_17] : memref<128x128xf32, #tpu.memory_space<vmem>>, vector<128x128xf32>
      %dot_general3A = arith.constant dense<0.000000e+00> : vector<1000x128xf32>
      %dot_general3A_19 = tpu.matmul %add3A, %get3A_18, %dot_general3A {dimension_numbers = #tpu.dot_dimension_numbers<[1], [0], [0], [1], [0, 0, 1, 1], [], []>, transpose_lhs_hint = false} : vector<1000x128xf32>, vector<128x128xf32>, vector<1000x128xf32> -> vector<1000x128xf32>
      %get3A_20 = arith.constant 0 : index
      %get3A_21 = arith.constant 0 : index
      %get3A_22 = vector.load %arg4[%get3A_20, %get3A_21] : memref<1x128xf32, #tpu.memory_space<vmem>>, vector<1x128xf32>
      %add3A_23 = vector.broadcast %get3A_22 : vector<1x128xf32> to vector<1000x128xf32>
      %add3A_24 = arith.addf %dot_general3A_19, %add3A_23 : vector<1000x128xf32>
      %max3A = arith.constant 0.000000e+00 : f32
      %max3A_25 = vector.broadcast %max3A : f32 to vector<1000x128xf32>
      %max3A_26 = arith.maximumf %add3A_24, %max3A_25 : vector<1000x128xf32>
      %get3A_27 = arith.constant 0 : index
      %get3A_28 = arith.constant 0 : index
      %get3A_29 = vector.load %arg5[%get3A_27, %get3A_28] : memref<128x128xf32, #tpu.memory_space<vmem>>, vector<128x128xf32>
      %dot_general3A_30 = arith.constant dense<0.000000e+00> : vector<1000x128xf32>
      %dot_general3A_31 = tpu.matmul %max3A_26, %get3A_29, %dot_general3A_30 {dimension_numbers = #tpu.dot_dimension_numbers<[1], [0], [0], [1], [0, 0, 1, 1], [], []>, transpose_lhs_hint = false} : vector<1000x128xf32>, vector<128x128xf32>, vector<1000x128xf32> -> vector<1000x128xf32>
      %get3A_32 = arith.constant 0 : index
      %get3A_33 = arith.constant 0 : index
      %get3A_34 = vector.load %arg6[%get3A_32, %get3A_33] : memref<1x128xf32, #tpu.memory_space<vmem>>, vector<1x128xf32>
      %add3A_35 = vector.broadcast %get3A_34 : vector<1x128xf32> to vector<1000x128xf32>
      %add3A_36 = arith.addf %dot_general3A_31, %add3A_35 : vector<1000x128xf32>
      %swap3A = arith.index_cast %arg1 : i32 to index
      %swap3A_37 = arith.constant 0 : index
      %swap3A_38 = arith.constant 0 : index
      %swap3A_39 = vector.load %arg10[%swap3A, %swap3A_37, %swap3A_38] : memref<10x1000x128xf32, #tpu.memory_space<vmem>>, vector<1x1000x128xf32>
      %swap3A_40 = vector.shape_cast %swap3A_39 : vector<1x1000x128xf32> to vector<1000x128xf32>
      %swap3A_41 = vector.shape_cast %add3A_36 : vector<1000x128xf32> to vector<1x1000x128xf32>
      tpu.vector_store %arg10[%swap3A, %swap3A_37, %swap3A_38], %swap3A_41 {strides = array<i32>} : memref<10x1000x128xf32, #tpu.memory_space<vmem>>, vector<1x1000x128xf32>,
      %reduce_sum3A = arith.constant dense<0.000000e+00> : vector<128xf32>
      %reduce_sum3A_42 = vector.multi_reduction <add>, %add3A_36, %reduce_sum3A [0] : vector<1000x128xf32> to vector<128xf32>
      %broadcast_in_dim3A = vector.shape_cast %reduce_sum3A_42 : vector<128xf32> to vector<1x128xf32>
      %mul3A = arith.mulf %add3A_36, %add3A_36 : vector<1000x128xf32>
      %reduce_sum3A_43 = arith.constant dense<0.000000e+00> : vector<128xf32>
      %reduce_sum3A_44 = vector.multi_reduction <add>, %mul3A, %reduce_sum3A_43 [0] : vector<1000x128xf32> to vector<128xf32>
      %broadcast_in_dim3A_45 = vector.shape_cast %reduce_sum3A_44 : vector<128xf32> to vector<1x128xf32>
      %eq3A_46 = arith.constant 0 : i32
      %eq3A_47 = arith.cmpi eq, %arg1, %eq3A_46 : i32
      %convert_element_type3A_48 = arith.extui %eq3A_47 : i1 to i32
      %cond3A_49 = arith.constant 0 : i32
      %cond3A_50 = arith.cmpi ne, %convert_element_type3A_48, %cond3A_49 : i32
      scf.if %cond3A_50 {
        %swap3A_55 = arith.constant 0 : index
        %swap3A_56 = arith.constant 0 : index
        %swap3A_57 = vector.load %arg11[%swap3A_55, %swap3A_56] : memref<8x128xf32, #tpu.memory_space<vmem>>, vector<1x128xf32>
        tpu.vector_store %arg11[%swap3A_55, %swap3A_56], %broadcast_in_dim3A {strides = array<i32>} : memref<8x128xf32, #tpu.memory_space<vmem>>, vector<1x128xf32>,
        %swap3A_58 = arith.constant 1 : index
        %swap3A_59 = arith.constant 0 : index
        %swap3A_60 = vector.load %arg11[%swap3A_58, %swap3A_59] : memref<8x128xf32, #tpu.memory_space<vmem>>, vector<1x128xf32>
        tpu.vector_store %arg11[%swap3A_58, %swap3A_59], %broadcast_in_dim3A_45 {strides = array<i32>} : memref<8x128xf32, #tpu.memory_space<vmem>>, vector<1x128xf32>,
      } else {
      }
      %gt3A = arith.constant 0 : i32
      %gt3A_51 = arith.cmpi sgt, %arg1, %gt3A : i32
      %convert_element_type3A_52 = arith.extui %gt3A_51 : i1 to i32
      %cond3A_53 = arith.constant 0 : i32
      %cond3A_54 = arith.cmpi ne, %convert_element_type3A_52, %cond3A_53 : i32
      scf.if %cond3A_54 {
        %get3A_55 = arith.constant 0 : index
        %get3A_56 = arith.constant 0 : index
        %get3A_57 = vector.load %arg11[%get3A_55, %get3A_56] : memref<8x128xf32, #tpu.memory_space<vmem>>, vector<1x128xf32>
        %add3A_58 = arith.addf %get3A_57, %broadcast_in_dim3A : vector<1x128xf32>
        %swap3A_59 = arith.constant 0 : index
        %swap3A_60 = arith.constant 0 : index
        %swap3A_61 = vector.load %arg11[%swap3A_59, %swap3A_60] : memref<8x128xf32, #tpu.memory_space<vmem>>, vector<1x128xf32>
        tpu.vector_store %arg11[%swap3A_59, %swap3A_60], %add3A_58 {strides = array<i32>} : memref<8x128xf32, #tpu.memory_space<vmem>>, vector<1x128xf32>,
        %get3A_62 = arith.constant 1 : index
        %get3A_63 = arith.constant 0 : index
        %get3A_64 = vector.load %arg11[%get3A_62, %get3A_63] : memref<8x128xf32, #tpu.memory_space<vmem>>, vector<1x128xf32>
        %add3A_65 = arith.addf %get3A_64, %broadcast_in_dim3A_45 : vector<1x128xf32>
        %swap3A_66 = arith.constant 1 : index
        %swap3A_67 = arith.constant 0 : index
        %swap3A_68 = vector.load %arg11[%swap3A_66, %swap3A_67] : memref<8x128xf32, #tpu.memory_space<vmem>>, vector<1x128xf32>
        tpu.vector_store %arg11[%swap3A_66, %swap3A_67], %add3A_65 {strides = array<i32>} : memref<8x128xf32, #tpu.memory_space<vmem>>, vector<1x128xf32>,
      } else {
      }
    } else {
    }
    %eq3A_2 = arith.constant 1 : i32
    %eq3A_3 = arith.cmpi eq, %arg0, %eq3A_2 : i32
    %convert_element_type3A_4 = arith.extui %eq3A_3 : i1 to i32
    %cond3A_5 = arith.constant 0 : i32
    %cond3A_6 = arith.cmpi ne, %convert_element_type3A_4, %cond3A_5 : i32
    scf.if %cond3A_6 {
      %get3A = arith.index_cast %arg1 : i32 to index
      %get3A_7 = arith.constant 0 : index
      %get3A_8 = arith.constant 0 : index
      %get3A_9 = vector.load %arg10[%get3A, %get3A_7, %get3A_8] : memref<10x1000x128xf32, #tpu.memory_space<vmem>>, vector<1x1000x128xf32>
      %get3A_10 = vector.shape_cast %get3A_9 : vector<1x1000x128xf32> to vector<1000x128xf32>
      %get3A_11 = arith.constant 0 : index
      %get3A_12 = arith.constant 0 : index
      %get3A_13 = vector.load %arg11[%get3A_11, %get3A_12] : memref<8x128xf32, #tpu.memory_space<vmem>>, vector<1x128xf32>
      %div3A = arith.constant 1.000000e+04 : f32
      %div3A_14 = vector.broadcast %div3A : f32 to vector<1x128xf32>
      %div3A_15 = arith.divf %get3A_13, %div3A_14 : vector<1x128xf32>
      %get3A_16 = arith.constant 1 : index
      %get3A_17 = arith.constant 0 : index
      %get3A_18 = vector.load %arg11[%get3A_16, %get3A_17] : memref<8x128xf32, #tpu.memory_space<vmem>>, vector<1x128xf32>
      %div3A_19 = arith.constant 1.000000e+04 : f32
      %div3A_20 = vector.broadcast %div3A_19 : f32 to vector<1x128xf32>
      %div3A_21 = arith.divf %get3A_18, %div3A_20 : vector<1x128xf32>
      %mul3A = arith.mulf %div3A_15, %div3A_15 : vector<1x128xf32>
      %sub3A = arith.subf %div3A_21, %mul3A : vector<1x128xf32>
      %add3A = arith.constant 9.99999974E-6 : f32
      %add3A_22 = vector.broadcast %add3A : f32 to vector<1x128xf32>
      %add3A_23 = arith.addf %sub3A, %add3A_22 : vector<1x128xf32>
      %rsqrt3A = math.rsqrt %add3A_23 : vector<1x128xf32>
      %sub3A_24 = vector.broadcast %div3A_15 : vector<1x128xf32> to vector<1000x128xf32>
      %sub3A_25 = arith.subf %get3A_10, %sub3A_24 : vector<1000x128xf32>
      %mul3A_26 = vector.broadcast %rsqrt3A : vector<1x128xf32> to vector<1000x128xf32>
      %mul3A_27 = arith.mulf %sub3A_25, %mul3A_26 : vector<1000x128xf32>
      %get3A_28 = arith.constant 0 : index
      %get3A_29 = arith.constant 0 : index
      %get3A_30 = vector.load %arg7[%get3A_28, %get3A_29] : memref<1x128xf32, #tpu.memory_space<vmem>>, vector<1x128xf32>
      %mul3A_31 = vector.broadcast %get3A_30 : vector<1x128xf32> to vector<1000x128xf32>
      %mul3A_32 = arith.mulf %mul3A_27, %mul3A_31 : vector<1000x128xf32>
      %get3A_33 = arith.constant 0 : index
      %get3A_34 = arith.constant 0 : index
      %get3A_35 = vector.load %arg8[%get3A_33, %get3A_34] : memref<1x128xf32, #tpu.memory_space<vmem>>, vector<1x128xf32>
      %add3A_36 = vector.broadcast %get3A_35 : vector<1x128xf32> to vector<1000x128xf32>
      %add3A_37 = arith.addf %mul3A_32, %add3A_36 : vector<1000x128xf32>
      %max3A = arith.constant 0.000000e+00 : f32
      %max3A_38 = vector.broadcast %max3A : f32 to vector<1000x128xf32>
      %max3A_39 = arith.maximumf %add3A_37, %max3A_38 : vector<1000x128xf32>
      %swap3A = arith.constant 0 : index
      %swap3A_40 = arith.constant 0 : index
      %swap3A_41 = vector.load %arg9[%swap3A, %swap3A_40] : memref<1000x128xf32, #tpu.memory_space<vmem>>, vector<1000x128xf32>
      tpu.vector_store %arg9[%swap3A, %swap3A_40], %max3A_39 {strides = array<i32>} : memref<1000x128xf32, #tpu.memory_space<vmem>>, vector<1000x128xf32>,
    } else {
    }
    return
  }
  func.func @transform_0(%arg0: i32, %arg1: i32) -> (i32, i32, i32) {
    %sub3A = arith.constant 1 : i32
    %sub3A_0 = arith.subi %sub3A, %arg0 : i32
    %mul3A = arith.muli %arg1, %sub3A_0 : i32
    %c0_i32 = arith.constant 0 : i32
    %c0_i32_1 = arith.constant 0 : i32
    %c0_i32_2 = arith.constant 0 : i32
    return %c0_i32, %mul3A, %c0_i32_1 : i32, i32, i32
  }
  func.func @transform_1(%arg0: i32, %arg1: i32) -> (i32, i32) {
    %c0_i32 = arith.constant 0 : i32
    %c0_i32_0 = arith.constant 0 : i32
    %c0_i32_1 = arith.constant 0 : i32
    return %c0_i32, %c0_i32_0 : i32, i32
  }
  func.func @transform_2(%arg0: i32, %arg1: i32) -> (i32, i32) {
    %c0_i32 = arith.constant 0 : i32
    %c0_i32_0 = arith.constant 0 : i32
    %c0_i32_1 = arith.constant 0 : i32
    return %c0_i32, %c0_i32_0 : i32, i32
  }
  func.func @transform_3(%arg0: i32, %arg1: i32) -> (i32, i32) {
    %c0_i32 = arith.constant 0 : i32
    %c0_i32_0 = arith.constant 0 : i32
    %c0_i32_1 = arith.constant 0 : i32
    return %c0_i32, %c0_i32_0 : i32, i32
  }
  func.func @transform_4(%arg0: i32, %arg1: i32) -> (i32, i32) {
    %c0_i32 = arith.constant 0 : i32
    %c0_i32_0 = arith.constant 0 : i32
    %c0_i32_1 = arith.constant 0 : i32
    return %c0_i32, %c0_i32_0 : i32, i32
  }
  func.func @transform_5(%arg0: i32, %arg1: i32) -> (i32, i32) {
    %c0_i32 = arith.constant 0 : i32
    %c0_i32_0 = arith.constant 0 : i32
    %c0_i32_1 = arith.constant 0 : i32
    return %c0_i32, %c0_i32_0 : i32, i32
  }
  func.func @transform_6(%arg0: i32, %arg1: i32) -> (i32, i32) {
    %c0_i32 = arith.constant 0 : i32
    %c0_i32_0 = arith.constant 0 : i32
    %c0_i32_1 = arith.constant 0 : i32
    return %c0_i32, %c0_i32_0 : i32, i32
  }
  func.func @transform_7(%arg0: i32, %arg1: i32) -> (i32, i32) {
    %c0_i32 = arith.constant 0 : i32
    %c0_i32_0 = arith.constant 0 : i32
    return %arg1, %c0_i32 : i32, i32
  }
}

module attributes {stable_mosaic.version = 14 : i64} {
  func.func @_tc_layer2_body(%arg0: i32, %arg1: i32, %arg2: memref<2x1000x128xf32, #tpu.memory_space<vmem>>, %arg3: memref<128x128xf32, #tpu.memory_space<vmem>>, %arg4: memref<1x128xf32, #tpu.memory_space<vmem>>, %arg5: memref<128x128xf32, #tpu.memory_space<vmem>>, %arg6: memref<1x128xf32, #tpu.memory_space<vmem>>, %arg7: memref<1x128xf32, #tpu.memory_space<vmem>>, %arg8: memref<1x128xf32, #tpu.memory_space<vmem>>, %arg9: memref<1x1x1000xi32, #tpu.memory_space<vmem>>, %arg10: memref<128x128xf32, #tpu.memory_space<vmem>>, %arg11: memref<1x128xf32, #tpu.memory_space<vmem>>, %arg12: memref<16x128xf32, #tpu.memory_space<vmem>>, %arg13: memref<10x1000x128xf32, #tpu.memory_space<vmem>>, %arg14: memref<8x128xf32, #tpu.memory_space<vmem>>, %arg15: memref<16x128xf32, #tpu.memory_space<vmem>>) attributes {dimension_semantics = [#tpu.dimension_semantics<arbitrary>, #tpu.dimension_semantics<arbitrary>], iteration_bounds = array<i64: 2, 10>, scalar_prefetch = 0 : i64, scratch_operands = 3 : i64, tpu.core_type = #tpu.core_type<tc>, window_params = [{transform_indices = @transform_0, window_bounds = array<i64: 2, 1000, 128>}, {pipeline_mode = #tpu.pipeline_mode<synchronous>, transform_indices = @transform_1, window_bounds = array<i64: 128, 128>}, {pipeline_mode = #tpu.pipeline_mode<synchronous>, transform_indices = @transform_2, window_bounds = array<i64: 1, 128>}, {pipeline_mode = #tpu.pipeline_mode<synchronous>, transform_indices = @transform_3, window_bounds = array<i64: 128, 128>}, {pipeline_mode = #tpu.pipeline_mode<synchronous>, transform_indices = @transform_4, window_bounds = array<i64: 1, 128>}, {pipeline_mode = #tpu.pipeline_mode<synchronous>, transform_indices = @transform_5, window_bounds = array<i64: 1, 128>}, {pipeline_mode = #tpu.pipeline_mode<synchronous>, transform_indices = @transform_6, window_bounds = array<i64: 1, 128>}, {transform_indices = @transform_7, window_bounds = array<i64: 1, 1, 1000>}, {pipeline_mode = #tpu.pipeline_mode<synchronous>, transform_indices = @transform_8, window_bounds = array<i64: 128, 128>}, {pipeline_mode = #tpu.pipeline_mode<synchronous>, transform_indices = @transform_9, window_bounds = array<i64: 1, 128>}, {pipeline_mode = #tpu.pipeline_mode<synchronous>, transform_indices = @transform_10, window_bounds = array<i64: 16, 128>}]} {
    %eq3A = arith.constant 0 : i32
    %eq3A_0 = arith.cmpi eq, %arg0, %eq3A : i32
    %convert_element_type3A = arith.extui %eq3A_0 : i1 to i32
    %cond3A = arith.constant 0 : i32
    %cond3A_1 = arith.cmpi ne, %convert_element_type3A, %cond3A : i32
    scf.if %cond3A_1 {
      %get3A = arith.constant 0 : index
      %get3A_7 = arith.constant 0 : index
      %get3A_8 = arith.constant 0 : index
      %get3A_9 = vector.load %arg2[%get3A, %get3A_7, %get3A_8] : memref<2x1000x128xf32, #tpu.memory_space<vmem>>, vector<1x1000x128xf32>
      %get3A_10 = vector.shape_cast %get3A_9 : vector<1x1000x128xf32> to vector<1000x128xf32>
      %get3A_11 = arith.constant 1 : index
      %get3A_12 = arith.constant 0 : index
      %get3A_13 = arith.constant 0 : index
      %get3A_14 = vector.load %arg2[%get3A_11, %get3A_12, %get3A_13] : memref<2x1000x128xf32, #tpu.memory_space<vmem>>, vector<1x1000x128xf32>
      %get3A_15 = vector.shape_cast %get3A_14 : vector<1x1000x128xf32> to vector<1000x128xf32>
      %add3A = arith.addf %get3A_10, %get3A_15 : vector<1000x128xf32>
      %get3A_16 = arith.constant 0 : index
      %get3A_17 = arith.constant 0 : index
      %get3A_18 = vector.load %arg3[%get3A_16, %get3A_17] : memref<128x128xf32, #tpu.memory_space<vmem>>, vector<128x128xf32>
      %dot_general3A = arith.constant dense<0.000000e+00> : vector<1000x128xf32>
      %dot_general3A_19 = tpu.matmul %add3A, %get3A_18, %dot_general3A {dimension_numbers = #tpu.dot_dimension_numbers<[1], [0], [0], [1], [0, 0, 1, 1], [], []>, transpose_lhs_hint = false} : vector<1000x128xf32>, vector<128x128xf32>, vector<1000x128xf32> -> vector<1000x128xf32>
      %get3A_20 = arith.constant 0 : index
      %get3A_21 = arith.constant 0 : index
      %get3A_22 = vector.load %arg4[%get3A_20, %get3A_21] : memref<1x128xf32, #tpu.memory_space<vmem>>, vector<1x128xf32>
      %add3A_23 = vector.broadcast %get3A_22 : vector<1x128xf32> to vector<1000x128xf32>
      %add3A_24 = arith.addf %dot_general3A_19, %add3A_23 : vector<1000x128xf32>
      %max3A = arith.constant 0.000000e+00 : f32
      %max3A_25 = vector.broadcast %max3A : f32 to vector<1000x128xf32>
      %max3A_26 = arith.maximumf %add3A_24, %max3A_25 : vector<1000x128xf32>
      %get3A_27 = arith.constant 0 : index
      %get3A_28 = arith.constant 0 : index
      %get3A_29 = vector.load %arg5[%get3A_27, %get3A_28] : memref<128x128xf32, #tpu.memory_space<vmem>>, vector<128x128xf32>
      %dot_general3A_30 = arith.constant dense<0.000000e+00> : vector<1000x128xf32>
      %dot_general3A_31 = tpu.matmul %max3A_26, %get3A_29, %dot_general3A_30 {dimension_numbers = #tpu.dot_dimension_numbers<[1], [0], [0], [1], [0, 0, 1, 1], [], []>, transpose_lhs_hint = false} : vector<1000x128xf32>, vector<128x128xf32>, vector<1000x128xf32> -> vector<1000x128xf32>
      %get3A_32 = arith.constant 0 : index
      %get3A_33 = arith.constant 0 : index
      %get3A_34 = vector.load %arg6[%get3A_32, %get3A_33] : memref<1x128xf32, #tpu.memory_space<vmem>>, vector<1x128xf32>
      %add3A_35 = vector.broadcast %get3A_34 : vector<1x128xf32> to vector<1000x128xf32>
      %add3A_36 = arith.addf %dot_general3A_31, %add3A_35 : vector<1000x128xf32>
      %swap3A = arith.index_cast %arg1 : i32 to index
      %swap3A_37 = arith.constant 0 : index
      %swap3A_38 = arith.constant 0 : index
      %swap3A_39 = vector.load %arg13[%swap3A, %swap3A_37, %swap3A_38] : memref<10x1000x128xf32, #tpu.memory_space<vmem>>, vector<1x1000x128xf32>
      %swap3A_40 = vector.shape_cast %swap3A_39 : vector<1x1000x128xf32> to vector<1000x128xf32>
      %swap3A_41 = vector.shape_cast %add3A_36 : vector<1000x128xf32> to vector<1x1000x128xf32>
      tpu.vector_store %arg13[%swap3A, %swap3A_37, %swap3A_38], %swap3A_41 {strides = array<i32>} : memref<10x1000x128xf32, #tpu.memory_space<vmem>>, vector<1x1000x128xf32>,
      %reduce_sum3A = arith.constant dense<0.000000e+00> : vector<128xf32>
      %reduce_sum3A_42 = vector.multi_reduction <add>, %add3A_36, %reduce_sum3A [0] : vector<1000x128xf32> to vector<128xf32>
      %broadcast_in_dim3A = vector.shape_cast %reduce_sum3A_42 : vector<128xf32> to vector<1x128xf32>
      %mul3A = arith.mulf %add3A_36, %add3A_36 : vector<1000x128xf32>
      %reduce_sum3A_43 = arith.constant dense<0.000000e+00> : vector<128xf32>
      %reduce_sum3A_44 = vector.multi_reduction <add>, %mul3A, %reduce_sum3A_43 [0] : vector<1000x128xf32> to vector<128xf32>
      %broadcast_in_dim3A_45 = vector.shape_cast %reduce_sum3A_44 : vector<128xf32> to vector<1x128xf32>
      %eq3A_46 = arith.constant 0 : i32
      %eq3A_47 = arith.cmpi eq, %arg1, %eq3A_46 : i32
      %convert_element_type3A_48 = arith.extui %eq3A_47 : i1 to i32
      %cond3A_49 = arith.constant 0 : i32
      %cond3A_50 = arith.cmpi ne, %convert_element_type3A_48, %cond3A_49 : i32
      scf.if %cond3A_50 {
        %swap3A_55 = arith.constant 0 : index
        %swap3A_56 = arith.constant 0 : index
        %swap3A_57 = vector.load %arg14[%swap3A_55, %swap3A_56] : memref<8x128xf32, #tpu.memory_space<vmem>>, vector<1x128xf32>
        tpu.vector_store %arg14[%swap3A_55, %swap3A_56], %broadcast_in_dim3A {strides = array<i32>} : memref<8x128xf32, #tpu.memory_space<vmem>>, vector<1x128xf32>,
        %swap3A_58 = arith.constant 1 : index
        %swap3A_59 = arith.constant 0 : index
        %swap3A_60 = vector.load %arg14[%swap3A_58, %swap3A_59] : memref<8x128xf32, #tpu.memory_space<vmem>>, vector<1x128xf32>
        tpu.vector_store %arg14[%swap3A_58, %swap3A_59], %broadcast_in_dim3A_45 {strides = array<i32>} : memref<8x128xf32, #tpu.memory_space<vmem>>, vector<1x128xf32>,
      } else {
      }
      %gt3A = arith.constant 0 : i32
      %gt3A_51 = arith.cmpi sgt, %arg1, %gt3A : i32
      %convert_element_type3A_52 = arith.extui %gt3A_51 : i1 to i32
      %cond3A_53 = arith.constant 0 : i32
      %cond3A_54 = arith.cmpi ne, %convert_element_type3A_52, %cond3A_53 : i32
      scf.if %cond3A_54 {
        %get3A_55 = arith.constant 0 : index
        %get3A_56 = arith.constant 0 : index
        %get3A_57 = vector.load %arg14[%get3A_55, %get3A_56] : memref<8x128xf32, #tpu.memory_space<vmem>>, vector<1x128xf32>
        %add3A_58 = arith.addf %get3A_57, %broadcast_in_dim3A : vector<1x128xf32>
        %swap3A_59 = arith.constant 0 : index
        %swap3A_60 = arith.constant 0 : index
        %swap3A_61 = vector.load %arg14[%swap3A_59, %swap3A_60] : memref<8x128xf32, #tpu.memory_space<vmem>>, vector<1x128xf32>
        tpu.vector_store %arg14[%swap3A_59, %swap3A_60], %add3A_58 {strides = array<i32>} : memref<8x128xf32, #tpu.memory_space<vmem>>, vector<1x128xf32>,
        %get3A_62 = arith.constant 1 : index
        %get3A_63 = arith.constant 0 : index
        %get3A_64 = vector.load %arg14[%get3A_62, %get3A_63] : memref<8x128xf32, #tpu.memory_space<vmem>>, vector<1x128xf32>
        %add3A_65 = arith.addf %get3A_64, %broadcast_in_dim3A_45 : vector<1x128xf32>
        %swap3A_66 = arith.constant 1 : index
        %swap3A_67 = arith.constant 0 : index
        %swap3A_68 = vector.load %arg14[%swap3A_66, %swap3A_67] : memref<8x128xf32, #tpu.memory_space<vmem>>, vector<1x128xf32>
        tpu.vector_store %arg14[%swap3A_66, %swap3A_67], %add3A_65 {strides = array<i32>} : memref<8x128xf32, #tpu.memory_space<vmem>>, vector<1x128xf32>,
      } else {
      }
    } else {
    }
    %eq3A_2 = arith.constant 1 : i32
    %eq3A_3 = arith.cmpi eq, %arg0, %eq3A_2 : i32
    %convert_element_type3A_4 = arith.extui %eq3A_3 : i1 to i32
    %cond3A_5 = arith.constant 0 : i32
    %cond3A_6 = arith.cmpi ne, %convert_element_type3A_4, %cond3A_5 : i32
    scf.if %cond3A_6 {
      %get3A = arith.index_cast %arg1 : i32 to index
      %get3A_7 = arith.constant 0 : index
      %get3A_8 = arith.constant 0 : index
      %get3A_9 = vector.load %arg13[%get3A, %get3A_7, %get3A_8] : memref<10x1000x128xf32, #tpu.memory_space<vmem>>, vector<1x1000x128xf32>
      %get3A_10 = vector.shape_cast %get3A_9 : vector<1x1000x128xf32> to vector<1000x128xf32>
      %get3A_11 = arith.constant 0 : index
      %get3A_12 = arith.constant 0 : index
      %get3A_13 = vector.load %arg14[%get3A_11, %get3A_12] : memref<8x128xf32, #tpu.memory_space<vmem>>, vector<1x128xf32>
      %div3A = arith.constant 1.000000e+04 : f32
      %div3A_14 = vector.broadcast %div3A : f32 to vector<1x128xf32>
      %div3A_15 = arith.divf %get3A_13, %div3A_14 : vector<1x128xf32>
      %get3A_16 = arith.constant 1 : index
      %get3A_17 = arith.constant 0 : index
      %get3A_18 = vector.load %arg14[%get3A_16, %get3A_17] : memref<8x128xf32, #tpu.memory_space<vmem>>, vector<1x128xf32>
      %div3A_19 = arith.constant 1.000000e+04 : f32
      %div3A_20 = vector.broadcast %div3A_19 : f32 to vector<1x128xf32>
      %div3A_21 = arith.divf %get3A_18, %div3A_20 : vector<1x128xf32>
      %mul3A = arith.mulf %div3A_15, %div3A_15 : vector<1x128xf32>
      %sub3A = arith.subf %div3A_21, %mul3A : vector<1x128xf32>
      %add3A = arith.constant 9.99999974E-6 : f32
      %add3A_22 = vector.broadcast %add3A : f32 to vector<1x128xf32>
      %add3A_23 = arith.addf %sub3A, %add3A_22 : vector<1x128xf32>
      %rsqrt3A = math.rsqrt %add3A_23 : vector<1x128xf32>
      %sub3A_24 = vector.broadcast %div3A_15 : vector<1x128xf32> to vector<1000x128xf32>
      %sub3A_25 = arith.subf %get3A_10, %sub3A_24 : vector<1000x128xf32>
      %mul3A_26 = vector.broadcast %rsqrt3A : vector<1x128xf32> to vector<1000x128xf32>
      %mul3A_27 = arith.mulf %sub3A_25, %mul3A_26 : vector<1000x128xf32>
      %get3A_28 = arith.constant 0 : index
      %get3A_29 = arith.constant 0 : index
      %get3A_30 = vector.load %arg7[%get3A_28, %get3A_29] : memref<1x128xf32, #tpu.memory_space<vmem>>, vector<1x128xf32>
      %mul3A_31 = vector.broadcast %get3A_30 : vector<1x128xf32> to vector<1000x128xf32>
      %mul3A_32 = arith.mulf %mul3A_27, %mul3A_31 : vector<1000x128xf32>
      %get3A_33 = arith.constant 0 : index
      %get3A_34 = arith.constant 0 : index
      %get3A_35 = vector.load %arg8[%get3A_33, %get3A_34] : memref<1x128xf32, #tpu.memory_space<vmem>>, vector<1x128xf32>
      %add3A_36 = vector.broadcast %get3A_35 : vector<1x128xf32> to vector<1000x128xf32>
      %add3A_37 = arith.addf %mul3A_32, %add3A_36 : vector<1000x128xf32>
      %max3A = arith.constant 0.000000e+00 : f32
      %max3A_38 = vector.broadcast %max3A : f32 to vector<1000x128xf32>
      %max3A_39 = arith.maximumf %add3A_37, %max3A_38 : vector<1000x128xf32>
      %iota3A = tpu.iota {dimensions = array<i32: 0>} : vector<16x1000xi32>
      %get3A_40 = arith.constant 0 : index
      %get3A_41 = arith.constant 0 : index
      %get3A_42 = arith.constant 0 : index
      %get3A_43 = vector.load %arg9[%get3A_40, %get3A_41, %get3A_42] : memref<1x1x1000xi32, #tpu.memory_space<vmem>>, vector<1x1x1000xi32>
      %get3A_44 = vector.shape_cast %get3A_43 : vector<1x1x1000xi32> to vector<1x1000xi32>
      %eq3A_45 = vector.broadcast %get3A_44 : vector<1x1000xi32> to vector<16x1000xi32>
      %eq3A_46 = arith.cmpi eq, %eq3A_45, %iota3A : vector<16x1000xi32>
      %convert_element_type3A_47 = arith.extui %eq3A_46 : vector<16x1000xi1> to vector<16x1000xi32>
      %convert_element_type3A_48 = arith.sitofp %convert_element_type3A_47 : vector<16x1000xi32> to vector<16x1000xf32>
      %dot_general3A = arith.constant dense<0.000000e+00> : vector<16x128xf32>
      %dot_general3A_49 = tpu.matmul %convert_element_type3A_48, %max3A_39, %dot_general3A {dimension_numbers = #tpu.dot_dimension_numbers<[1], [0], [0], [1], [0, 0, 1, 1], [], []>, transpose_lhs_hint = false} : vector<16x1000xf32>, vector<1000x128xf32>, vector<16x128xf32> -> vector<16x128xf32>
      %eq3A_50 = arith.constant 0 : i32
      %eq3A_51 = arith.cmpi eq, %arg1, %eq3A_50 : i32
      %convert_element_type3A_52 = arith.extui %eq3A_51 : i1 to i32
      %cond3A_53 = arith.constant 0 : i32
      %cond3A_54 = arith.cmpi ne, %convert_element_type3A_52, %cond3A_53 : i32
      scf.if %cond3A_54 {
        %swap3A = arith.constant 0 : index
        %swap3A_64 = arith.constant 0 : index
        %swap3A_65 = vector.load %arg15[%swap3A, %swap3A_64] : memref<16x128xf32, #tpu.memory_space<vmem>>, vector<16x128xf32>
        tpu.vector_store %arg15[%swap3A, %swap3A_64], %dot_general3A_49 {strides = array<i32>} : memref<16x128xf32, #tpu.memory_space<vmem>>, vector<16x128xf32>,
      } else {
      }
      %gt3A = arith.constant 0 : i32
      %gt3A_55 = arith.cmpi sgt, %arg1, %gt3A : i32
      %convert_element_type3A_56 = arith.extui %gt3A_55 : i1 to i32
      %cond3A_57 = arith.constant 0 : i32
      %cond3A_58 = arith.cmpi ne, %convert_element_type3A_56, %cond3A_57 : i32
      scf.if %cond3A_58 {
        %get3A_64 = arith.constant 0 : index
        %get3A_65 = arith.constant 0 : index
        %get3A_66 = vector.load %arg15[%get3A_64, %get3A_65] : memref<16x128xf32, #tpu.memory_space<vmem>>, vector<16x128xf32>
        %add3A_67 = arith.addf %get3A_66, %dot_general3A_49 : vector<16x128xf32>
        %swap3A = arith.constant 0 : index
        %swap3A_68 = arith.constant 0 : index
        %swap3A_69 = vector.load %arg15[%swap3A, %swap3A_68] : memref<16x128xf32, #tpu.memory_space<vmem>>, vector<16x128xf32>
        tpu.vector_store %arg15[%swap3A, %swap3A_68], %add3A_67 {strides = array<i32>} : memref<16x128xf32, #tpu.memory_space<vmem>>, vector<16x128xf32>,
      } else {
      }
      %eq3A_59 = arith.constant 9 : i32
      %eq3A_60 = arith.cmpi eq, %arg1, %eq3A_59 : i32
      %convert_element_type3A_61 = arith.extui %eq3A_60 : i1 to i32
      %cond3A_62 = arith.constant 0 : i32
      %cond3A_63 = arith.cmpi ne, %convert_element_type3A_61, %cond3A_62 : i32
      scf.if %cond3A_63 {
        %get3A_64 = arith.constant 0 : index
        %get3A_65 = arith.constant 0 : index
        %get3A_66 = vector.load %arg15[%get3A_64, %get3A_65] : memref<16x128xf32, #tpu.memory_space<vmem>>, vector<16x128xf32>
        %get3A_67 = arith.constant 0 : index
        %get3A_68 = arith.constant 0 : index
        %get3A_69 = vector.load %arg10[%get3A_67, %get3A_68] : memref<128x128xf32, #tpu.memory_space<vmem>>, vector<128x128xf32>
        %dot_general3A_70 = arith.constant dense<0.000000e+00> : vector<16x128xf32>
        %dot_general3A_71 = tpu.matmul %get3A_66, %get3A_69, %dot_general3A_70 {dimension_numbers = #tpu.dot_dimension_numbers<[1], [0], [0], [1], [0, 0, 1, 1], [], []>, transpose_lhs_hint = false} : vector<16x128xf32>, vector<128x128xf32>, vector<16x128xf32> -> vector<16x128xf32>
        %get3A_72 = arith.constant 0 : index
        %get3A_73 = arith.constant 0 : index
        %get3A_74 = vector.load %arg11[%get3A_72, %get3A_73] : memref<1x128xf32, #tpu.memory_space<vmem>>, vector<1x128xf32>
        %add3A_75 = vector.broadcast %get3A_74 : vector<1x128xf32> to vector<16x128xf32>
        %add3A_76 = arith.addf %dot_general3A_71, %add3A_75 : vector<16x128xf32>
        %swap3A = arith.constant 0 : index
        %swap3A_77 = arith.constant 0 : index
        %swap3A_78 = vector.load %arg12[%swap3A, %swap3A_77] : memref<16x128xf32, #tpu.memory_space<vmem>>, vector<16x128xf32>
        tpu.vector_store %arg12[%swap3A, %swap3A_77], %add3A_76 {strides = array<i32>} : memref<16x128xf32, #tpu.memory_space<vmem>>, vector<16x128xf32>,
      } else {
      }
    } else {
    }
    return
  }
  func.func @transform_0(%arg0: i32, %arg1: i32) -> (i32, i32, i32) {
    %sub3A = arith.constant 1 : i32
    %sub3A_0 = arith.subi %sub3A, %arg0 : i32
    %mul3A = arith.muli %arg1, %sub3A_0 : i32
    %c0_i32 = arith.constant 0 : i32
    %c0_i32_1 = arith.constant 0 : i32
    %c0_i32_2 = arith.constant 0 : i32
    return %c0_i32, %mul3A, %c0_i32_1 : i32, i32, i32
  }
  func.func @transform_1(%arg0: i32, %arg1: i32) -> (i32, i32) {
    %c0_i32 = arith.constant 0 : i32
    %c0_i32_0 = arith.constant 0 : i32
    %c0_i32_1 = arith.constant 0 : i32
    return %c0_i32, %c0_i32_0 : i32, i32
  }
  func.func @transform_2(%arg0: i32, %arg1: i32) -> (i32, i32) {
    %c0_i32 = arith.constant 0 : i32
    %c0_i32_0 = arith.constant 0 : i32
    %c0_i32_1 = arith.constant 0 : i32
    return %c0_i32, %c0_i32_0 : i32, i32
  }
  func.func @transform_3(%arg0: i32, %arg1: i32) -> (i32, i32) {
    %c0_i32 = arith.constant 0 : i32
    %c0_i32_0 = arith.constant 0 : i32
    %c0_i32_1 = arith.constant 0 : i32
    return %c0_i32, %c0_i32_0 : i32, i32
  }
  func.func @transform_4(%arg0: i32, %arg1: i32) -> (i32, i32) {
    %c0_i32 = arith.constant 0 : i32
    %c0_i32_0 = arith.constant 0 : i32
    %c0_i32_1 = arith.constant 0 : i32
    return %c0_i32, %c0_i32_0 : i32, i32
  }
  func.func @transform_5(%arg0: i32, %arg1: i32) -> (i32, i32) {
    %c0_i32 = arith.constant 0 : i32
    %c0_i32_0 = arith.constant 0 : i32
    %c0_i32_1 = arith.constant 0 : i32
    return %c0_i32, %c0_i32_0 : i32, i32
  }
  func.func @transform_6(%arg0: i32, %arg1: i32) -> (i32, i32) {
    %c0_i32 = arith.constant 0 : i32
    %c0_i32_0 = arith.constant 0 : i32
    %c0_i32_1 = arith.constant 0 : i32
    return %c0_i32, %c0_i32_0 : i32, i32
  }
  func.func @transform_7(%arg0: i32, %arg1: i32) -> (i32, i32, i32) {
    %mul3A = arith.muli %arg1, %arg0 : i32
    %c0_i32 = arith.constant 0 : i32
    %c0_i32_0 = arith.constant 0 : i32
    %c0_i32_1 = arith.constant 0 : i32
    return %mul3A, %c0_i32, %c0_i32_0 : i32, i32, i32
  }
  func.func @transform_8(%arg0: i32, %arg1: i32) -> (i32, i32) {
    %c0_i32 = arith.constant 0 : i32
    %c0_i32_0 = arith.constant 0 : i32
    %c0_i32_1 = arith.constant 0 : i32
    return %c0_i32, %c0_i32_0 : i32, i32
  }
  func.func @transform_9(%arg0: i32, %arg1: i32) -> (i32, i32) {
    %c0_i32 = arith.constant 0 : i32
    %c0_i32_0 = arith.constant 0 : i32
    %c0_i32_1 = arith.constant 0 : i32
    return %c0_i32, %c0_i32_0 : i32, i32
  }
  func.func @transform_10(%arg0: i32, %arg1: i32) -> (i32, i32) {
    %c0_i32 = arith.constant 0 : i32
    %c0_i32_0 = arith.constant 0 : i32
    %c0_i32_1 = arith.constant 0 : i32
    return %c0_i32, %c0_i32_0 : i32, i32
  }
}

</mosaic_0001>

<sc_bundles>
// kernel: kernel.6.cloned.1.call-start
scs
__scs_entry_jumppad:
0x0: {  	(pc) =	sbr.rel $0x88, $3  }
0x1: {  	(tag) =	ssettag $0x0;
	lr =	simm.s32 $0x1  }
0x2: {  	[smem:$0x3F90] =	sst lr;
	_ =	strace $0xD0000000  }
0x3: {  	_ = 	snop  }
0x4: {  	_ = 	snop  }
0x5: {  	_ = 	snop  }
0x6: {  	_ = 	snop  }
0x7: {  	_ = 	snop  }
__scs_overlays_trampoline_lowered:
0x8: {  	[smem:$0x3F9F] =	sst s0  }
0x9: {  	[smem:$0x3FA0] =	sst s1  }
0xa: {  	[smem:$0x3FA1] =	sst s2  }
0xb: {  	[smem:$0x3FA2] =	sst s3  }
0xc: {  	[smem:$0x3FA3] =	sst s4  }
0xd: {  	[smem:$0x3FA4] =	sst s5  }
0xe: {  	[smem:$0x3FA5] =	sst s6  }
0xf: {  	[smem:$0x3FA6] =	sst s7  }
0x10: {  	[smem:$0x3FA7] =	sst s8  }
0x11: {  	[smem:$0x3FA8] =	sst s9;
	s0 =	simm.s32 @!p0 $0x0  }
0x12: {  	s1 =	sld [smem:$0x3F8E];
	s0 =	simm.s32 @p0 $0x1  }
0x13: {  	[smem:$0x3FA9] =	sst s0;
	s0 =	simm.s32 @!p1 $0x0  }
0x14: {  	s2 =	sld [smem:$0x3F8D];
	s0 =	simm.s32 @p1 $0x1  }
0x15: {  	[smem:$0x3FAA] =	sst s0;
	s0 =	simm.s32 @!p2 $0x0  }
0x16: {  	s3 =	sld [smem:$0x3FDB];
	s0 =	simm.s32 @p2 $0x1  }
0x17: {  	s4 =	simm.s32 $0x1BF5;
	[smem:$0x3FAC] =	sst s0  }
0x18: {  	s0 =	sld [smem:$0x3F8F];
	_ =	swait.ge [sflag:s4], $0x0  }
0x19: {  	s7 =	sld [smem:$0x3F90]  }
0x1a: {  	s8 =	sadd.s32 $0xFFFFE003, lr  }
0x1b: {  	s9 =	sadd.s32 $0xFFFFFEF7, lr;
	s5 =	simm.s32 $0xFFFFFFFF;
	p2 =	slt.u32 s8, $0xFFFFF086  }
0x1c: {  	p1 =	slt.u32 s9, $0xF7A;
	s5 =	simm.s32 @!p2 $0x0  }
0x1d: {  	s5 =	simm.s32 @p1 $0x1;
	p0 =	seq.s32 s7, s2  }
0x1e: {  	s7 =	smul.u32 @!p0 $0xF7A, s2;
	p2 =	seq.s32 @!p0 s5, $0x0  }
0x1f: {  	s9 =	smul.u32 $0xF7A, s1;
	s8 =	simm.s32 @!p0 $0x1BF5;
	p2 =	por !p2, p0  }
0x20: {  	[sflag:s8] =	ssyncset.s32 @!p0 $0xFFFFF086;
	s6 =	sadd.s32 @!p0 s3, s7;
	s7 =	simm.s32 @!p0 $0x108  }
0x21: {  	s3 =	sadd.s32 s3, s9;
	s6 =	sadd.s32 @!p0 $0x88, s6;
	s7 =	simm.s32 @p2 $0x1082  }
0x22: {  	[simem:s7], [sflag:s8] =	dma.local @!p0 [hbm:s6], $0xF7A  }
0x23: {  	s9 =	sor.u32 $0xD0000000, s2;
	s6 =	simm.s32 $0x108;
	_ =	swait.ge @!p0 [sflag:s8], $0x0  }
0x24: {  	s3 =	sadd.s32 $0x88, s3;
	s6 =	simm.s32 @!p1 $0x1082;
	[sflag:s4] =	ssyncset.s32 $0xFFFFF086  }
0x25: {  	[simem:s6], [sflag:s4] =	dma.local [hbm:s3], $0xF7A  }
0x26: {  	[smem:$0x3F90] =	sst s1;
	(tag) =	ssettag s2;
	_ =	strace s9  }
0x27: {  	s1 =	sld [smem:$0x3FA0]  }
0x28: {  	s2 =	sld [smem:$0x3FA1]  }
0x29: {  	s4 =	sld [smem:$0x3FA3]  }
0x2a: {  	p0 =	seq.s32 s5, $0x0;
	s5 =	sld [smem:$0x3FA4]  }
0x2b: {  	s6 =	sld [smem:$0x3FA5]  }
0x2c: {  	s7 =	sld [smem:$0x3FA6]  }
0x2d: {  	s3 =	simm.s32 $0x108;
	s8 =	sld [smem:$0x3FA7]  }
0x2e: {  	s3 =	simm.s32 @!p0 $0x1082;
	s9 =	sld [smem:$0x3FA8]  }
0x2f: {  	lr =	sadd.s32 s0, s3;
	s0 =	sld [smem:$0x3F9F]  }
0x30: {  	s3 =	sld [smem:$0x3FA2]  }
0x31: {  	[smem:$0x3FAB] =	sst s10  }
0x32: {  	s10 =	sld [smem:$0x3FA9];
	_ =	sdelay $0x3  }
0x33: {  	p0 =	seq.s32 s10, $0x1;
	s10 =	sld [smem:$0x3FAB];
	_ =	sdelay $0x3  }
0x34: {  	[smem:$0x3FAB] =	sst s10  }
0x35: {  	s10 =	sld [smem:$0x3FAA];
	_ =	sdelay $0x3  }
0x36: {  	p1 =	seq.s32 s10, $0x1;
	s10 =	sld [smem:$0x3FAB];
	_ =	sdelay $0x3  }
0x37: {  	[smem:$0x3FAB] =	sst s10  }
0x38: {  	s10 =	sld [smem:$0x3FAC]  }
0x39: {  	_ = 	snop;
	(pc) =	sbr.ind lr, $3  }
0x3a: {  	_ = 	snop  }
0x3b: {  	_ = 	snop  }
0x3c: {  	p2 =	seq.s32 s10, $0x1;
	s10 =	sld [smem:$0x3FAB]  }
0x3d: {  	_ =	shalt  }
0x3e: {  	_ =	shalt  }
0x3f: {  	_ =	shalt  }
0x40: {  	_ =	shalt  }
0x41: {  	_ =	shalt  }
0x42: {  	_ =	shalt  }
0x43: {  	_ =	shalt  }
0x44: {  	_ =	shalt  }
0x45: {  	_ =	shalt  }
0x46: {  	_ =	shalt  }
0x47: {  	_ =	shalt  }
0x48: {  	_ =	shalt  }
0x49: {  	_ =	shalt  }
0x4a: {  	_ =	shalt  }
0x4b: {  	_ =	shalt  }
0x4c: {  	_ =	shalt  }
0x4d: {  	_ =	shalt  }
0x4e: {  	_ =	shalt  }
0x4f: {  	_ =	shalt  }
0x50: {  	_ =	shalt  }
0x51: {  	_ =	shalt  }
0x52: {  	_ =	shalt  }
0x53: {  	_ =	shalt  }
0x54: {  	_ =	shalt  }
0x55: {  	_ =	shalt  }
0x56: {  	_ =	shalt  }
0x57: {  	_ =	shalt  }
0x58: {  	_ =	shalt  }
0x59: {  	_ =	shalt  }
0x5a: {  	_ =	shalt  }
0x5b: {  	_ =	shalt  }
0x5c: {  	_ =	shalt  }
0x5d: {  	_ =	shalt  }
0x5e: {  	_ =	shalt  }
0x5f: {  	_ =	shalt  }
0x60: {  	_ =	shalt  }
0x61: {  	_ =	shalt  }
0x62: {  	_ =	shalt  }
0x63: {  	_ =	shalt  }
0x64: {  	_ =	shalt  }
0x65: {  	_ =	shalt  }
0x66: {  	_ =	shalt  }
0x67: {  	_ =	shalt  }
0x68: {  	_ =	shalt  }
0x69: {  	_ =	shalt  }
0x6a: {  	_ =	shalt  }
0x6b: {  	_ =	shalt  }
0x6c: {  	_ =	shalt  }
0x6d: {  	_ =	shalt  }
0x6e: {  	_ =	shalt  }
0x6f: {  	_ =	shalt  }
0x70: {  	_ =	shalt  }
0x71: {  	_ =	shalt  }
0x72: {  	_ =	shalt  }
0x73: {  	_ =	shalt  }
0x74: {  	_ =	shalt  }
0x75: {  	_ =	shalt  }
0x76: {  	_ =	shalt  }
0x77: {  	_ =	shalt  }
0x78: {  	_ =	shalt  }
0x79: {  	_ =	shalt  }
0x7a: {  	_ =	shalt  }
0x7b: {  	_ =	shalt  }
0x7c: {  	_ =	shalt  }
0x7d: {  	_ =	shalt  }
0x7e: {  	_ =	shalt  }
0x7f: {  	_ =	shalt  }
0x80: {  	_ =	shalt  }
0x81: {  	_ =	shalt  }
0x82: {  	_ =	shalt  }
0x83: {  	_ =	shalt  }
0x84: {  	_ =	shalt  }
0x85: {  	_ =	shalt  }
0x86: {  	_ =	shalt  }
0x87: {  	_ =	shalt  }
.Lfunc_end0:
.L_simem_size_0:
called_computation_lowered:
.L_overlay_start_0:
0x88: {  	s2 =	sld [smem:$0x3FD9]  }
0x89: {  	s3 =	sld [smem:$0x3FFE];
	_ =	sdelay $0x1  }
0x8a: {  	s1 =	srdreg.scid  }
0x8b: {  	s0 =	sand.u32 $0x1, s1  }
0x8c: {  	s17 =	sshll.u32 s0, $0xA;
	s2 =	sadd.s32 s3, s2  }
0x8d: {  	s2 =	sadd.s32 s2, s17  }
0x8e: {  	[smem:$0x3FB7] =	sst s2  }
0x8f: {  	_ = 	snop  }
0x90: {  	s2 =	sld [smem:$0x3FC9];
	(tm) =	ssettm $0x1  }
0x91: {  	s18 =	sld [smem:$0x3FFB];
	_ =	sdelay $0x3  }
0x92: {  	_ =	strace s18  }
0x93: {  	s3 =	sld [smem:$0x3FFC];
	_ =	sdelay $0x3  }
0x94: {  	_ =	strace s3  }
0x95: {  	s3 =	sld [smem:$0x3FFD];
	_ =	sdelay $0x3  }
0x96: {  	_ =	strace s3  }
0x97: {  	_ =	strace $0x8FFFFFFF  }
0x98: {  	s19 =	sld [smem:$0x3FDB];
	_ =	sdelay $0x1  }
0x99: {  	s4 =	simm.s32 $_scs_section_size  }
0x9a: {  	s5 =	simm.s32 $_size__tile_overlayer_lowered;
	s6 =	simm.s32 $_tile_overlayer_lowered  }
0x9b: {  	s22 =	simm.s32 $0x1BFF;
	s21 =	sshll.u32 s6, $0x1;
	s3 =	sadd.s32 s4, s19  }
0x9c: {  	s7 =	simm.s32 $0x0;
	s20 =	sshll.u32 s5, $0x1;
	s5 =	sadd.s32 s21, s3  }
0x9d: {  	[timem:s7], [sflag:s22] =	dma.local [hbm:s5], s20  }
0x9e: {  	_ =	swait.ge [sflag:s22], s20  }
0x9f: {  	s4 =	ssub.s32 $0x0, s20;
	[sflag:s22] =	ssyncset.done $0x0  }
0xa0: {  	[sflag:s22] =	ssyncadd.s32 s4;
	_ =	sdelay $0x1  }
0xa1: {  	s23 =	simm.s32 $0x1B8B  }
0xa2: {  	_ =	swait.ge [sflag:s23], $0x1  }
0xa3: {  	[sflag:s23] =	ssyncset.done $0x0  }
0xa4: {  	s25 =	simm.s32 $0x1B8E;
	s24 =	sld [smem:$0x3FFE];
	[sflag:s23] =	ssyncadd.s32 $0xFFFFFFFF  }
0xa5: {  	s26 =	simm.s32 $execute0_lowered;
	[smem:$0x3FD2] =	sst s25  }
0xa6: {  	s5 =	sshll.u32 s26, $0x1;
	_ =	strace $0x80000046;
	[dreg:$0x1] =	wrdreg $0xFFFFFFFF  }
0xa7: {  	s28 =	simm.s32 $_size_execute0_lowered;
	s3 =	sadd.s32 s3, s5;
	[dreg:$0x0] =	wrdreg $0x0  }
0xa8: {  	s5 =	sshll.u32 s28, $0x1;
	[dreg:$0x2] =	wrdreg s3  }
0xa9: {  	[dreg:$0x3] =	wrdreg s5  }
0xaa: {  	[dreg:$0x4] =	wrdreg $0xC0  }
0xab: {  	_ =	task [dreg:s7], $0x5FFFF  }
0xac: {  	[dreg:$0x1] =	wrdreg $0xFFFFFFFF  }
0xad: {  	[dreg:$0x0] =	wrdreg $0x60  }
0xae: {  	[dreg:$0x2] =	wrdreg s24  }
0xaf: {  	[dreg:$0x3] =	wrdreg s2  }
0xb0: {  	[dreg:$0x4] =	wrdreg $0xB2000  }
0xb1: {  	[dreg:$0x5] =	wrdreg $0x9  }
0xb2: {  	_ =	task.clear_ibuf [dreg:s7], $0x6FFFF;
	_ =	strace $0x90000046  }
0xb3: {  	s29 =	simm.s32 $0x9;
	_ =	strace $0x80000048  }
0xb4: {  	_ =	swait.ge [sflag:s29], $0x1  }
0xb5: {  	[sflag:s29] =	ssyncadd.s32 $0xFFFFFFFF  }
0xb6: {  	_ =	strace $0x90000048  }
0xb7: {  	_ =	sfence  }
0xb8: {  	s30 =	sld [smem:$0x0];
	_ =	sdelay $0x2  }
0xb9: {  	s31 =	sshll.u32 s1, $0xD;
	s1 =	sshrl.u32 s1, $0x2  }
0xba: {  	s3 =	sand.u32 $0x4000, s31;
	s1 =	sadd.s32 s1, s30  }
0xbb: {  	s0 =	sor.u32 s3, s0;
	s1 =	sshll.u32 s1, $0x11  }
0xbc: {  	s0 =	sor.u32 s1, s0  }
0xbd: {  	s0 =	sadd.s32 $0x8F2B, s0  }
0xbe: {  	[sflag:s0] =	ssyncadd.remote.s32 $0x1  }
0xbf: {  	_ =	sfence.sel $0xFFFF  }
0xc0: {  	[dreg:$0x0] =	wrdreg $0xFFFFFFFF;
	(pc) =	sbr.abs _section_cstart, $3  }
0xc1: {  	[dreg:$0x1] =	wrdreg $0xFFFFFFFF  }
0xc2: {  	_ =	task.clear_ibuf [dreg:s7], $0x2FFFF;
	_ =	strace $0x9FFFFFFF  }
0xc3: {  	(tm) =	ssettm $0x7FFFFFFF  }
tec
execute0_lowered:
.L_overlay_start_1:
0x0: {  	(tag) =	ssettag $0x1  }
0x1: {  	s0 =	srdreg.scid;
	s14 =	stileid.u32  }
0x2: {  	s6 =	rddreg [dreg:$0x0];
	s8 =	smul.u32 $0x14000, s14  }
0x3: {  	s2 =	rddreg [dreg:$0x1];
	s12 =	smul.u32 $0x2800, s14  }
0x4: {  	s30 =	simm.s32 $0x2880;
	s28 =	simm.s32 $0x2900;
	s21 =	smul.u32 $0x50000, s14  }
0x5: {  	s31 =	simm.s32 $0x8A00;
	s1 =	sand.u32 $0x1, s0;
	s26 =	smul.u32 $0x2710, s14  }
0x6: {  	s29 =	simm.s32 $0x1;
	s3 =	sshll.u32 s1, $0x4;
	s7 =	smul.u32 $0x140000, s1  }
0x7: {  	s18 =	ssub.s32 $0x2, s1;
	s24 =	smul.u32 $0x27100, s1;
	p0 =	seq.s32 s1, $0x1  }
0x8: {  	s4 =	sor.u32 s14, s3;
	s3 =	rddreg [dreg:$0x2];
	s13 =	sadd.s32 s12, s6  }
0x9: {  	s19 =	sshrl.u32 s18, $0x1;
	p2 =	seq.s32 @!p0 s14, $0xF;
	s5 =	smul.u32 $0x2710, s4  }
0xa: {  	s4 =	simm.s32 $0x0;
	s7 =	sadd.s32 s8, s7;
	s8 =	sshrl.u32 s21, $0x2  }
0xb: {  	s1 =	sadd.s32 $0x12C000, s3;
	s15 =	sadd.s32 $0x15A00, s13;
	p1 =	por !p2, p0  }
0xc: {  	p2 =	por p2, p0;
	[smem:$0x7FF] =	sst s4;
	s7 =	sshrl.u32 s7, $0x3  }
0xd: {  	_ =	strace $0x80000047;
	s9 =	sshrl.u32 s5, $0x3;
	s5 =	sadd.s32 $0x1E00, s6  }
0xe: {  	[dreg:$0xb] =	wrdreg s15;
	s10 =	sadd.s32 s9, s6;
	s20 =	sadd.s32 s5, s9  }
0xf: {  	s6 =	sadd.s32 s7, s6;
	s22 =	sadd.s32 $0xBC00, s10;
	[dreg:$0x4] =	wrdreg s20  }
0x10: {  	s7 =	ssub.s32 s18, s19;
	s23 =	sadd.s32 $0x8, s20;
	[dreg:$0x5] =	wrdreg s22  }
0x11: {  	s9 =	simm.s32 $0x7;
	s25 =	sadd.s32 $0x10, s20;
	[dreg:$0x6] =	wrdreg s23  }
0x12: {  	s11 =	sadd.s32 $0x18, s20;
	s10 =	sadd.s32 s26, s24;
	[dreg:$0x7] =	wrdreg s25  }
0x13: {  	s0 =	sadd.s32 $0x4E0, s20;
	s17 =	sadd.s32 $0x3DA00, s6;
	[dreg:$0x8] =	wrdreg s11  }
0x14: {  	s19 =	smax.u32 s7, $0x1;
	s7 =	simm.s32 $0x5;
	[dreg:$0xc] =	wrdreg s0  }
0x15: {  	s11 =	sadd.s32 s8, s3;
	s8 =	sadd.s32 s2, s12;
	[dreg:$0xd] =	wrdreg s17  }
0x16: {  	s12 =	sadd.s32 $0x25800, s2;
	s16 =	sadd.s32 $0x140, s10;
	[dreg:$0xe] =	wrdreg s19  }
0x17: {  	s21 =	sadd.s32 $0x180, s10;
	s22 =	sadd.s32 $0x100, s10;
	s23 =	sadd.s32 $0x1C0, s10  }
0x18: {  	s0 =	sshrl.u32 @!p1 s1, $0x3;
	s1 =	simm.s32 $0x6A00;
	[dreg:$0x9] =	wrdreg s8  }
0x19: {  	s10 =	simm.s32 $0x4;
	[dreg:$0xa] =	wrdreg s12;
	s18 =	sshrl.u32 s16, $0x3  }
0x1a: {  	[dreg:$0x10] =	wrdreg s22;
	s6 =	sshrl.u32 s21, $0x3;
	s25 =	sshrl.u32 s23, $0x3  }
.Ltmp0:
0x1b: {  	s22 =	simm.s32 $0x9;
	s23 =	simm.s32 $0x2780;
	(pc) =	sbr.rel .LBB2_1-.Ltmp0, $4  }
0x1c: {  	[dreg:$0x13] =	wrdreg s0;
	s8 =	simm.s32 $0x3;
	s20 =	sadd.s32 s18, s5  }
0x1d: {  	s12 =	simm.s32 $0x8;
	s24 =	sadd.s32 s6, s5;
	[dreg:$0xf] =	wrdreg s20  }
0x1e: {  	s16 =	simm.s32 $0x0;
	s26 =	sadd.s32 s25, s5;
	[dreg:$0x11] =	wrdreg s24  }
0x1f: {  	[dreg:$0x12] =	wrdreg s26;
	s24 =	simm.s32 $0x40;
	s26 =	simm.s32 $0x2A00  }
.LBB2_4:
0x20: {  	_ =	swait.ge [sflag:s10], $0x2000  }
0x21: {  	[sflag:s10] =	ssyncset.done $0x0  }
0x22: {  	[sflag:s10] =	ssyncadd.s32 $0xFFFFE000  }
0x23: {  	_ =	swait.ge [sflag:s12], $0x40  }
0x24: {  	[sflag:s12] =	ssyncset.done $0x0  }
0x25: {  	[sflag:s12] =	ssyncadd.s32 $0xFFFFFFC0  }
0x26: {  	[spmem:s3] =	stream.indirect.scatter.add.f32 [tilespmem:s31], [sflag:$0x9], $0x80, s28, s24, $0xb8;
	[tilespmem:$0x1F200] =	vst v63  }
0x27: {  	_ =	swait.ge [sflag:s22], $0x2000  }
0x28: {  	[sflag:s22] =	ssyncset.done $0x0  }
0x29: {  	s6 =	simm.s32 $0x2980;
	s0 =	rddreg [dreg:$0xc];
	[sflag:s22] =	ssyncadd.s32 $0xFFFFE000  }
0x2a: {  	[tilespmem:s6], [sflag:$0x9] =	stream.linear.gather [hbm4b:s0+s4], $0x10, $0x38;
	[tilespmem:$0x1F200] =	vst v63  }
0x2b: {  	_ =	swait.ge [sflag:s22], $0x10  }
0x2c: {  	s18 =	simm.s32 $0x10;
	[sflag:s22] =	ssyncset.done $0x0  }
0x2d: {  	s13 =	simm.s32 $0x2700;
	s14 =	simm.s32 $0xAA00;
	[sflag:s22] =	ssyncadd.s32 $0xFFFFFFF0  }
0x2e: {  	[tilespmem:s14], [sflag:$0x1] =	stream.indirect.gather [hbm4b:s2+s18], $0x80, s13, s18, $0xb8;
	[tilespmem:$0x1F200] =	vst v63  }
0x2f: {  	_ =	swait.ge [sflag:s29], $0x800  }
0x30: {  	[sflag:s29] =	ssyncset.done $0x0  }
0x31: {  	[sflag:s29] =	ssyncadd.s32 $0xFFFFF800  }
0x32: {  	[spmem:s3] =	stream.indirect.scatter.add.f32 [tilespmem:s14], [sflag:$0x9], $0x80, s6, s18, $0xb8;
	[tilespmem:$0x1F200] =	vst v63  }
0x33: {  	_ =	swait.ge [sflag:s22], $0x800  }
0x34: {  	[sflag:s22] =	ssyncset.done $0x0  }
0x35: {  	s14 =	stileid.u32;
	[sflag:s22] =	ssyncadd.s32 $0xFFFFF800  }
0x36: {  	s19 =	sshll.u32 s14, $0x6;
	[bflag:$0x0] =	sbarrier.arrive $0xFFFF  }
0x37: {  	s20 =	sshrl.u32 s11, $0x3;
	s0 =	sor.u32 $0x1C09, s19;
	s21 =	rddreg [dreg:$0xd]  }
0x38: {  	[hbm:s21], [sflag:s0] =	dma.local [spmem:s20], $0x2800  }
0x39: {  	_ =	swait.ge [sflag:s22], $0x2800  }
0x3a: {  	s16 =	sadd.s32 $0x1, s16;
	s25 =	rddreg [dreg:$0xe]  }
0x3b: {  	p3 =	sne.s32 s16, s25  }
.Ltmp1:
0x3c: {  	_ = 	snop;
	(pc) =	sbr.rel @!p3 .LBB2_5-.Ltmp1, $3  }
0x3d: {  	_ =	sdelay $0x1  }
0x3e: {  	[sflag:s22] =	ssyncset.done $0x0  }
0x3f: {  	[sflag:s22] =	ssyncadd.s32 $0xFFFFD800  }
.LBB2_1:
0x40: {  	s0 =	rddreg [dreg:$0x5]  }
0x41: {  	[tilespmem:s4], [sflag:$0x9] =	stream.linear.gather [hbm4b:s0+s4], $0x2710, $0x38;
	[tilespmem:$0x1F200] =	vst v63  }
0x42: {  	_ =	swait.ge [sflag:s22], $0x2710  }
0x43: {  	[sflag:s22] =	ssyncset.done $0x0  }
0x44: {  	s15 =	rddreg [dreg:$0x4];
	[sflag:s22] =	ssyncadd.s32 $0xFFFFD8F0  }
0x45: {  	[tilespmem:s23], [sflag:$0x5] =	stream.linear.gather [hbm4b:s15+s4], $0x40, $0x38;
	[tilespmem:$0x1F200] =	vst v63  }
0x46: {  	_ = 	snop  }
0x47: {  	[tilespmem:s26], [sflag:$0x1] =	stream.indirect.gather [hbm4b:s2+s24], $0x80, s4, s24, $0xb8;
	[tilespmem:$0x1F200] =	vst v63  }
0x48: {  	s6 =	simm.s32 $0x2800;
	s17 =	rddreg [dreg:$0x6]  }
0x49: {  	[tilespmem:s6], [sflag:$0x6] =	stream.linear.gather [hbm4b:s17+s4], $0x40, $0x38;
	[tilespmem:$0x1F200] =	vst v63  }
0x4a: {  	s18 =	simm.s32 $0x4A00  }
0x4b: {  	[tilespmem:s18], [sflag:$0x2] =	stream.indirect.gather [hbm4b:s2+s24], $0x80, s24, s24, $0xb8;
	[tilespmem:$0x1F200] =	vst v63  }
0x4c: {  	s19 =	rddreg [dreg:$0x7]  }
0x4d: {  	[tilespmem:s30], [sflag:$0x7] =	stream.linear.gather [hbm4b:s19+s4], $0x40, $0x38;
	[tilespmem:$0x1F200] =	vst v63  }
0x4e: {  	s20 =	simm.s32 $0x80  }
0x4f: {  	[tilespmem:s1], [sflag:$0x3] =	stream.indirect.gather [hbm4b:s2+s24], $0x80, s20, s24, $0xb8;
	[tilespmem:$0x1F200] =	vst v63  }
0x50: {  	s25 =	simm.s32 $0xC0;
	s21 =	rddreg [dreg:$0x8];
	s6 =	sshll.u32 @p0 s14, $0x6  }
0x51: {  	[tilespmem:s28], [sflag:$0x8] =	stream.linear.gather [hbm4b:s21+s4], $0x40, $0x38;
	[tilespmem:$0x1F200] =	vst v63  }
0x52: {  	s0 =	rddreg [dreg:$0xb];
	s6 =	sor.u32 @p0 $0x1C09, s6;
	s18 =	sshrl.u32 @p0 s11, $0x3  }
0x53: {  	[tilespmem:s31], [sflag:$0x4] =	stream.indirect.gather [hbm4b:s2+s24], $0x80, s25, s24, $0xb8;
	[tilespmem:$0x1F200] =	vst v63  }
0x54: {  	[spmem:s18], [sflag:s6] =	dma.local @p0 [hbm:s0], $0x2800  }
0x55: {  	s6 =	simm.s32 @p0 $0x9  }
0x56: {  	_ =	swait.ge @p0 [sflag:s6], $0x2800  }
0x57: {  	[sflag:s6] =	ssyncset.done @p0 $0x0;
	s0 =	rddreg [dreg:$0xa]  }
0x58: {  	s13 =	rddreg [dreg:$0x13];
	[sflag:s6] =	ssyncadd.s32 @p0 $0xFFFFD800;
	s6 =	simm.s32 @!p1 $0x1FC9  }
0x59: {  	[spmem:s13], [sflag:s6] =	dma.local @!p1 [hbm:s0], $0x1900  }
0x5a: {  	s6 =	simm.s32 @!p1 $0x9  }
0x5b: {  	_ =	swait.ge @!p1 [sflag:s6], $0x1900  }
0x5c: {  	s18 =	sshll.u32 @!p2 s14, $0x6;
	[sflag:s6] =	ssyncset.done @!p1 $0x0;
	s0 =	rddreg [dreg:$0x9]  }
0x5d: {  	[sflag:s6] =	ssyncadd.s32 @!p1 $0xFFFFE700;
	s6 =	sor.u32 @!p2 $0x1C09, s18;
	s18 =	sshrl.u32 @!p2 s11, $0x3  }
0x5e: {  	[spmem:s18], [sflag:s6] =	dma.local @!p2 [hbm:s0], $0x2800  }
0x5f: {  	s6 =	simm.s32 @!p2 $0x9  }
0x60: {  	_ =	swait.ge @!p2 [sflag:s6], $0x2800  }
0x61: {  	[sflag:s6] =	ssyncset.done @!p2 $0x0  }
0x62: {  	[sflag:s6] =	ssyncadd.s32 @!p2 $0xFFFFD800  }
0x63: {  	[bflag:$0x0] =	sbarrier.arrive $0xFFFF  }
0x64: {  	s21 =	rddreg [dreg:$0x12]  }
0x65: {  	s20 =	rddreg [dreg:$0x11]  }
0x66: {  	s19 =	rddreg [dreg:$0x10]  }
0x67: {  	s18 =	simm.s32 $0x0;
	s6 =	rddreg [dreg:$0xf]  }
.LBB2_2:
0x68: {  	_ =	swait.ge [sflag:s29], $0x2000  }
0x69: {  	[sflag:s29] =	ssyncset.done $0x0  }
0x6a: {  	[sflag:s29] =	ssyncadd.s32 $0xFFFFE000  }
0x6b: {  	_ =	swait.ge [sflag:s7], $0x40  }
0x6c: {  	[sflag:s7] =	ssyncset.done $0x0  }
0x6d: {  	[sflag:s7] =	ssyncadd.s32 $0xFFFFFFC0  }
0x6e: {  	[spmem:s3] =	stream.indirect.scatter.add.f32 [tilespmem:s26], [sflag:$0x9], $0x80, s23, s24, $0xb8;
	[tilespmem:$0x1F200] =	vst v63  }
0x6f: {  	_ =	swait.ge [sflag:s22], $0x2000  }
0x70: {  	p3 =	seq.s32 s18, $0x9800;
	[sflag:s22] =	ssyncset.done $0x0  }
0x71: {  	s17 =	simm.s32 @p3 $0x2;
	[sflag:s22] =	ssyncadd.s32 $0xFFFFE000  }
0x72: {  	_ =	swait.ge @p3 [sflag:s17], $0x2000  }
0x73: {  	[sflag:s17] =	ssyncset.done @p3 $0x0  }
0x74: {  	[sflag:s17] =	ssyncadd.s32 @p3 $0xFFFFE000;
	s17 =	simm.s32 @p3 $0x6  }
0x75: {  	_ =	swait.ge @p3 [sflag:s17], $0x40  }
0x76: {  	s25 =	simm.s32 @p3 $0x2800;
	[sflag:s17] =	ssyncset.done @p3 $0x0  }
0x77: {  	s13 =	simm.s32 @p3 $0x4A00;
	[sflag:s17] =	ssyncadd.s32 @p3 $0xFFFFFFC0;
	s17 =	simm.s32 @p3 $0x40  }
0x78: {  	[spmem:s3] =	stream.indirect.scatter.add.f32 @p3 [tilespmem:s13], [sflag:$0x9], $0x80, s25, s17, $0xb8;
	[tilespmem:$0x1F200] =	vst v63  }
0x79: {  	s13 =	simm.s32 @p3 $0x9  }
0x7a: {  	_ =	swait.ge @p3 [sflag:s13], $0x2000  }
0x7b: {  	[sflag:s13] =	ssyncset.done @p3 $0x0  }
0x7c: {  	[sflag:s13] =	ssyncadd.s32 @p3 $0xFFFFE000;
	s13 =	sshrl.u32 @!p3 s19, $0x3  }
0x7d: {  	s17 =	simm.s32 @!p3 $0x0;
	s25 =	simm.s32 @!p3 $0x2780;
	s13 =	sadd.s32 @!p3 s5, s13  }
0x7e: {  	[tilespmem:s25], [sflag:$0x5] =	stream.linear.gather @!p3 [hbm4b:s13+s17], $0x40, $0x38;
	[tilespmem:$0x1F200] =	vst v63  }
0x7f: {  	s13 =	sshra.s32 @!p3 s18, $0x2  }
0x80: {  	s14 =	simm.s32 @!p3 $0x40;
	s15 =	simm.s32 @!p3 $0x2A00;
	s25 =	sadd.s32 @!p3 $0x100, s13  }
0x81: {  	[tilespmem:s15], [sflag:$0x1] =	stream.indirect.gather @!p3 [hbm4b:s2+s14], $0x80, s25, s14, $0xb8;
	[tilespmem:$0x1F200] =	vst v63  }
0x82: {  	s15 =	simm.s32 @!p3 $0x2  }
0x83: {  	_ =	swait.ge @!p3 [sflag:s15], $0x2000  }
0x84: {  	[sflag:s15] =	ssyncset.done @!p3 $0x0  }
0x85: {  	[sflag:s15] =	ssyncadd.s32 @!p3 $0xFFFFE000;
	s15 =	simm.s32 @!p3 $0x6  }
0x86: {  	_ =	swait.ge @!p3 [sflag:s15], $0x40  }
0x87: {  	s0 =	simm.s32 @!p3 $0x9;
	[sflag:s15] =	ssyncset.done @!p3 $0x0  }
0x88: {  	s25 =	simm.s32 @!p3 $0x4A00;
	[sflag:s15] =	ssyncadd.s32 @!p3 $0xFFFFFFC0;
	s15 =	simm.s32 @!p3 $0x2800  }
0x89: {  	[spmem:s3] =	stream.indirect.scatter.add.f32 @!p3 [tilespmem:s25], [sflag:$0x9], $0x80, s15, s14, $0xb8;
	[tilespmem:$0x1F200] =	vst v63  }
0x8a: {  	_ =	swait.ge @!p3 [sflag:s0], $0x2000  }
0x8b: {  	[sflag:s0] =	ssyncset.done @!p3 $0x0  }
0x8c: {  	[sflag:s0] =	ssyncadd.s32 @!p3 $0xFFFFE000  }
0x8d: {  	[tilespmem:s15], [sflag:$0x6] =	stream.linear.gather @!p3 [hbm4b:s6+s17], $0x40, $0x38;
	[tilespmem:$0x1F200] =	vst v63  }
0x8e: {  	s0 =	sadd.s32 @!p3 $0x140, s13  }
0x8f: {  	[tilespmem:s25], [sflag:$0x2] =	stream.indirect.gather @!p3 [hbm4b:s2+s14], $0x80, s0, s14, $0xb8;
	[tilespmem:$0x1F200] =	vst v63  }
0x90: {  	_ =	swait.ge [sflag:s8], $0x2000  }
0x91: {  	[sflag:s8] =	ssyncset.done $0x0  }
0x92: {  	[sflag:s8] =	ssyncadd.s32 $0xFFFFE000  }
0x93: {  	_ =	swait.ge [sflag:s9], $0x40  }
0x94: {  	[sflag:s9] =	ssyncset.done $0x0  }
.Ltmp2:
0x95: {  	[sflag:s9] =	ssyncadd.s32 $0xFFFFFFC0;
	(pc) =	sbr.rel @p3 .LBB2_4-.Ltmp2, $4  }
0x96: {  	[spmem:s3] =	stream.indirect.scatter.add.f32 [tilespmem:s1], [sflag:$0x9], $0x80, s30, s24, $0xb8;
	[tilespmem:$0x1F200] =	vst v63  }
0x97: {  	_ =	swait.ge [sflag:s22], $0x2000  }
0x98: {  	[sflag:s22] =	ssyncset.done $0x0  }
0x99: {  	[sflag:s22] =	ssyncadd.s32 $0xFFFFE000  }
0x9a: {  	[tilespmem:s30], [sflag:$0x7] =	stream.linear.gather [hbm4b:s20+s4], $0x40, $0x38;
	[tilespmem:$0x1F200] =	vst v63  }
0x9b: {  	s0 =	sshra.s32 s18, $0x2  }
0x9c: {  	s13 =	sadd.s32 $0x180, s0  }
0x9d: {  	[tilespmem:s1], [sflag:$0x3] =	stream.indirect.gather [hbm4b:s2+s24], $0x80, s13, s24, $0xb8;
	[tilespmem:$0x1F200] =	vst v63  }
0x9e: {  	_ =	swait.ge [sflag:s10], $0x2000  }
0x9f: {  	[sflag:s10] =	ssyncset.done $0x0  }
0xa0: {  	[sflag:s10] =	ssyncadd.s32 $0xFFFFE000  }
0xa1: {  	_ =	swait.ge [sflag:s12], $0x40  }
0xa2: {  	[sflag:s12] =	ssyncset.done $0x0  }
0xa3: {  	[sflag:s12] =	ssyncadd.s32 $0xFFFFFFC0  }
0xa4: {  	[spmem:s3] =	stream.indirect.scatter.add.f32 [tilespmem:s31], [sflag:$0x9], $0x80, s28, s24, $0xb8;
	[tilespmem:$0x1F200] =	vst v63  }
0xa5: {  	_ =	swait.ge [sflag:s22], $0x2000  }
.Ltmp3:
0xa6: {  	s18 =	sadd.s32 $0x400, s18;
	[sflag:s22] =	ssyncset.done $0x0;
	(pc) =	sbr.rel .LBB2_2-.Ltmp3, $4  }
0xa7: {  	s6 =	sadd.s32 $0x20, s6;
	s19 =	sadd.s32 $0x100, s19;
	[sflag:s22] =	ssyncadd.s32 $0xFFFFE000  }
0xa8: {  	[tilespmem:s28], [sflag:$0x8] =	stream.linear.gather [hbm4b:s21+s4], $0x40, $0x38;
	[tilespmem:$0x1F200] =	vst v63  }
0xa9: {  	s20 =	sadd.s32 $0x20, s20;
	s0 =	sadd.s32 $0x1C0, s0;
	s21 =	sadd.s32 $0x20, s21  }
0xaa: {  	[tilespmem:s31], [sflag:$0x4] =	stream.indirect.gather [hbm4b:s2+s24], $0x80, s0, s24, $0xb8;
	[tilespmem:$0x1F200] =	vst v63  }
.LBB2_5:
0xab: {  	_ =	sfence.sel $0x180000  }
0xac: {  	[bflag:$0x0] =	sbarrier.arrive $0xFFFF  }
0xad: {  	_ =	strace $0x90000047  }
0xae: {  	[bflag:$0x2] =	sbarrier.arrive $0xFFFF  }
0xaf: {  	p0 =	sne.s32 s14, $0x0;
	s0 =	rddreg [dreg:$0x3]  }
0xb0: {  	s0 =	sadd.s32 @!p0 $0x100000, s0  }
0xb1: {  	[sflag:s0] =	ssyncadd.tile.s32 @!p0 $0x1;
	_ =	shalt  }
.Lfunc_end2:
_tile_overlayer_lowered:
.L_overlay_start_2:
0xb2: {  	(tag) =	ssettag $0x2  }
0xb3: {  	s0 =	rddreg [dreg:$0x0];
	s2 =	stileid.u32  }
0xb4: {  	s1 =	rddreg [dreg:$0x1];
	p0 =	sne.s32 s2, $0x0  }
0xb5: {  	s3 =	rddreg [dreg:$0x2];
	[bflag:$0x3] =	sbarrier.arrive $0xFFFF;
	s2 =	simm.s32 @!p0 $0x1C09  }
0xb6: {  	[timem:s3], [sflag:s2] =	dma.local @!p0 [hbm:s0], s1  }
0xb7: {  	s0 =	simm.s32 @!p0 $0x9  }
0xb8: {  	_ =	swait.ge @!p0 [sflag:s0], s1  }
0xb9: {  	s1 =	ssub.s32 @!p0 $0x0, s1;
	[sflag:s0] =	ssyncset.done @!p0 $0x0  }
0xba: {  	[sflag:s0] =	ssyncadd.s32 @!p0 s1  }
0xbb: {  	[bflag:$0x3] =	sbarrier.arrive $0xFFFF  }
0xbc: {  	_ =	shalt  }

// kernel: kernel.9.cloned.1.call-start
scs
__scs_entry_jumppad:
0x0: {  	(pc) =	sbr.rel $0x88, $3  }
0x1: {  	(tag) =	ssettag $0x0;
	lr =	simm.s32 $0x1  }
0x2: {  	[smem:$0x3F90] =	sst lr;
	_ =	strace $0xD0000000  }
0x3: {  	_ = 	snop  }
0x4: {  	_ = 	snop  }
0x5: {  	_ = 	snop  }
0x6: {  	_ = 	snop  }
0x7: {  	_ = 	snop  }
__scs_overlays_trampoline_lowered:
0x8: {  	[smem:$0x3F9F] =	sst s0  }
0x9: {  	[smem:$0x3FA0] =	sst s1  }
0xa: {  	[smem:$0x3FA1] =	sst s2  }
0xb: {  	[smem:$0x3FA2] =	sst s3  }
0xc: {  	[smem:$0x3FA3] =	sst s4  }
0xd: {  	[smem:$0x3FA4] =	sst s5  }
0xe: {  	[smem:$0x3FA5] =	sst s6  }
0xf: {  	[smem:$0x3FA6] =	sst s7  }
0x10: {  	[smem:$0x3FA7] =	sst s8  }
0x11: {  	[smem:$0x3FA8] =	sst s9;
	s0 =	simm.s32 @!p0 $0x0  }
0x12: {  	s1 =	sld [smem:$0x3F8E];
	s0 =	simm.s32 @p0 $0x1  }
0x13: {  	[smem:$0x3FA9] =	sst s0;
	s0 =	simm.s32 @!p1 $0x0  }
0x14: {  	s2 =	sld [smem:$0x3F8D];
	s0 =	simm.s32 @p1 $0x1  }
0x15: {  	[smem:$0x3FAA] =	sst s0;
	s0 =	simm.s32 @!p2 $0x0  }
0x16: {  	s3 =	sld [smem:$0x3FDB];
	s0 =	simm.s32 @p2 $0x1  }
0x17: {  	s4 =	simm.s32 $0x1BF5;
	[smem:$0x3FAC] =	sst s0  }
0x18: {  	s0 =	sld [smem:$0x3F8F];
	_ =	swait.ge [sflag:s4], $0x0  }
0x19: {  	s7 =	sld [smem:$0x3F90]  }
0x1a: {  	s8 =	sadd.s32 $0xFFFFE003, lr  }
0x1b: {  	s9 =	sadd.s32 $0xFFFFFEF7, lr;
	s5 =	simm.s32 $0xFFFFFFFF;
	p2 =	slt.u32 s8, $0xFFFFF086  }
0x1c: {  	p1 =	slt.u32 s9, $0xF7A;
	s5 =	simm.s32 @!p2 $0x0  }
0x1d: {  	s5 =	simm.s32 @p1 $0x1;
	p0 =	seq.s32 s7, s2  }
0x1e: {  	s7 =	smul.u32 @!p0 $0xF7A, s2;
	p2 =	seq.s32 @!p0 s5, $0x0  }
0x1f: {  	s9 =	smul.u32 $0xF7A, s1;
	s8 =	simm.s32 @!p0 $0x1BF5;
	p2 =	por !p2, p0  }
0x20: {  	[sflag:s8] =	ssyncset.s32 @!p0 $0xFFFFF086;
	s6 =	sadd.s32 @!p0 s3, s7;
	s7 =	simm.s32 @!p0 $0x108  }
0x21: {  	s3 =	sadd.s32 s3, s9;
	s6 =	sadd.s32 @!p0 $0x88, s6;
	s7 =	simm.s32 @p2 $0x1082  }
0x22: {  	[simem:s7], [sflag:s8] =	dma.local @!p0 [hbm:s6], $0xF7A  }
0x23: {  	s9 =	sor.u32 $0xD0000000, s2;
	s6 =	simm.s32 $0x108;
	_ =	swait.ge @!p0 [sflag:s8], $0x0  }
0x24: {  	s3 =	sadd.s32 $0x88, s3;
	s6 =	simm.s32 @!p1 $0x1082;
	[sflag:s4] =	ssyncset.s32 $0xFFFFF086  }
0x25: {  	[simem:s6], [sflag:s4] =	dma.local [hbm:s3], $0xF7A  }
0x26: {  	[smem:$0x3F90] =	sst s1;
	(tag) =	ssettag s2;
	_ =	strace s9  }
0x27: {  	s1 =	sld [smem:$0x3FA0]  }
0x28: {  	s2 =	sld [smem:$0x3FA1]  }
0x29: {  	s4 =	sld [smem:$0x3FA3]  }
0x2a: {  	p0 =	seq.s32 s5, $0x0;
	s5 =	sld [smem:$0x3FA4]  }
0x2b: {  	s6 =	sld [smem:$0x3FA5]  }
0x2c: {  	s7 =	sld [smem:$0x3FA6]  }
0x2d: {  	s3 =	simm.s32 $0x108;
	s8 =	sld [smem:$0x3FA7]  }
0x2e: {  	s3 =	simm.s32 @!p0 $0x1082;
	s9 =	sld [smem:$0x3FA8]  }
0x2f: {  	lr =	sadd.s32 s0, s3;
	s0 =	sld [smem:$0x3F9F]  }
0x30: {  	s3 =	sld [smem:$0x3FA2]  }
0x31: {  	[smem:$0x3FAB] =	sst s10  }
0x32: {  	s10 =	sld [smem:$0x3FA9];
	_ =	sdelay $0x3  }
0x33: {  	p0 =	seq.s32 s10, $0x1;
	s10 =	sld [smem:$0x3FAB];
	_ =	sdelay $0x3  }
0x34: {  	[smem:$0x3FAB] =	sst s10  }
0x35: {  	s10 =	sld [smem:$0x3FAA];
	_ =	sdelay $0x3  }
0x36: {  	p1 =	seq.s32 s10, $0x1;
	s10 =	sld [smem:$0x3FAB];
	_ =	sdelay $0x3  }
0x37: {  	[smem:$0x3FAB] =	sst s10  }
0x38: {  	s10 =	sld [smem:$0x3FAC]  }
0x39: {  	_ = 	snop;
	(pc) =	sbr.ind lr, $3  }
0x3a: {  	_ = 	snop  }
0x3b: {  	_ = 	snop  }
0x3c: {  	p2 =	seq.s32 s10, $0x1;
	s10 =	sld [smem:$0x3FAB]  }
0x3d: {  	_ =	shalt  }
0x3e: {  	_ =	shalt  }
0x3f: {  	_ =	shalt  }
0x40: {  	_ =	shalt  }
0x41: {  	_ =	shalt  }
0x42: {  	_ =	shalt  }
0x43: {  	_ =	shalt  }
0x44: {  	_ =	shalt  }
0x45: {  	_ =	shalt  }
0x46: {  	_ =	shalt  }
0x47: {  	_ =	shalt  }
0x48: {  	_ =	shalt  }
0x49: {  	_ =	shalt  }
0x4a: {  	_ =	shalt  }
0x4b: {  	_ =	shalt  }
0x4c: {  	_ =	shalt  }
0x4d: {  	_ =	shalt  }
0x4e: {  	_ =	shalt  }
0x4f: {  	_ =	shalt  }
0x50: {  	_ =	shalt  }
0x51: {  	_ =	shalt  }
0x52: {  	_ =	shalt  }
0x53: {  	_ =	shalt  }
0x54: {  	_ =	shalt  }
0x55: {  	_ =	shalt  }
0x56: {  	_ =	shalt  }
0x57: {  	_ =	shalt  }
0x58: {  	_ =	shalt  }
0x59: {  	_ =	shalt  }
0x5a: {  	_ =	shalt  }
0x5b: {  	_ =	shalt  }
0x5c: {  	_ =	shalt  }
0x5d: {  	_ =	shalt  }
0x5e: {  	_ =	shalt  }
0x5f: {  	_ =	shalt  }
0x60: {  	_ =	shalt  }
0x61: {  	_ =	shalt  }
0x62: {  	_ =	shalt  }
0x63: {  	_ =	shalt  }
0x64: {  	_ =	shalt  }
0x65: {  	_ =	shalt  }
0x66: {  	_ =	shalt  }
0x67: {  	_ =	shalt  }
0x68: {  	_ =	shalt  }
0x69: {  	_ =	shalt  }
0x6a: {  	_ =	shalt  }
0x6b: {  	_ =	shalt  }
0x6c: {  	_ =	shalt  }
0x6d: {  	_ =	shalt  }
0x6e: {  	_ =	shalt  }
0x6f: {  	_ =	shalt  }
0x70: {  	_ =	shalt  }
0x71: {  	_ =	shalt  }
0x72: {  	_ =	shalt  }
0x73: {  	_ =	shalt  }
0x74: {  	_ =	shalt  }
0x75: {  	_ =	shalt  }
0x76: {  	_ =	shalt  }
0x77: {  	_ =	shalt  }
0x78: {  	_ =	shalt  }
0x79: {  	_ =	shalt  }
0x7a: {  	_ =	shalt  }
0x7b: {  	_ =	shalt  }
0x7c: {  	_ =	shalt  }
0x7d: {  	_ =	shalt  }
0x7e: {  	_ =	shalt  }
0x7f: {  	_ =	shalt  }
0x80: {  	_ =	shalt  }
0x81: {  	_ =	shalt  }
0x82: {  	_ =	shalt  }
0x83: {  	_ =	shalt  }
0x84: {  	_ =	shalt  }
0x85: {  	_ =	shalt  }
0x86: {  	_ =	shalt  }
0x87: {  	_ =	shalt  }
.Lfunc_end0:
.L_simem_size_0:
called_computation.1_lowered:
.L_overlay_start_0:
0x88: {  	s2 =	sld [smem:$0x3FD9]  }
0x89: {  	s3 =	sld [smem:$0x3FFE];
	_ =	sdelay $0x1  }
0x8a: {  	s1 =	srdreg.scid  }
0x8b: {  	s0 =	sand.u32 $0x1, s1  }
0x8c: {  	s16 =	sshll.u32 s0, $0xA;
	s2 =	sadd.s32 s3, s2  }
0x8d: {  	s2 =	sadd.s32 s2, s16  }
0x8e: {  	[smem:$0x3FB7] =	sst s2  }
0x8f: {  	_ = 	snop  }
0x90: {  	(tm) =	ssettm $0x1  }
0x91: {  	s17 =	sld [smem:$0x3FFB];
	_ =	sdelay $0x3  }
0x92: {  	_ =	strace s17  }
0x93: {  	s2 =	sld [smem:$0x3FFC];
	_ =	sdelay $0x3  }
0x94: {  	_ =	strace s2  }
0x95: {  	s2 =	sld [smem:$0x3FFD];
	_ =	sdelay $0x3  }
0x96: {  	_ =	strace s2  }
0x97: {  	_ =	strace $0x8FFFFFFF  }
0x98: {  	s18 =	sld [smem:$0x3FDB];
	_ =	sdelay $0x1  }
0x99: {  	s19 =	simm.s32 $_scs_section_size  }
0x9a: {  	s4 =	simm.s32 $_size__tile_overlayer_lowered;
	s5 =	simm.s32 $_tile_overlayer_lowered  }
0x9b: {  	s22 =	simm.s32 $0x1BFF;
	s21 =	sshll.u32 s5, $0x1;
	s2 =	sadd.s32 s19, s18  }
0x9c: {  	s6 =	simm.s32 $0x0;
	s20 =	sshll.u32 s4, $0x1;
	s4 =	sadd.s32 s21, s2  }
0x9d: {  	[timem:s6], [sflag:s22] =	dma.local [hbm:s4], s20  }
0x9e: {  	_ =	swait.ge [sflag:s22], s20  }
0x9f: {  	s3 =	ssub.s32 $0x0, s20;
	[sflag:s22] =	ssyncset.done $0x0  }
0xa0: {  	[sflag:s22] =	ssyncadd.s32 s3;
	_ =	sdelay $0x1  }
0xa1: {  	s23 =	simm.s32 $0x1B8B  }
0xa2: {  	_ =	swait.ge [sflag:s23], $0x1  }
0xa3: {  	[sflag:s23] =	ssyncset.done $0x0  }
0xa4: {  	s25 =	simm.s32 $0x1B8E;
	s24 =	sld [smem:$0x3FFE];
	[sflag:s23] =	ssyncadd.s32 $0xFFFFFFFF  }
0xa5: {  	s26 =	simm.s32 $execute0_lowered;
	[smem:$0x3FD2] =	sst s25  }
0xa6: {  	s4 =	sshll.u32 s26, $0x1;
	_ =	strace $0x80000049;
	[dreg:$0x1] =	wrdreg $0xFFFFFFFF  }
0xa7: {  	s28 =	simm.s32 $_size_execute0_lowered;
	s2 =	sadd.s32 s2, s4;
	[dreg:$0x0] =	wrdreg $0x0  }
0xa8: {  	s4 =	sshll.u32 s28, $0x1;
	[dreg:$0x2] =	wrdreg s2  }
0xa9: {  	[dreg:$0x3] =	wrdreg s4  }
0xaa: {  	[dreg:$0x4] =	wrdreg $0xC0  }
0xab: {  	_ =	task [dreg:s6], $0x5FFFF  }
0xac: {  	[dreg:$0x1] =	wrdreg $0xFFFFFFFF  }
0xad: {  	[dreg:$0x0] =	wrdreg $0x60  }
0xae: {  	[dreg:$0x2] =	wrdreg s24  }
0xaf: {  	[dreg:$0x3] =	wrdreg $0xB2000  }
0xb0: {  	[dreg:$0x4] =	wrdreg $0x9  }
0xb1: {  	_ =	task.clear_ibuf [dreg:s6], $0x5FFFF;
	_ =	strace $0x90000049  }
0xb2: {  	s29 =	simm.s32 $0x9;
	_ =	strace $0x8000004B  }
0xb3: {  	_ =	swait.ge [sflag:s29], $0x1  }
0xb4: {  	[sflag:s29] =	ssyncadd.s32 $0xFFFFFFFF  }
0xb5: {  	_ =	strace $0x9000004B  }
0xb6: {  	_ =	sfence  }
0xb7: {  	s30 =	sld [smem:$0x0];
	_ =	sdelay $0x2  }
0xb8: {  	s31 =	sshll.u32 s1, $0xD;
	s1 =	sshrl.u32 s1, $0x2  }
0xb9: {  	s3 =	sand.u32 $0x4000, s31;
	s1 =	sadd.s32 s1, s30  }
0xba: {  	s0 =	sor.u32 s3, s0;
	s1 =	sshll.u32 s1, $0x11  }
0xbb: {  	s0 =	sor.u32 s1, s0  }
0xbc: {  	s0 =	sadd.s32 $0x8F2B, s0  }
0xbd: {  	[sflag:s0] =	ssyncadd.remote.s32 $0x1  }
0xbe: {  	_ =	sfence.sel $0xFFFF  }
0xbf: {  	[dreg:$0x0] =	wrdreg $0xFFFFFFFF;
	(pc) =	sbr.abs _section_cstart, $3  }
0xc0: {  	[dreg:$0x1] =	wrdreg $0xFFFFFFFF  }
0xc1: {  	_ =	task.clear_ibuf [dreg:s6], $0x2FFFF;
	_ =	strace $0x9FFFFFFF  }
0xc2: {  	(tm) =	ssettm $0x7FFFFFFF  }
0xc3: {  	_ =	shalt  }
tec
execute0_lowered:
.L_overlay_start_1:
0x0: {  	(tag) =	ssettag $0x1  }
0x1: {  	s15 =	stileid.u32  }
0x2: {  	s0 =	srdreg.scid;
	s8 =	smul.u32 $0x14000, s15  }
0x3: {  	s6 =	rddreg [dreg:$0x0];
	s30 =	simm.s32 $0x2880;
	s10 =	smul.u32 $0x2800, s15  }
0x4: {  	s28 =	simm.s32 $0x2900;
	s31 =	simm.s32 $0x8A00;
	s22 =	smul.u32 $0x50000, s15  }
0x5: {  	s29 =	simm.s32 $0x1;
	s1 =	sand.u32 $0x1, s0;
	s14 =	smul.u32 $0x2710, s15  }
0x6: {  	s2 =	sshll.u32 s1, $0x4;
	s5 =	smul.u32 $0x140000, s1;
	s11 =	ssub.s32 $0x2, s1  }
0x7: {  	s24 =	smul.u32 $0x27100, s1;
	p0 =	seq.s32 s1, $0x1;
	s3 =	sor.u32 s15, s2  }
0x8: {  	s2 =	rddreg [dreg:$0x1];
	s12 =	sadd.s32 s10, s6;
	s13 =	sshrl.u32 s11, $0x1  }
0x9: {  	p2 =	seq.s32 @!p0 s15, $0xF;
	s4 =	smul.u32 $0x2710, s3;
	s3 =	simm.s32 $0x0  }
0xa: {  	s8 =	sadd.s32 s8, s5;
	s5 =	sadd.s32 $0x3DA00, s6;
	s13 =	ssub.s32 s11, s13  }
0xb: {  	s1 =	sadd.s32 $0x12C000, s2;
	s16 =	sadd.s32 s14, s24;
	s17 =	sadd.s32 $0x15A00, s12  }
0xc: {  	p1 =	por !p2, p0;
	p2 =	por p2, p0;
	[smem:$0x7FF] =	sst s3  }
0xd: {  	s8 =	sshrl.u32 s8, $0x3;
	s10 =	sadd.s32 s5, s10;
	s20 =	smax.u32 s13, $0x1  }
0xe: {  	s7 =	sshrl.u32 s4, $0x3;
	_ =	strace $0x8000004A;
	[dreg:$0x8] =	wrdreg s10  }
0xf: {  	s4 =	sadd.s32 $0x1E00, s6;
	s8 =	sadd.s32 s8, s6;
	[dreg:$0xa] =	wrdreg s17  }
0x10: {  	[dreg:$0xd] =	wrdreg s20;
	s9 =	sadd.s32 s7, s6;
	s6 =	sadd.s32 $0x63200, s6  }
0x11: {  	s12 =	simm.s32 $0x8;
	s21 =	sadd.s32 s4, s7;
	[dreg:$0x9] =	wrdreg s6  }
0x12: {  	s18 =	sadd.s32 $0x140, s16;
	s19 =	sadd.s32 $0x64C00, s8;
	[dreg:$0x3] =	wrdreg s21  }
0x13: {  	s10 =	simm.s32 $0x4;
	s9 =	sadd.s32 $0xBC00, s9;
	[dreg:$0xc] =	wrdreg s19  }
0x14: {  	s7 =	sshrl.u32 s22, $0x2;
	s23 =	sadd.s32 $0x8, s21;
	[dreg:$0x4] =	wrdreg s9  }
0x15: {  	s22 =	sadd.s32 $0x180, s16;
	s25 =	sadd.s32 $0x10, s21;
	[dreg:$0x5] =	wrdreg s23  }
0x16: {  	s8 =	simm.s32 $0x3;
	s26 =	sadd.s32 $0x18, s21;
	[dreg:$0x6] =	wrdreg s25  }
0x17: {  	s11 =	sadd.s32 s7, s2;
	s0 =	sadd.s32 $0x4E0, s21;
	[dreg:$0x7] =	wrdreg s26  }
0x18: {  	s6 =	sshrl.u32 s18, $0x3;
	s7 =	sadd.s32 $0x1C0, s16;
	[dreg:$0xb] =	wrdreg s0  }
0x19: {  	s21 =	sadd.s32 s6, s4;
	s23 =	sadd.s32 $0x100, s16;
	s6 =	sshrl.u32 s22, $0x3  }
0x1a: {  	s25 =	sshrl.u32 s7, $0x3;
	s22 =	simm.s32 $0x9;
	s0 =	sshrl.u32 @!p1 s1, $0x3  }
.Ltmp0:
0x1b: {  	s1 =	simm.s32 $0x6A00;
	[dreg:$0xe] =	wrdreg s21;
	(pc) =	sbr.rel .LBB2_1-.Ltmp0, $4  }
0x1c: {  	s7 =	simm.s32 $0x5;
	s9 =	simm.s32 $0x7;
	[dreg:$0xf] =	wrdreg s23  }
0x1d: {  	s16 =	simm.s32 $0x0;
	s24 =	sadd.s32 s6, s4;
	[dreg:$0x12] =	wrdreg s0  }
0x1e: {  	s26 =	sadd.s32 s25, s4;
	s23 =	simm.s32 $0x2780;
	[dreg:$0x10] =	wrdreg s24  }
0x1f: {  	[dreg:$0x11] =	wrdreg s26;
	s24 =	simm.s32 $0x40;
	s26 =	simm.s32 $0x2A00  }
.LBB2_4:
0x20: {  	_ =	swait.ge [sflag:s10], $0x2000  }
0x21: {  	[sflag:s10] =	ssyncset.done $0x0  }
0x22: {  	[sflag:s10] =	ssyncadd.s32 $0xFFFFE000  }
0x23: {  	_ =	swait.ge [sflag:s12], $0x40  }
0x24: {  	[sflag:s12] =	ssyncset.done $0x0  }
0x25: {  	[sflag:s12] =	ssyncadd.s32 $0xFFFFFFC0  }
0x26: {  	[spmem:s2] =	stream.indirect.scatter.add.f32 [tilespmem:s31], [sflag:$0x9], $0x80, s28, s24, $0xb8;
	[tilespmem:$0x1F200] =	vst v63  }
0x27: {  	_ =	swait.ge [sflag:s22], $0x2000  }
0x28: {  	[sflag:s22] =	ssyncset.done $0x0  }
0x29: {  	s6 =	simm.s32 $0x2980;
	s0 =	rddreg [dreg:$0xb];
	[sflag:s22] =	ssyncadd.s32 $0xFFFFE000  }
0x2a: {  	[tilespmem:s6], [sflag:$0x9] =	stream.linear.gather [hbm4b:s0+s3], $0x10, $0x38;
	[tilespmem:$0x1F200] =	vst v63  }
0x2b: {  	_ =	swait.ge [sflag:s22], $0x10  }
0x2c: {  	s18 =	simm.s32 $0x10;
	[sflag:s22] =	ssyncset.done $0x0  }
0x2d: {  	s13 =	simm.s32 $0x2700;
	s14 =	simm.s32 $0xAA00;
	[sflag:s22] =	ssyncadd.s32 $0xFFFFFFF0  }
0x2e: {  	[tilespmem:s14], [sflag:$0x1] =	stream.indirect.gather [hbm4b:s5+s18], $0x80, s13, s18, $0xb8;
	[tilespmem:$0x1F200] =	vst v63  }
0x2f: {  	_ =	swait.ge [sflag:s29], $0x800  }
0x30: {  	[sflag:s29] =	ssyncset.done $0x0  }
0x31: {  	[sflag:s29] =	ssyncadd.s32 $0xFFFFF800  }
0x32: {  	[spmem:s2] =	stream.indirect.scatter.add.f32 [tilespmem:s14], [sflag:$0x9], $0x80, s6, s18, $0xb8;
	[tilespmem:$0x1F200] =	vst v63  }
0x33: {  	_ =	swait.ge [sflag:s22], $0x800  }
0x34: {  	[sflag:s22] =	ssyncset.done $0x0  }
0x35: {  	s15 =	stileid.u32;
	[sflag:s22] =	ssyncadd.s32 $0xFFFFF800  }
0x36: {  	s19 =	sshll.u32 s15, $0x6;
	[bflag:$0x0] =	sbarrier.arrive $0xFFFF  }
0x37: {  	s20 =	sshrl.u32 s11, $0x3;
	s0 =	sor.u32 $0x1C09, s19;
	s21 =	rddreg [dreg:$0xc]  }
0x38: {  	[hbm:s21], [sflag:s0] =	dma.local [spmem:s20], $0x2800  }
0x39: {  	_ =	swait.ge [sflag:s22], $0x2800  }
0x3a: {  	s16 =	sadd.s32 $0x1, s16;
	s25 =	rddreg [dreg:$0xd]  }
0x3b: {  	p3 =	sne.s32 s16, s25  }
.Ltmp1:
0x3c: {  	_ = 	snop;
	(pc) =	sbr.rel @!p3 .LBB2_5-.Ltmp1, $3  }
0x3d: {  	_ =	sdelay $0x1  }
0x3e: {  	[sflag:s22] =	ssyncset.done $0x0  }
0x3f: {  	[sflag:s22] =	ssyncadd.s32 $0xFFFFD800  }
.LBB2_1:
0x40: {  	s0 =	rddreg [dreg:$0x4]  }
0x41: {  	[tilespmem:s3], [sflag:$0x9] =	stream.linear.gather [hbm4b:s0+s3], $0x2710, $0x38;
	[tilespmem:$0x1F200] =	vst v63  }
0x42: {  	_ =	swait.ge [sflag:s22], $0x2710  }
0x43: {  	[sflag:s22] =	ssyncset.done $0x0  }
0x44: {  	s14 =	rddreg [dreg:$0x3];
	[sflag:s22] =	ssyncadd.s32 $0xFFFFD8F0  }
0x45: {  	[tilespmem:s23], [sflag:$0x5] =	stream.linear.gather [hbm4b:s14+s3], $0x40, $0x38;
	[tilespmem:$0x1F200] =	vst v63  }
0x46: {  	_ = 	snop  }
0x47: {  	[tilespmem:s26], [sflag:$0x1] =	stream.indirect.gather [hbm4b:s5+s24], $0x80, s3, s24, $0xb8;
	[tilespmem:$0x1F200] =	vst v63  }
0x48: {  	s6 =	simm.s32 $0x2800;
	s17 =	rddreg [dreg:$0x5]  }
0x49: {  	[tilespmem:s6], [sflag:$0x6] =	stream.linear.gather [hbm4b:s17+s3], $0x40, $0x38;
	[tilespmem:$0x1F200] =	vst v63  }
0x4a: {  	s18 =	simm.s32 $0x4A00  }
0x4b: {  	[tilespmem:s18], [sflag:$0x2] =	stream.indirect.gather [hbm4b:s5+s24], $0x80, s24, s24, $0xb8;
	[tilespmem:$0x1F200] =	vst v63  }
0x4c: {  	s19 =	rddreg [dreg:$0x6]  }
0x4d: {  	[tilespmem:s30], [sflag:$0x7] =	stream.linear.gather [hbm4b:s19+s3], $0x40, $0x38;
	[tilespmem:$0x1F200] =	vst v63  }
0x4e: {  	s20 =	simm.s32 $0x80  }
0x4f: {  	[tilespmem:s1], [sflag:$0x3] =	stream.indirect.gather [hbm4b:s5+s24], $0x80, s20, s24, $0xb8;
	[tilespmem:$0x1F200] =	vst v63  }
0x50: {  	s25 =	simm.s32 $0xC0;
	s21 =	rddreg [dreg:$0x7];
	s6 =	sshll.u32 @p0 s15, $0x6  }
0x51: {  	[tilespmem:s28], [sflag:$0x8] =	stream.linear.gather [hbm4b:s21+s3], $0x40, $0x38;
	[tilespmem:$0x1F200] =	vst v63  }
0x52: {  	s0 =	rddreg [dreg:$0xa];
	s6 =	sor.u32 @p0 $0x1C09, s6;
	s18 =	sshrl.u32 @p0 s11, $0x3  }
0x53: {  	[tilespmem:s31], [sflag:$0x4] =	stream.indirect.gather [hbm4b:s5+s24], $0x80, s25, s24, $0xb8;
	[tilespmem:$0x1F200] =	vst v63  }
0x54: {  	[spmem:s18], [sflag:s6] =	dma.local @p0 [hbm:s0], $0x2800  }
0x55: {  	s6 =	simm.s32 @p0 $0x9  }
0x56: {  	_ =	swait.ge @p0 [sflag:s6], $0x2800  }
0x57: {  	[sflag:s6] =	ssyncset.done @p0 $0x0;
	s0 =	rddreg [dreg:$0x9]  }
0x58: {  	s13 =	rddreg [dreg:$0x12];
	[sflag:s6] =	ssyncadd.s32 @p0 $0xFFFFD800;
	s6 =	simm.s32 @!p1 $0x1FC9  }
0x59: {  	[spmem:s13], [sflag:s6] =	dma.local @!p1 [hbm:s0], $0x1900  }
0x5a: {  	s6 =	simm.s32 @!p1 $0x9  }
0x5b: {  	_ =	swait.ge @!p1 [sflag:s6], $0x1900  }
0x5c: {  	s18 =	sshll.u32 @!p2 s15, $0x6;
	[sflag:s6] =	ssyncset.done @!p1 $0x0;
	s0 =	rddreg [dreg:$0x8]  }
0x5d: {  	[sflag:s6] =	ssyncadd.s32 @!p1 $0xFFFFE700;
	s6 =	sor.u32 @!p2 $0x1C09, s18;
	s18 =	sshrl.u32 @!p2 s11, $0x3  }
0x5e: {  	[spmem:s18], [sflag:s6] =	dma.local @!p2 [hbm:s0], $0x2800  }
0x5f: {  	s6 =	simm.s32 @!p2 $0x9  }
0x60: {  	_ =	swait.ge @!p2 [sflag:s6], $0x2800  }
0x61: {  	[sflag:s6] =	ssyncset.done @!p2 $0x0  }
0x62: {  	[sflag:s6] =	ssyncadd.s32 @!p2 $0xFFFFD800  }
0x63: {  	[bflag:$0x0] =	sbarrier.arrive $0xFFFF  }
0x64: {  	s21 =	rddreg [dreg:$0x11]  }
0x65: {  	s20 =	rddreg [dreg:$0x10]  }
0x66: {  	s19 =	rddreg [dreg:$0xf]  }
0x67: {  	s18 =	simm.s32 $0x0;
	s6 =	rddreg [dreg:$0xe]  }
.LBB2_2:
0x68: {  	_ =	swait.ge [sflag:s29], $0x2000  }
0x69: {  	[sflag:s29] =	ssyncset.done $0x0  }
0x6a: {  	[sflag:s29] =	ssyncadd.s32 $0xFFFFE000  }
0x6b: {  	_ =	swait.ge [sflag:s7], $0x40  }
0x6c: {  	[sflag:s7] =	ssyncset.done $0x0  }
0x6d: {  	[sflag:s7] =	ssyncadd.s32 $0xFFFFFFC0  }
0x6e: {  	[spmem:s2] =	stream.indirect.scatter.add.f32 [tilespmem:s26], [sflag:$0x9], $0x80, s23, s24, $0xb8;
	[tilespmem:$0x1F200] =	vst v63  }
0x6f: {  	_ =	swait.ge [sflag:s22], $0x2000  }
0x70: {  	p3 =	seq.s32 s18, $0x9800;
	[sflag:s22] =	ssyncset.done $0x0  }
0x71: {  	s17 =	simm.s32 @p3 $0x2;
	[sflag:s22] =	ssyncadd.s32 $0xFFFFE000  }
0x72: {  	_ =	swait.ge @p3 [sflag:s17], $0x2000  }
0x73: {  	[sflag:s17] =	ssyncset.done @p3 $0x0  }
0x74: {  	[sflag:s17] =	ssyncadd.s32 @p3 $0xFFFFE000;
	s17 =	simm.s32 @p3 $0x6  }
0x75: {  	_ =	swait.ge @p3 [sflag:s17], $0x40  }
0x76: {  	s25 =	simm.s32 @p3 $0x2800;
	[sflag:s17] =	ssyncset.done @p3 $0x0  }
0x77: {  	s13 =	simm.s32 @p3 $0x4A00;
	[sflag:s17] =	ssyncadd.s32 @p3 $0xFFFFFFC0;
	s17 =	simm.s32 @p3 $0x40  }
0x78: {  	[spmem:s2] =	stream.indirect.scatter.add.f32 @p3 [tilespmem:s13], [sflag:$0x9], $0x80, s25, s17, $0xb8;
	[tilespmem:$0x1F200] =	vst v63  }
0x79: {  	s13 =	simm.s32 @p3 $0x9  }
0x7a: {  	_ =	swait.ge @p3 [sflag:s13], $0x2000  }
0x7b: {  	[sflag:s13] =	ssyncset.done @p3 $0x0  }
0x7c: {  	[sflag:s13] =	ssyncadd.s32 @p3 $0xFFFFE000;
	s13 =	sshrl.u32 @!p3 s19, $0x3  }
0x7d: {  	s17 =	simm.s32 @!p3 $0x0;
	s25 =	simm.s32 @!p3 $0x2780;
	s13 =	sadd.s32 @!p3 s4, s13  }
0x7e: {  	[tilespmem:s25], [sflag:$0x5] =	stream.linear.gather @!p3 [hbm4b:s13+s17], $0x40, $0x38;
	[tilespmem:$0x1F200] =	vst v63  }
0x7f: {  	s13 =	sshra.s32 @!p3 s18, $0x2  }
0x80: {  	s14 =	simm.s32 @!p3 $0x40;
	s15 =	simm.s32 @!p3 $0x2A00;
	s25 =	sadd.s32 @!p3 $0x100, s13  }
0x81: {  	[tilespmem:s15], [sflag:$0x1] =	stream.indirect.gather @!p3 [hbm4b:s5+s14], $0x80, s25, s14, $0xb8;
	[tilespmem:$0x1F200] =	vst v63  }
0x82: {  	s15 =	simm.s32 @!p3 $0x2  }
0x83: {  	_ =	swait.ge @!p3 [sflag:s15], $0x2000  }
0x84: {  	[sflag:s15] =	ssyncset.done @!p3 $0x0  }
0x85: {  	[sflag:s15] =	ssyncadd.s32 @!p3 $0xFFFFE000;
	s15 =	simm.s32 @!p3 $0x6  }
0x86: {  	_ =	swait.ge @!p3 [sflag:s15], $0x40  }
0x87: {  	s0 =	simm.s32 @!p3 $0x9;
	[sflag:s15] =	ssyncset.done @!p3 $0x0  }
0x88: {  	s25 =	simm.s32 @!p3 $0x4A00;
	[sflag:s15] =	ssyncadd.s32 @!p3 $0xFFFFFFC0;
	s15 =	simm.s32 @!p3 $0x2800  }
0x89: {  	[spmem:s2] =	stream.indirect.scatter.add.f32 @!p3 [tilespmem:s25], [sflag:$0x9], $0x80, s15, s14, $0xb8;
	[tilespmem:$0x1F200] =	vst v63  }
0x8a: {  	_ =	swait.ge @!p3 [sflag:s0], $0x2000  }
0x8b: {  	[sflag:s0] =	ssyncset.done @!p3 $0x0  }
0x8c: {  	[sflag:s0] =	ssyncadd.s32 @!p3 $0xFFFFE000  }
0x8d: {  	[tilespmem:s15], [sflag:$0x6] =	stream.linear.gather @!p3 [hbm4b:s6+s17], $0x40, $0x38;
	[tilespmem:$0x1F200] =	vst v63  }
0x8e: {  	s0 =	sadd.s32 @!p3 $0x140, s13  }
0x8f: {  	[tilespmem:s25], [sflag:$0x2] =	stream.indirect.gather @!p3 [hbm4b:s5+s14], $0x80, s0, s14, $0xb8;
	[tilespmem:$0x1F200] =	vst v63  }
0x90: {  	_ =	swait.ge [sflag:s8], $0x2000  }
0x91: {  	[sflag:s8] =	ssyncset.done $0x0  }
0x92: {  	[sflag:s8] =	ssyncadd.s32 $0xFFFFE000  }
0x93: {  	_ =	swait.ge [sflag:s9], $0x40  }
0x94: {  	[sflag:s9] =	ssyncset.done $0x0  }
.Ltmp2:
0x95: {  	[sflag:s9] =	ssyncadd.s32 $0xFFFFFFC0;
	(pc) =	sbr.rel @p3 .LBB2_4-.Ltmp2, $4  }
0x96: {  	[spmem:s2] =	stream.indirect.scatter.add.f32 [tilespmem:s1], [sflag:$0x9], $0x80, s30, s24, $0xb8;
	[tilespmem:$0x1F200] =	vst v63  }
0x97: {  	_ =	swait.ge [sflag:s22], $0x2000  }
0x98: {  	[sflag:s22] =	ssyncset.done $0x0  }
0x99: {  	[sflag:s22] =	ssyncadd.s32 $0xFFFFE000  }
0x9a: {  	[tilespmem:s30], [sflag:$0x7] =	stream.linear.gather [hbm4b:s20+s3], $0x40, $0x38;
	[tilespmem:$0x1F200] =	vst v63  }
0x9b: {  	s0 =	sshra.s32 s18, $0x2  }
0x9c: {  	s13 =	sadd.s32 $0x180, s0  }
0x9d: {  	[tilespmem:s1], [sflag:$0x3] =	stream.indirect.gather [hbm4b:s5+s24], $0x80, s13, s24, $0xb8;
	[tilespmem:$0x1F200] =	vst v63  }
0x9e: {  	_ =	swait.ge [sflag:s10], $0x2000  }
0x9f: {  	[sflag:s10] =	ssyncset.done $0x0  }
0xa0: {  	[sflag:s10] =	ssyncadd.s32 $0xFFFFE000  }
0xa1: {  	_ =	swait.ge [sflag:s12], $0x40  }
0xa2: {  	[sflag:s12] =	ssyncset.done $0x0  }
0xa3: {  	[sflag:s12] =	ssyncadd.s32 $0xFFFFFFC0  }
0xa4: {  	[spmem:s2] =	stream.indirect.scatter.add.f32 [tilespmem:s31], [sflag:$0x9], $0x80, s28, s24, $0xb8;
	[tilespmem:$0x1F200] =	vst v63  }
0xa5: {  	_ =	swait.ge [sflag:s22], $0x2000  }
.Ltmp3:
0xa6: {  	s18 =	sadd.s32 $0x400, s18;
	[sflag:s22] =	ssyncset.done $0x0;
	(pc) =	sbr.rel .LBB2_2-.Ltmp3, $4  }
0xa7: {  	s6 =	sadd.s32 $0x20, s6;
	s19 =	sadd.s32 $0x100, s19;
	[sflag:s22] =	ssyncadd.s32 $0xFFFFE000  }
0xa8: {  	[tilespmem:s28], [sflag:$0x8] =	stream.linear.gather [hbm4b:s21+s3], $0x40, $0x38;
	[tilespmem:$0x1F200] =	vst v63  }
0xa9: {  	s20 =	sadd.s32 $0x20, s20;
	s0 =	sadd.s32 $0x1C0, s0;
	s21 =	sadd.s32 $0x20, s21  }
0xaa: {  	[tilespmem:s31], [sflag:$0x4] =	stream.indirect.gather [hbm4b:s5+s24], $0x80, s0, s24, $0xb8;
	[tilespmem:$0x1F200] =	vst v63  }
.LBB2_5:
0xab: {  	_ =	sfence.sel $0x180000  }
0xac: {  	[bflag:$0x0] =	sbarrier.arrive $0xFFFF  }
0xad: {  	_ =	strace $0x9000004A  }
0xae: {  	[bflag:$0x2] =	sbarrier.arrive $0xFFFF  }
0xaf: {  	p0 =	sne.s32 s15, $0x0;
	s0 =	rddreg [dreg:$0x2]  }
0xb0: {  	s0 =	sadd.s32 @!p0 $0x100000, s0  }
0xb1: {  	[sflag:s0] =	ssyncadd.tile.s32 @!p0 $0x1;
	_ =	shalt  }
.Lfunc_end2:
_tile_overlayer_lowered:
.L_overlay_start_2:
0xb2: {  	(tag) =	ssettag $0x2  }
0xb3: {  	s0 =	rddreg [dreg:$0x0];
	s2 =	stileid.u32  }
0xb4: {  	s1 =	rddreg [dreg:$0x1];
	p0 =	sne.s32 s2, $0x0  }
0xb5: {  	s3 =	rddreg [dreg:$0x2];
	[bflag:$0x3] =	sbarrier.arrive $0xFFFF;
	s2 =	simm.s32 @!p0 $0x1C09  }
0xb6: {  	[timem:s3], [sflag:s2] =	dma.local @!p0 [hbm:s0], s1  }
0xb7: {  	s0 =	simm.s32 @!p0 $0x9  }
0xb8: {  	_ =	swait.ge @!p0 [sflag:s0], s1  }
0xb9: {  	s1 =	ssub.s32 @!p0 $0x0, s1;
	[sflag:s0] =	ssyncset.done @!p0 $0x0  }
0xba: {  	[sflag:s0] =	ssyncadd.s32 @!p0 s1  }
0xbb: {  	[bflag:$0x3] =	sbarrier.arrive $0xFFFF  }
0xbc: {  	_ =	shalt  }

</sc_bundles>
